<compile_context>
chip_gen: v7x
topology: tpu7x:2x2x1
jax: 0.10.2.dev20260603
libtpu: 0.0.44.dev20260713+nightly
codegen_flags: <defaults>
</compile_context>

<pallas_src>
import math
import functools

import jax
import jax.numpy as jnp
from jax import lax
from jax.experimental import pallas as pl
from jax.experimental.pallas import tpu as pltpu
from jax.experimental.pallas import tpu_sc as plsc

D = 768
H = 12
HD = 64
Q = 256
K = 4096
KTU = max(32, min(int(math.ceil(0.1 * K)), K))
SCALE = HD ** -0.5

_ONE_BITS = 0x3F800000


def _seg_matrix():
    lane = jax.lax.broadcasted_iota(jnp.int32, (D, H), 0)
    head = jax.lax.broadcasted_iota(jnp.int32, (D, H), 1)
    return (lane // HD == head).astype(jnp.float32)


def _ln_norm_proj(x, g, b, W, bias):
    m = jnp.mean(x, axis=-1, keepdims=True)
    v = jnp.mean((x - m) ** 2, axis=-1, keepdims=True)
    xn = (x - m) * jax.lax.rsqrt(v + 1e-5) * g + b
    return jnp.dot(xn, W, preferred_element_type=jnp.float32) + bias


def _headwise_l2norm(x, seg):
    ssum = jnp.dot(x * x, seg, preferred_element_type=jnp.float32)
    nrm = jnp.maximum(jnp.sqrt(ssum), 1e-12)
    inv_full = jnp.dot(1.0 / nrm, seg.T, preferred_element_type=jnp.float32)
    return x * inv_full


def _stage_aq_kernel(query_ref, qpos_ref,
                     q_ln_g_ref, q_ln_b_ref, q_W_ref, q_b_ref,
                     q4n_ref, qp_ref):
    seg = _seg_matrix()
    q = query_ref[...] + qpos_ref[...]
    qp = _ln_norm_proj(q, q_ln_g_ref[...], q_ln_b_ref[...],
                       q_W_ref[...], q_b_ref[...])
    qp_ref[...] = qp
    q4n_ref[...] = _headwise_l2norm(qp, seg)


def _stage_ak_kernel(key_ref, kpos_ref,
                     k_ln_g_ref, k_ln_b_ref, k_W_ref, k_b_ref,
                     k4n_ref, v_ref):
    seg = _seg_matrix()
    kk = key_ref[...] + kpos_ref[...]
    v_ref[...] = kk
    kp = _ln_norm_proj(kk, k_ln_g_ref[...], k_ln_b_ref[...],
                       k_W_ref[...], k_b_ref[...])
    k4n_ref[...] = _headwise_l2norm(kp, seg)


def _encode(x):
    i = jax.lax.bitcast_convert_type(x, jnp.int32)
    return i ^ jax.lax.shift_right_logical(
        jax.lax.shift_right_arithmetic(i, 31), 1)


N_ITERS = 24


def _attend(q, k, v):
    sim = jax.lax.dot_general(q, k, (((1,), (1,)), ((), ())),
                              preferred_element_type=jnp.float32)
    enc = _encode(sim)

    def body(_, carry):
        lo, hi = carry
        mid = lo + jax.lax.shift_right_arithmetic(hi - lo, 1)
        cnt = jnp.sum((enc >= mid).astype(jnp.int32), axis=-1, keepdims=True)
        ge = cnt >= KTU
        return jnp.where(ge, mid, lo), jnp.where(ge, hi, mid)

    lo0 = jnp.full((Q, 1), -(_ONE_BITS + 1), jnp.int32)
    hi0 = jnp.full((Q, 1), _ONE_BITS + 1, jnp.int32)
    lo, _ = jax.lax.fori_loop(0, N_ITERS, body, (lo0, hi0))

    p = jnp.where(enc >= lo, jnp.exp(sim * SCALE), 0.0)
    attn = p / jnp.sum(p, axis=-1, keepdims=True)
    return jnp.dot(attn, v, preferred_element_type=jnp.float32)


def _stage_b_kernel(q_ref, k_ref, v_ref, out_ref):
    for h in range(2):
        sl = slice(h * HD, (h + 1) * HD)
        out_ref[:, sl] = _attend(q_ref[:, sl], k_ref[:, sl], v_ref[:, sl])



_R = _ONE_BITS + 1
NC = 2
NS = 16
NW = NC * NS
ROWS = H * Q
RPW = ROWS // NW


def _decode(e):
    mask = jax.lax.shift_right_logical(
        jax.lax.shift_right_arithmetic(e, 31), 1)
    return jax.lax.bitcast_convert_type(e ^ mask, jnp.float32)


def _stage_b1_kernel(q_ref, k_ref, out_ref):
    for h in range(2):
        sl = slice(h * HD, (h + 1) * HD)
        sim = jax.lax.dot_general(q_ref[:, sl], k_ref[:, sl],
                                  (((1,), (1,)), ((), ())),
                                  preferred_element_type=jnp.float32)
        out_ref[h * Q:(h + 1) * Q, :] = _encode(sim)


def _scan_top(hist, need, iota):
    def chunk(i, carry):
        total, found, bsel, above = carry
        c = 15 - i
        hv = hist[pl.ds(c * 16, 16)]
        rv = lax.rev(hv, (0,))
        sfx = plsc.cumsum(rv) + total
        hit = sfx >= need
        cand = jnp.where(hit, 15 - iota, -1)
        bmax = jnp.max(cand)
        anyhit = bmax >= 0
        b_here = c * 16 + bmax
        sel = jnp.where(iota == (15 - bmax), sfx - rv, 0)
        above_here = jnp.sum(sel)
        take = jnp.logical_and(found == 0, anyhit)
        bsel = jnp.where(take, b_here, bsel)
        above = jnp.where(take, above_here, above)
        found = jnp.where(anyhit, jnp.int32(1), found)
        total = total + jnp.sum(hv)
        return total, found, bsel, above

    init = (jnp.int32(0), jnp.int32(0), jnp.int32(0), jnp.int32(0))
    _, _, bsel, above = lax.fori_loop(0, 16, chunk, init)
    return bsel, above


_UNROLL = 8


def _sc_select_kernel(enc_hbm, out_hbm, rowbuf0, rowbuf1, h1, h2, res,
                      sem0, sem1):
    wid = lax.axis_index("s") * NC + lax.axis_index("c")
    base = wid * RPW
    ones = jnp.ones((16,), jnp.int32)
    iota = lax.iota(jnp.int32, 16)
    sems = (sem0, sem1)
    bufs = (rowbuf0, rowbuf1)

    def _copy(row, b, sem):
        return pltpu.make_async_copy(enc_hbm.at[row], bufs[b], sem)

    def _process(b, r, vec):
        buf = bufs[b]
        for i in range(16):
            h1[pl.ds(i * 16, 16)] = jnp.zeros((16,), jnp.int32)
            h2[pl.ds(i * 16, 16)] = jnp.zeros((16,), jnp.int32)

        def s1(i, _):
            for u in range(_UNROLL):
                v = buf[pl.ds((i * _UNROLL + u) * 16, 16)]
                bk = jax.lax.shift_right_arithmetic(v + _R, 23)
                plsc.addupdate_scatter(h1, [bk], ones)
            return 0
        lax.fori_loop(0, K // 16 // _UNROLL, s1, 0)

        b1, above1 = _scan_top(h1, jnp.int32(KTU), iota)

        def s2(i, _):
            for u in range(_UNROLL):
                v = buf[pl.ds((i * _UNROLL + u) * 16, 16)]
                uu = v + _R
                m = jax.lax.shift_right_arithmetic(uu, 23) == b1
                bk = jax.lax.shift_right_arithmetic(uu, 15) & 0xFF
                plsc.addupdate_scatter(h2, [bk], ones, mask=m)
            return 0
        lax.fori_loop(0, K // 16 // _UNROLL, s2, 0)

        b2, _ = _scan_top(h2, jnp.int32(KTU) - above1, iota)
        t = jax.lax.shift_left(jax.lax.shift_left(b1, 8) | b2, 15) - _R
        return jnp.where(iota == (r % 16), t, vec)

    _copy(base, 0, sems[0]).start()

    def outer(i, vec):
        for b in range(2):
            r = i * 2 + b
            row = base + r
            _copy(row, b, sems[b]).wait()
            nxt = jnp.minimum(row + 2, ROWS - 1)
            nb = 1 - b
            if b == 0:
                _copy(base + r + 1, nb, sems[nb]).start()
            else:
                _copy(nxt, nb, sems[nb]).start()
            vec = _process(b, r, vec)

            @pl.when(r % 16 == 15)
            def _():
                res[pl.ds((r // 16) * 16, 16)] = vec
        return vec

    lax.fori_loop(0, RPW // 2, outer, jnp.zeros((16,), jnp.int32))
    _copy(base, 0, sems[0]).wait()
    pltpu.sync_copy(res, out_hbm.at[pl.ds(base, RPW)])


def _sc_select(enc_all):
    fn = pl.kernel(
        _sc_select_kernel,
        out_type=jax.ShapeDtypeStruct((ROWS,), jnp.int32),
        mesh=plsc.VectorSubcoreMesh(core_axis_name="c", subcore_axis_name="s"),
        compiler_params=pltpu.CompilerParams(needs_layout_passes=False),
        scratch_types=[
            pltpu.VMEM((K,), jnp.int32),
            pltpu.VMEM((K,), jnp.int32),
            pltpu.VMEM((256,), jnp.int32),
            pltpu.VMEM((256,), jnp.int32),
            pltpu.VMEM((RPW,), jnp.int32),
            pltpu.SemaphoreType.DMA,
            pltpu.SemaphoreType.DMA,
        ],
    )
    return fn(enc_all)


def _stage_b2_kernel(enc_ref, t_ref, v_ref, out_ref):
    t = t_ref[...]
    for h in range(2):
        enc = enc_ref[h * Q:(h + 1) * Q, :]
        sim = _decode(enc)
        p = jnp.where(enc >= t[h * Q:(h + 1) * Q], jnp.exp(sim * SCALE), 0.0)
        attn = p / jnp.sum(p, axis=-1, keepdims=True)
        sl = slice(h * HD, (h + 1) * HD)
        out_ref[:, sl] = jnp.dot(attn, v_ref[:, sl],
                                 preferred_element_type=jnp.float32)


def _stage_c_kernel(merge_ref, qp_ref, residual_ref,
                    p_W_ref, p_b_ref, f_W_ref, f_b_ref, alpha_ref, out_ref):
    merge = merge_ref[...]
    inter = jnp.dot(merge * qp_ref[...], p_W_ref[...],
                    preferred_element_type=jnp.float32) + p_b_ref[...]
    n2 = jnp.sum(inter * inter, axis=0, keepdims=True)
    nrm = jnp.maximum(jnp.sqrt(n2), 1e-12)
    out = inter / nrm * alpha_ref[...] + merge
    out = jnp.dot(out, f_W_ref[...],
                  preferred_element_type=jnp.float32) + f_b_ref[...]
    out_ref[...] = residual_ref[...] + out


def kernel(query, key_t, query_pos, key_pos, q_ln_g, q_ln_b, q_W, q_b,
           k_ln_g, k_ln_b, k_W, k_b, p_W, p_b, f_W, f_b, alpha):
    q2 = query[:, 0, :]
    qp2 = query_pos[:, 0, :]
    k2 = key_t[:, 0, :]
    kp2 = key_pos[:, 0, :]

    q4n, qp = pl.pallas_call(
        _stage_aq_kernel,
        out_shape=[
            jax.ShapeDtypeStruct((Q, D), jnp.float32),
            jax.ShapeDtypeStruct((Q, D), jnp.float32),
        ],
    )(q2, qp2, q_ln_g, q_ln_b, q_W, q_b)

    KB = 1024
    k4n, v = pl.pallas_call(
        _stage_ak_kernel,
        grid=(K // KB,),
        in_specs=[
            pl.BlockSpec((KB, D), lambda i: (i, 0)),
            pl.BlockSpec((KB, D), lambda i: (i, 0)),
            pl.BlockSpec((D,), lambda i: (0,)),
            pl.BlockSpec((D,), lambda i: (0,)),
            pl.BlockSpec((D, D), lambda i: (0, 0)),
            pl.BlockSpec((D,), lambda i: (0,)),
        ],
        out_specs=[
            pl.BlockSpec((KB, D), lambda i: (i, 0)),
            pl.BlockSpec((KB, D), lambda i: (i, 0)),
        ],
        out_shape=[
            jax.ShapeDtypeStruct((K, D), jnp.float32),
            jax.ShapeDtypeStruct((K, D), jnp.float32),
        ],
    )(k2, kp2, k_ln_g, k_ln_b, k_W, k_b)

    enc_all = pl.pallas_call(
        _stage_b1_kernel,
        grid=(H // 2,),
        in_specs=[
            pl.BlockSpec((Q, 2 * HD), lambda h: (0, h)),
            pl.BlockSpec((K, 2 * HD), lambda h: (0, h)),
        ],
        out_specs=pl.BlockSpec((2 * Q, K), lambda h: (h, 0)),
        out_shape=jax.ShapeDtypeStruct((ROWS, K), jnp.int32),
    )(q4n, k4n)

    thresh = _sc_select(enc_all).reshape(ROWS, 1)

    merge = pl.pallas_call(
        _stage_b2_kernel,
        grid=(H // 2,),
        in_specs=[
            pl.BlockSpec((2 * Q, K), lambda h: (h, 0)),
            pl.BlockSpec((2 * Q, 1), lambda h: (h, 0)),
            pl.BlockSpec((K, 2 * HD), lambda h: (0, h)),
        ],
        out_specs=pl.BlockSpec((Q, 2 * HD), lambda h: (0, h)),
        out_shape=jax.ShapeDtypeStruct((Q, D), jnp.float32),
    )(enc_all, thresh, v)

    out = pl.pallas_call(
        _stage_c_kernel,
        out_shape=jax.ShapeDtypeStruct((Q, D), jnp.float32),
    )(merge, qp, q2, p_W, p_b, f_W, f_b, alpha[0])

    return out[:, None, :]

# --- scband reference (transcript-rebuilt; emitter-appended) ---
"""Pipeline reference for scband-spot-ca-0-31172872634543 (READ-ONLY COPY).

The authoritative reference and input builder live on the scoring server;
editing this copy changes nothing except your own understanding.
"""

import jax, jax.numpy as jnp
import numpy as np
import math

D = 768
H = 12
HD = D // H
Q = 256
B = 1
K = 4096
PR = 0.1
MINK = 32


def _xavier(k, shape):
    bound = math.sqrt(6.0 / (shape[0] + shape[1]))
    return jax.random.uniform(k, shape, jnp.float32, -bound, bound)


def _ln(x, g, b):
    m = x.mean(-1, keepdims=True)
    v = ((x - m) ** 2).mean(-1, keepdims=True)
    return (x - m) / jnp.sqrt(v + 1e-5) * g + b


def _normalize(x, axis):
    n = jnp.linalg.norm(x, axis=axis, keepdims=True)
    return x / jnp.maximum(n, 1e-12)


def setup_inputs(seed: int = 0):
    key = jax.random.key(seed)
    ks = jax.random.split(key, 8)
    return {
        "query": jax.random.normal(ks[0], (Q, B, D), jnp.float32),
        "key_t": jax.random.normal(ks[1], (K, B, D), jnp.float32),
        "query_pos": jax.random.normal(ks[2], (Q, B, D), jnp.float32),
        "key_pos": jax.random.normal(ks[3], (K, B, D), jnp.float32),
        "q_ln_g": jnp.ones((D,), jnp.float32),
        "q_ln_b": jnp.zeros((D,), jnp.float32),
        "q_W": _xavier(ks[4], (D, D)),
        "q_b": jnp.zeros((D,), jnp.float32),
        "k_ln_g": jnp.ones((D,), jnp.float32),
        "k_ln_b": jnp.zeros((D,), jnp.float32),
        "k_W": _xavier(ks[5], (D, D)),
        "k_b": jnp.zeros((D,), jnp.float32),
        "p_W": _xavier(ks[6], (D, D)),
        "p_b": jnp.zeros((D,), jnp.float32),
        "f_W": _xavier(ks[7], (D, D)),
        "f_b": jnp.zeros((D,), jnp.float32),
        "alpha": jnp.full((1, 1, D), 0.1, jnp.float32),
    }


def reference(query, key_t, query_pos, key_pos, q_ln_g, q_ln_b, q_W, q_b,
              k_ln_g, k_ln_b, k_W, k_b, p_W, p_b, f_W, f_b, alpha):
    residual = query
    q = query + query_pos
    k = key_t + key_pos
    value_with_pos = k
    q_proj = _ln(q, q_ln_g, q_ln_b) @ q_W + q_b
    k_proj = _ln(k, k_ln_g, k_ln_b) @ k_W + k_b
    q_bqc = jnp.transpose(q_proj, (1, 0, 2))
    k_bkc = jnp.transpose(k_proj, (1, 0, 2))
    v_bkc = jnp.transpose(value_with_pos, (1, 0, 2))
    q4 = _normalize(q_bqc.reshape(B, Q, H, HD), -1)
    k4 = _normalize(k_bkc.reshape(B, K, H, HD), -1)
    sim = jnp.einsum('bqhd,bkhd->bhqk', q4, k4)
    dynamic_k = int(math.ceil(PR * K))
    k_to_use = max(MINK, min(dynamic_k, K))
    top_k_sim, top_k_idx = jax.lax.top_k(sim, k_to_use)
    attn = jax.nn.softmax(top_k_sim * (HD ** -0.5), axis=-1)
    v_bhkd = jnp.transpose(v_bkc.reshape(B, K, H, HD), (0, 2, 1, 3))
    gathered = jnp.take_along_axis(v_bhkd[:, :, None, :, :], top_k_idx[..., None], axis=3)
    selected = (attn[..., None] * gathered).sum(axis=3)
    merge = jnp.transpose(selected, (0, 2, 1, 3)).reshape(B, Q, D)
    interaction = (merge * q_bqc) @ p_W + p_b
    out = _normalize(interaction, 1) * alpha + merge
    out = out @ f_W + f_b
    out_qbc = jnp.transpose(out, (1, 0, 2))
    return residual + out_qbc

if __name__ == "__main__":
    import jax
    _d = setup_inputs()
    print(jax.jit(kernel)(*tuple(_d.values())))

</pallas_src>

<mosaic_0001>
#map = affine_map<(d0, d1) -> (0, 0)>
#map1 = affine_map<(d0, d1) -> (0)>
module attributes {stable_mosaic.version = 14 : i64} {
  func.func @_sc_select_kernel(%arg0: i32, %arg1: i32, %arg2: memref<3072x4096xi32, #tpu.memory_space<hbm>>, %arg3: memref<3072xi32, #tpu.memory_space<hbm>>, %arg4: memref<4096xi32, #tpu.memory_space<vmem>>, %arg5: memref<4096xi32, #tpu.memory_space<vmem>>, %arg6: memref<256xi32, #tpu.memory_space<vmem>>, %arg7: memref<256xi32, #tpu.memory_space<vmem>>, %arg8: memref<96xi32, #tpu.memory_space<vmem>>, %arg9: memref<!tpu.dma_semaphore, #tpu.memory_space<semaphore_mem>>, %arg10: memref<!tpu.dma_semaphore, #tpu.memory_space<semaphore_mem>>) attributes {dimension_semantics = [#tpu.dimension_semantics<core_parallel>, #tpu.dimension_semantics<subcore_parallel>], iteration_bounds = array<i64: 2, 16>, scalar_prefetch = 0 : i64, scratch_operands = 7 : i64, tpu.core_type = #tpu.core_type<sc_vector_subcore>, window_params = [{transform_indices = #map}, {transform_indices = #map1}]} {
    %mul3A = arith.constant 2 : i32
    %mul3A_0 = arith.muli %arg1, %mul3A : i32
    %add3A = arith.addi %mul3A_0, %arg0 : i32
    %mul3A_1 = arith.constant 96 : i32
    %mul3A_2 = arith.muli %add3A, %mul3A_1 : i32
    %broadcast_in_dim3A = arith.constant 1 : i32
    %broadcast_in_dim3A_3 = vector.broadcast %broadcast_in_dim3A : i32 to vector<16xi32>
    %iota3A = tpu.iota {dimensions = array<i32: 0>} : vector<16xi32>
    %dma_start3A = arith.constant 0 : i32
    %dma_start3A_4 = tpu.memref_slice %arg2[%mul3A_2, %dma_start3A] : memref<3072x4096xi32, #tpu.memory_space<hbm>> -> memref<1x4096xi32, #tpu.memory_space<hbm>>
    %dma_start3A_5 = tpu.memref_squeeze %dma_start3A_4 : memref<1x4096xi32, #tpu.memory_space<hbm>> -> memref<4096xi32, #tpu.memory_space<hbm>>
    %dma_start3A_6 = arith.constant 0 : i32
    %dma_start3A_7 = tpu.memref_slice %arg2[%mul3A_2, %dma_start3A_6] : memref<3072x4096xi32, #tpu.memory_space<hbm>> -> memref<1x4096xi32, #tpu.memory_space<hbm>>
    %dma_start3A_8 = tpu.memref_squeeze %dma_start3A_7 : memref<1x4096xi32, #tpu.memory_space<hbm>> -> memref<4096xi32, #tpu.memory_space<hbm>>
    tpu.enqueue_dma source(%dma_start3A_8 : memref<4096xi32, #tpu.memory_space<hbm>>) target(%arg4 : memref<4096xi32, #tpu.memory_space<vmem>>) target_semaphore(%arg9 : memref<!tpu.dma_semaphore, #tpu.memory_space<semaphore_mem>>)
    %broadcast_in_dim3A_9 = arith.constant 0 : i32
    %broadcast_in_dim3A_10 = vector.broadcast %broadcast_in_dim3A_9 : i32 to vector<16xi32>
    %scan3A = arith.constant 0 : i32
    %scan3A_11 = arith.constant 48 : i32
    %scan3A_12 = arith.addi %scan3A, %scan3A_11 : i32
    %scan3A_13 = arith.constant 1 : i32
    %scan3A_14 = scf.for %scan3A_21 = %scan3A to %scan3A_12 step %scan3A_13 iter_args(%scan3A_22 = %broadcast_in_dim3A_10) -> (vector<16xi32>)  : i32 {
      %mul3A_23 = arith.constant 2 : i32
      %mul3A_24 = arith.muli %scan3A_21, %mul3A_23 : i32
      %add3A_25 = arith.constant 0 : i32
      %add3A_26 = arith.addi %mul3A_24, %add3A_25 : i32
      %add3A_27 = arith.addi %mul3A_2, %add3A_26 : i32
      %dma_wait3A_28 = arith.constant 0 : i32
      %dma_wait3A_29 = tpu.memref_slice %arg2[%add3A_27, %dma_wait3A_28] : memref<3072x4096xi32, #tpu.memory_space<hbm>> -> memref<1x4096xi32, #tpu.memory_space<hbm>>
      %dma_wait3A_30 = tpu.memref_squeeze %dma_wait3A_29 : memref<1x4096xi32, #tpu.memory_space<hbm>> -> memref<4096xi32, #tpu.memory_space<hbm>>
      %dma_wait3A_31 = arith.constant 0 : i32
      %dma_wait3A_32 = tpu.memref_slice %arg2[%add3A_27, %dma_wait3A_31] : memref<3072x4096xi32, #tpu.memory_space<hbm>> -> memref<1x4096xi32, #tpu.memory_space<hbm>>
      %dma_wait3A_33 = tpu.memref_squeeze %dma_wait3A_32 : memref<1x4096xi32, #tpu.memory_space<hbm>> -> memref<4096xi32, #tpu.memory_space<hbm>>
      tpu.wait_dma2 semaphore(%arg9 : memref<!tpu.dma_semaphore, #tpu.memory_space<semaphore_mem>>) src(%dma_wait3A_33 : memref<4096xi32, #tpu.memory_space<hbm>>) dst(%arg4 : memref<4096xi32, #tpu.memory_space<vmem>>)
      %add3A_34 = arith.constant 2 : i32
      %add3A_35 = arith.addi %add3A_27, %add3A_34 : i32
      %min3A = arith.constant 3071 : i32
      %min3A_36 = arith.minsi %add3A_35, %min3A : i32
      %add3A_37 = arith.addi %mul3A_2, %add3A_26 : i32
      %add3A_38 = arith.constant 1 : i32
      %add3A_39 = arith.addi %add3A_37, %add3A_38 : i32
      %dma_start3A_40 = arith.constant 0 : i32
      %dma_start3A_41 = tpu.memref_slice %arg2[%add3A_39, %dma_start3A_40] : memref<3072x4096xi32, #tpu.memory_space<hbm>> -> memref<1x4096xi32, #tpu.memory_space<hbm>>
      %dma_start3A_42 = tpu.memref_squeeze %dma_start3A_41 : memref<1x4096xi32, #tpu.memory_space<hbm>> -> memref<4096xi32, #tpu.memory_space<hbm>>
      %dma_start3A_43 = arith.constant 0 : i32
      %dma_start3A_44 = tpu.memref_slice %arg2[%add3A_39, %dma_start3A_43] : memref<3072x4096xi32, #tpu.memory_space<hbm>> -> memref<1x4096xi32, #tpu.memory_space<hbm>>
      %dma_start3A_45 = tpu.memref_squeeze %dma_start3A_44 : memref<1x4096xi32, #tpu.memory_space<hbm>> -> memref<4096xi32, #tpu.memory_space<hbm>>
      tpu.enqueue_dma source(%dma_start3A_45 : memref<4096xi32, #tpu.memory_space<hbm>>) target(%arg5 : memref<4096xi32, #tpu.memory_space<vmem>>) target_semaphore(%arg10 : memref<!tpu.dma_semaphore, #tpu.memory_space<semaphore_mem>>)
      %broadcast_in_dim3A_46 = arith.constant 0 : i32
      %broadcast_in_dim3A_47 = vector.broadcast %broadcast_in_dim3A_46 : i32 to vector<16xi32>
      %swap3A = arith.constant 0 : index
      %swap3A_48 = tpu.vector_load %arg6[%swap3A] {strides = array<i32>} : memref<256xi32, #tpu.memory_space<vmem>>, vector<16xi32>,
      tpu.vector_store %arg6[%swap3A], %broadcast_in_dim3A_47 {strides = array<i32>} : memref<256xi32, #tpu.memory_space<vmem>>, vector<16xi32>,
      %broadcast_in_dim3A_49 = arith.constant 0 : i32
      %broadcast_in_dim3A_50 = vector.broadcast %broadcast_in_dim3A_49 : i32 to vector<16xi32>
      %swap3A_51 = arith.constant 0 : index
      %swap3A_52 = tpu.vector_load %arg7[%swap3A_51] {strides = array<i32>} : memref<256xi32, #tpu.memory_space<vmem>>, vector<16xi32>,
      tpu.vector_store %arg7[%swap3A_51], %broadcast_in_dim3A_50 {strides = array<i32>} : memref<256xi32, #tpu.memory_space<vmem>>, vector<16xi32>,
      %broadcast_in_dim3A_53 = arith.constant 0 : i32
      %broadcast_in_dim3A_54 = vector.broadcast %broadcast_in_dim3A_53 : i32 to vector<16xi32>
      %swap3A_55 = arith.constant 16 : index
      %swap3A_56 = tpu.vector_load %arg6[%swap3A_55] {strides = array<i32>} : memref<256xi32, #tpu.memory_space<vmem>>, vector<16xi32>,
      tpu.vector_store %arg6[%swap3A_55], %broadcast_in_dim3A_54 {strides = array<i32>} : memref<256xi32, #tpu.memory_space<vmem>>, vector<16xi32>,
      %broadcast_in_dim3A_57 = arith.constant 0 : i32
      %broadcast_in_dim3A_58 = vector.broadcast %broadcast_in_dim3A_57 : i32 to vector<16xi32>
      %swap3A_59 = arith.constant 16 : index
      %swap3A_60 = tpu.vector_load %arg7[%swap3A_59] {strides = array<i32>} : memref<256xi32, #tpu.memory_space<vmem>>, vector<16xi32>,
      tpu.vector_store %arg7[%swap3A_59], %broadcast_in_dim3A_58 {strides = array<i32>} : memref<256xi32, #tpu.memory_space<vmem>>, vector<16xi32>,
      %broadcast_in_dim3A_61 = arith.constant 0 : i32
      %broadcast_in_dim3A_62 = vector.broadcast %broadcast_in_dim3A_61 : i32 to vector<16xi32>
      %swap3A_63 = arith.constant 32 : index
      %swap3A_64 = tpu.vector_load %arg6[%swap3A_63] {strides = array<i32>} : memref<256xi32, #tpu.memory_space<vmem>>, vector<16xi32>,
      tpu.vector_store %arg6[%swap3A_63], %broadcast_in_dim3A_62 {strides = array<i32>} : memref<256xi32, #tpu.memory_space<vmem>>, vector<16xi32>,
      %broadcast_in_dim3A_65 = arith.constant 0 : i32
      %broadcast_in_dim3A_66 = vector.broadcast %broadcast_in_dim3A_65 : i32 to vector<16xi32>
      %swap3A_67 = arith.constant 32 : index
      %swap3A_68 = tpu.vector_load %arg7[%swap3A_67] {strides = array<i32>} : memref<256xi32, #tpu.memory_space<vmem>>, vector<16xi32>,
      tpu.vector_store %arg7[%swap3A_67], %broadcast_in_dim3A_66 {strides = array<i32>} : memref<256xi32, #tpu.memory_space<vmem>>, vector<16xi32>,
      %broadcast_in_dim3A_69 = arith.constant 0 : i32
      %broadcast_in_dim3A_70 = vector.broadcast %broadcast_in_dim3A_69 : i32 to vector<16xi32>
      %swap3A_71 = arith.constant 48 : index
      %swap3A_72 = tpu.vector_load %arg6[%swap3A_71] {strides = array<i32>} : memref<256xi32, #tpu.memory_space<vmem>>, vector<16xi32>,
      tpu.vector_store %arg6[%swap3A_71], %broadcast_in_dim3A_70 {strides = array<i32>} : memref<256xi32, #tpu.memory_space<vmem>>, vector<16xi32>,
      %broadcast_in_dim3A_73 = arith.constant 0 : i32
      %broadcast_in_dim3A_74 = vector.broadcast %broadcast_in_dim3A_73 : i32 to vector<16xi32>
      %swap3A_75 = arith.constant 48 : index
      %swap3A_76 = tpu.vector_load %arg7[%swap3A_75] {strides = array<i32>} : memref<256xi32, #tpu.memory_space<vmem>>, vector<16xi32>,
      tpu.vector_store %arg7[%swap3A_75], %broadcast_in_dim3A_74 {strides = array<i32>} : memref<256xi32, #tpu.memory_space<vmem>>, vector<16xi32>,
      %broadcast_in_dim3A_77 = arith.constant 0 : i32
      %broadcast_in_dim3A_78 = vector.broadcast %broadcast_in_dim3A_77 : i32 to vector<16xi32>
      %swap3A_79 = arith.constant 64 : index
      %swap3A_80 = tpu.vector_load %arg6[%swap3A_79] {strides = array<i32>} : memref<256xi32, #tpu.memory_space<vmem>>, vector<16xi32>,
      tpu.vector_store %arg6[%swap3A_79], %broadcast_in_dim3A_78 {strides = array<i32>} : memref<256xi32, #tpu.memory_space<vmem>>, vector<16xi32>,
      %broadcast_in_dim3A_81 = arith.constant 0 : i32
      %broadcast_in_dim3A_82 = vector.broadcast %broadcast_in_dim3A_81 : i32 to vector<16xi32>
      %swap3A_83 = arith.constant 64 : index
      %swap3A_84 = tpu.vector_load %arg7[%swap3A_83] {strides = array<i32>} : memref<256xi32, #tpu.memory_space<vmem>>, vector<16xi32>,
      tpu.vector_store %arg7[%swap3A_83], %broadcast_in_dim3A_82 {strides = array<i32>} : memref<256xi32, #tpu.memory_space<vmem>>, vector<16xi32>,
      %broadcast_in_dim3A_85 = arith.constant 0 : i32
      %broadcast_in_dim3A_86 = vector.broadcast %broadcast_in_dim3A_85 : i32 to vector<16xi32>
      %swap3A_87 = arith.constant 80 : index
      %swap3A_88 = tpu.vector_load %arg6[%swap3A_87] {strides = array<i32>} : memref<256xi32, #tpu.memory_space<vmem>>, vector<16xi32>,
      tpu.vector_store %arg6[%swap3A_87], %broadcast_in_dim3A_86 {strides = array<i32>} : memref<256xi32, #tpu.memory_space<vmem>>, vector<16xi32>,
      %broadcast_in_dim3A_89 = arith.constant 0 : i32
      %broadcast_in_dim3A_90 = vector.broadcast %broadcast_in_dim3A_89 : i32 to vector<16xi32>
      %swap3A_91 = arith.constant 80 : index
      %swap3A_92 = tpu.vector_load %arg7[%swap3A_91] {strides = array<i32>} : memref<256xi32, #tpu.memory_space<vmem>>, vector<16xi32>,
      tpu.vector_store %arg7[%swap3A_91], %broadcast_in_dim3A_90 {strides = array<i32>} : memref<256xi32, #tpu.memory_space<vmem>>, vector<16xi32>,
      %broadcast_in_dim3A_93 = arith.constant 0 : i32
      %broadcast_in_dim3A_94 = vector.broadcast %broadcast_in_dim3A_93 : i32 to vector<16xi32>
      %swap3A_95 = arith.constant 96 : index
      %swap3A_96 = tpu.vector_load %arg6[%swap3A_95] {strides = array<i32>} : memref<256xi32, #tpu.memory_space<vmem>>, vector<16xi32>,
      tpu.vector_store %arg6[%swap3A_95], %broadcast_in_dim3A_94 {strides = array<i32>} : memref<256xi32, #tpu.memory_space<vmem>>, vector<16xi32>,
      %broadcast_in_dim3A_97 = arith.constant 0 : i32
      %broadcast_in_dim3A_98 = vector.broadcast %broadcast_in_dim3A_97 : i32 to vector<16xi32>
      %swap3A_99 = arith.constant 96 : index
      %swap3A_100 = tpu.vector_load %arg7[%swap3A_99] {strides = array<i32>} : memref<256xi32, #tpu.memory_space<vmem>>, vector<16xi32>,
      tpu.vector_store %arg7[%swap3A_99], %broadcast_in_dim3A_98 {strides = array<i32>} : memref<256xi32, #tpu.memory_space<vmem>>, vector<16xi32>,
      %broadcast_in_dim3A_101 = arith.constant 0 : i32
      %broadcast_in_dim3A_102 = vector.broadcast %broadcast_in_dim3A_101 : i32 to vector<16xi32>
      %swap3A_103 = arith.constant 112 : index
      %swap3A_104 = tpu.vector_load %arg6[%swap3A_103] {strides = array<i32>} : memref<256xi32, #tpu.memory_space<vmem>>, vector<16xi32>,
      tpu.vector_store %arg6[%swap3A_103], %broadcast_in_dim3A_102 {strides = array<i32>} : memref<256xi32, #tpu.memory_space<vmem>>, vector<16xi32>,
      %broadcast_in_dim3A_105 = arith.constant 0 : i32
      %broadcast_in_dim3A_106 = vector.broadcast %broadcast_in_dim3A_105 : i32 to vector<16xi32>
      %swap3A_107 = arith.constant 112 : index
      %swap3A_108 = tpu.vector_load %arg7[%swap3A_107] {strides = array<i32>} : memref<256xi32, #tpu.memory_space<vmem>>, vector<16xi32>,
      tpu.vector_store %arg7[%swap3A_107], %broadcast_in_dim3A_106 {strides = array<i32>} : memref<256xi32, #tpu.memory_space<vmem>>, vector<16xi32>,
      %broadcast_in_dim3A_109 = arith.constant 0 : i32
      %broadcast_in_dim3A_110 = vector.broadcast %broadcast_in_dim3A_109 : i32 to vector<16xi32>
      %swap3A_111 = arith.constant 128 : index
      %swap3A_112 = tpu.vector_load %arg6[%swap3A_111] {strides = array<i32>} : memref<256xi32, #tpu.memory_space<vmem>>, vector<16xi32>,
      tpu.vector_store %arg6[%swap3A_111], %broadcast_in_dim3A_110 {strides = array<i32>} : memref<256xi32, #tpu.memory_space<vmem>>, vector<16xi32>,
      %broadcast_in_dim3A_113 = arith.constant 0 : i32
      %broadcast_in_dim3A_114 = vector.broadcast %broadcast_in_dim3A_113 : i32 to vector<16xi32>
      %swap3A_115 = arith.constant 128 : index
      %swap3A_116 = tpu.vector_load %arg7[%swap3A_115] {strides = array<i32>} : memref<256xi32, #tpu.memory_space<vmem>>, vector<16xi32>,
      tpu.vector_store %arg7[%swap3A_115], %broadcast_in_dim3A_114 {strides = array<i32>} : memref<256xi32, #tpu.memory_space<vmem>>, vector<16xi32>,
      %broadcast_in_dim3A_117 = arith.constant 0 : i32
      %broadcast_in_dim3A_118 = vector.broadcast %broadcast_in_dim3A_117 : i32 to vector<16xi32>
      %swap3A_119 = arith.constant 144 : index
      %swap3A_120 = tpu.vector_load %arg6[%swap3A_119] {strides = array<i32>} : memref<256xi32, #tpu.memory_space<vmem>>, vector<16xi32>,
      tpu.vector_store %arg6[%swap3A_119], %broadcast_in_dim3A_118 {strides = array<i32>} : memref<256xi32, #tpu.memory_space<vmem>>, vector<16xi32>,
      %broadcast_in_dim3A_121 = arith.constant 0 : i32
      %broadcast_in_dim3A_122 = vector.broadcast %broadcast_in_dim3A_121 : i32 to vector<16xi32>
      %swap3A_123 = arith.constant 144 : index
      %swap3A_124 = tpu.vector_load %arg7[%swap3A_123] {strides = array<i32>} : memref<256xi32, #tpu.memory_space<vmem>>, vector<16xi32>,
      tpu.vector_store %arg7[%swap3A_123], %broadcast_in_dim3A_122 {strides = array<i32>} : memref<256xi32, #tpu.memory_space<vmem>>, vector<16xi32>,
      %broadcast_in_dim3A_125 = arith.constant 0 : i32
      %broadcast_in_dim3A_126 = vector.broadcast %broadcast_in_dim3A_125 : i32 to vector<16xi32>
      %swap3A_127 = arith.constant 160 : index
      %swap3A_128 = tpu.vector_load %arg6[%swap3A_127] {strides = array<i32>} : memref<256xi32, #tpu.memory_space<vmem>>, vector<16xi32>,
      tpu.vector_store %arg6[%swap3A_127], %broadcast_in_dim3A_126 {strides = array<i32>} : memref<256xi32, #tpu.memory_space<vmem>>, vector<16xi32>,
      %broadcast_in_dim3A_129 = arith.constant 0 : i32
      %broadcast_in_dim3A_130 = vector.broadcast %broadcast_in_dim3A_129 : i32 to vector<16xi32>
      %swap3A_131 = arith.constant 160 : index
      %swap3A_132 = tpu.vector_load %arg7[%swap3A_131] {strides = array<i32>} : memref<256xi32, #tpu.memory_space<vmem>>, vector<16xi32>,
      tpu.vector_store %arg7[%swap3A_131], %broadcast_in_dim3A_130 {strides = array<i32>} : memref<256xi32, #tpu.memory_space<vmem>>, vector<16xi32>,
      %broadcast_in_dim3A_133 = arith.constant 0 : i32
      %broadcast_in_dim3A_134 = vector.broadcast %broadcast_in_dim3A_133 : i32 to vector<16xi32>
      %swap3A_135 = arith.constant 176 : index
      %swap3A_136 = tpu.vector_load %arg6[%swap3A_135] {strides = array<i32>} : memref<256xi32, #tpu.memory_space<vmem>>, vector<16xi32>,
      tpu.vector_store %arg6[%swap3A_135], %broadcast_in_dim3A_134 {strides = array<i32>} : memref<256xi32, #tpu.memory_space<vmem>>, vector<16xi32>,
      %broadcast_in_dim3A_137 = arith.constant 0 : i32
      %broadcast_in_dim3A_138 = vector.broadcast %broadcast_in_dim3A_137 : i32 to vector<16xi32>
      %swap3A_139 = arith.constant 176 : index
      %swap3A_140 = tpu.vector_load %arg7[%swap3A_139] {strides = array<i32>} : memref<256xi32, #tpu.memory_space<vmem>>, vector<16xi32>,
      tpu.vector_store %arg7[%swap3A_139], %broadcast_in_dim3A_138 {strides = array<i32>} : memref<256xi32, #tpu.memory_space<vmem>>, vector<16xi32>,
      %broadcast_in_dim3A_141 = arith.constant 0 : i32
      %broadcast_in_dim3A_142 = vector.broadcast %broadcast_in_dim3A_141 : i32 to vector<16xi32>
      %swap3A_143 = arith.constant 192 : index
      %swap3A_144 = tpu.vector_load %arg6[%swap3A_143] {strides = array<i32>} : memref<256xi32, #tpu.memory_space<vmem>>, vector<16xi32>,
      tpu.vector_store %arg6[%swap3A_143], %broadcast_in_dim3A_142 {strides = array<i32>} : memref<256xi32, #tpu.memory_space<vmem>>, vector<16xi32>,
      %broadcast_in_dim3A_145 = arith.constant 0 : i32
      %broadcast_in_dim3A_146 = vector.broadcast %broadcast_in_dim3A_145 : i32 to vector<16xi32>
      %swap3A_147 = arith.constant 192 : index
      %swap3A_148 = tpu.vector_load %arg7[%swap3A_147] {strides = array<i32>} : memref<256xi32, #tpu.memory_space<vmem>>, vector<16xi32>,
      tpu.vector_store %arg7[%swap3A_147], %broadcast_in_dim3A_146 {strides = array<i32>} : memref<256xi32, #tpu.memory_space<vmem>>, vector<16xi32>,
      %broadcast_in_dim3A_149 = arith.constant 0 : i32
      %broadcast_in_dim3A_150 = vector.broadcast %broadcast_in_dim3A_149 : i32 to vector<16xi32>
      %swap3A_151 = arith.constant 208 : index
      %swap3A_152 = tpu.vector_load %arg6[%swap3A_151] {strides = array<i32>} : memref<256xi32, #tpu.memory_space<vmem>>, vector<16xi32>,
      tpu.vector_store %arg6[%swap3A_151], %broadcast_in_dim3A_150 {strides = array<i32>} : memref<256xi32, #tpu.memory_space<vmem>>, vector<16xi32>,
      %broadcast_in_dim3A_153 = arith.constant 0 : i32
      %broadcast_in_dim3A_154 = vector.broadcast %broadcast_in_dim3A_153 : i32 to vector<16xi32>
      %swap3A_155 = arith.constant 208 : index
      %swap3A_156 = tpu.vector_load %arg7[%swap3A_155] {strides = array<i32>} : memref<256xi32, #tpu.memory_space<vmem>>, vector<16xi32>,
      tpu.vector_store %arg7[%swap3A_155], %broadcast_in_dim3A_154 {strides = array<i32>} : memref<256xi32, #tpu.memory_space<vmem>>, vector<16xi32>,
      %broadcast_in_dim3A_157 = arith.constant 0 : i32
      %broadcast_in_dim3A_158 = vector.broadcast %broadcast_in_dim3A_157 : i32 to vector<16xi32>
      %swap3A_159 = arith.constant 224 : index
      %swap3A_160 = tpu.vector_load %arg6[%swap3A_159] {strides = array<i32>} : memref<256xi32, #tpu.memory_space<vmem>>, vector<16xi32>,
      tpu.vector_store %arg6[%swap3A_159], %broadcast_in_dim3A_158 {strides = array<i32>} : memref<256xi32, #tpu.memory_space<vmem>>, vector<16xi32>,
      %broadcast_in_dim3A_161 = arith.constant 0 : i32
      %broadcast_in_dim3A_162 = vector.broadcast %broadcast_in_dim3A_161 : i32 to vector<16xi32>
      %swap3A_163 = arith.constant 224 : index
      %swap3A_164 = tpu.vector_load %arg7[%swap3A_163] {strides = array<i32>} : memref<256xi32, #tpu.memory_space<vmem>>, vector<16xi32>,
      tpu.vector_store %arg7[%swap3A_163], %broadcast_in_dim3A_162 {strides = array<i32>} : memref<256xi32, #tpu.memory_space<vmem>>, vector<16xi32>,
      %broadcast_in_dim3A_165 = arith.constant 0 : i32
      %broadcast_in_dim3A_166 = vector.broadcast %broadcast_in_dim3A_165 : i32 to vector<16xi32>
      %swap3A_167 = arith.constant 240 : index
      %swap3A_168 = tpu.vector_load %arg6[%swap3A_167] {strides = array<i32>} : memref<256xi32, #tpu.memory_space<vmem>>, vector<16xi32>,
      tpu.vector_store %arg6[%swap3A_167], %broadcast_in_dim3A_166 {strides = array<i32>} : memref<256xi32, #tpu.memory_space<vmem>>, vector<16xi32>,
      %broadcast_in_dim3A_169 = arith.constant 0 : i32
      %broadcast_in_dim3A_170 = vector.broadcast %broadcast_in_dim3A_169 : i32 to vector<16xi32>
      %swap3A_171 = arith.constant 240 : index
      %swap3A_172 = tpu.vector_load %arg7[%swap3A_171] {strides = array<i32>} : memref<256xi32, #tpu.memory_space<vmem>>, vector<16xi32>,
      tpu.vector_store %arg7[%swap3A_171], %broadcast_in_dim3A_170 {strides = array<i32>} : memref<256xi32, #tpu.memory_space<vmem>>, vector<16xi32>,
      %scan3A_173 = arith.constant 0 : i32
      %scan3A_174 = arith.constant 0 : i32
      %scan3A_175 = arith.constant 32 : i32
      %scan3A_176 = arith.addi %scan3A_174, %scan3A_175 : i32
      %scan3A_177 = arith.constant 1 : i32
      %scan3A_178 = scf.for %scan3A_480 = %scan3A_174 to %scan3A_176 step %scan3A_177 iter_args(%scan3A_481 = %scan3A_173) -> (i32)  : i32 {
        %mul3A_482 = arith.constant 8 : i32
        %mul3A_483 = arith.muli %scan3A_480, %mul3A_482 : i32
        %add3A_484 = arith.constant 0 : i32
        %add3A_485 = arith.addi %mul3A_483, %add3A_484 : i32
        %mul3A_486 = arith.constant 16 : i32
        %mul3A_487 = arith.muli %add3A_485, %mul3A_486 : i32
        %get3A = arith.index_cast %mul3A_487 : i32 to index
        %get3A_488 = tpu.vector_load %arg4[%get3A] {strides = array<i32>} : memref<4096xi32, #tpu.memory_space<vmem>>, vector<16xi32>,
        %add3A_489 = arith.constant 1065353217 : i32
        %add3A_490 = vector.broadcast %add3A_489 : i32 to vector<16xi32>
        %add3A_491 = arith.addi %get3A_488, %add3A_490 : vector<16xi32>
        %shift_right_arithmetic3A = arith.constant 23 : i32
        %shift_right_arithmetic3A_492 = vector.broadcast %shift_right_arithmetic3A : i32 to vector<16xi32>
        %shift_right_arithmetic3A_493 = arith.shrsi %add3A_491, %shift_right_arithmetic3A_492 : vector<16xi32>
        tpu.vector_store_idx %arg6[%shift_right_arithmetic3A_493], %broadcast_in_dim3A_3 {add = true} : memref<256xi32, #tpu.memory_space<vmem>>[vector<16xi32>], vector<16xi32>,
        %mul3A_494 = arith.constant 8 : i32
        %mul3A_495 = arith.muli %scan3A_480, %mul3A_494 : i32
        %add3A_496 = arith.constant 1 : i32
        %add3A_497 = arith.addi %mul3A_495, %add3A_496 : i32
        %mul3A_498 = arith.constant 16 : i32
        %mul3A_499 = arith.muli %add3A_497, %mul3A_498 : i32
        %get3A_500 = arith.index_cast %mul3A_499 : i32 to index
        %get3A_501 = tpu.vector_load %arg4[%get3A_500] {strides = array<i32>} : memref<4096xi32, #tpu.memory_space<vmem>>, vector<16xi32>,
        %add3A_502 = arith.constant 1065353217 : i32
        %add3A_503 = vector.broadcast %add3A_502 : i32 to vector<16xi32>
        %add3A_504 = arith.addi %get3A_501, %add3A_503 : vector<16xi32>
        %shift_right_arithmetic3A_505 = arith.constant 23 : i32
        %shift_right_arithmetic3A_506 = vector.broadcast %shift_right_arithmetic3A_505 : i32 to vector<16xi32>
        %shift_right_arithmetic3A_507 = arith.shrsi %add3A_504, %shift_right_arithmetic3A_506 : vector<16xi32>
        tpu.vector_store_idx %arg6[%shift_right_arithmetic3A_507], %broadcast_in_dim3A_3 {add = true} : memref<256xi32, #tpu.memory_space<vmem>>[vector<16xi32>], vector<16xi32>,
        %mul3A_508 = arith.constant 8 : i32
        %mul3A_509 = arith.muli %scan3A_480, %mul3A_508 : i32
        %add3A_510 = arith.constant 2 : i32
        %add3A_511 = arith.addi %mul3A_509, %add3A_510 : i32
        %mul3A_512 = arith.constant 16 : i32
        %mul3A_513 = arith.muli %add3A_511, %mul3A_512 : i32
        %get3A_514 = arith.index_cast %mul3A_513 : i32 to index
        %get3A_515 = tpu.vector_load %arg4[%get3A_514] {strides = array<i32>} : memref<4096xi32, #tpu.memory_space<vmem>>, vector<16xi32>,
        %add3A_516 = arith.constant 1065353217 : i32
        %add3A_517 = vector.broadcast %add3A_516 : i32 to vector<16xi32>
        %add3A_518 = arith.addi %get3A_515, %add3A_517 : vector<16xi32>
        %shift_right_arithmetic3A_519 = arith.constant 23 : i32
        %shift_right_arithmetic3A_520 = vector.broadcast %shift_right_arithmetic3A_519 : i32 to vector<16xi32>
        %shift_right_arithmetic3A_521 = arith.shrsi %add3A_518, %shift_right_arithmetic3A_520 : vector<16xi32>
        tpu.vector_store_idx %arg6[%shift_right_arithmetic3A_521], %broadcast_in_dim3A_3 {add = true} : memref<256xi32, #tpu.memory_space<vmem>>[vector<16xi32>], vector<16xi32>,
        %mul3A_522 = arith.constant 8 : i32
        %mul3A_523 = arith.muli %scan3A_480, %mul3A_522 : i32
        %add3A_524 = arith.constant 3 : i32
        %add3A_525 = arith.addi %mul3A_523, %add3A_524 : i32
        %mul3A_526 = arith.constant 16 : i32
        %mul3A_527 = arith.muli %add3A_525, %mul3A_526 : i32
        %get3A_528 = arith.index_cast %mul3A_527 : i32 to index
        %get3A_529 = tpu.vector_load %arg4[%get3A_528] {strides = array<i32>} : memref<4096xi32, #tpu.memory_space<vmem>>, vector<16xi32>,
        %add3A_530 = arith.constant 1065353217 : i32
        %add3A_531 = vector.broadcast %add3A_530 : i32 to vector<16xi32>
        %add3A_532 = arith.addi %get3A_529, %add3A_531 : vector<16xi32>
        %shift_right_arithmetic3A_533 = arith.constant 23 : i32
        %shift_right_arithmetic3A_534 = vector.broadcast %shift_right_arithmetic3A_533 : i32 to vector<16xi32>
        %shift_right_arithmetic3A_535 = arith.shrsi %add3A_532, %shift_right_arithmetic3A_534 : vector<16xi32>
        tpu.vector_store_idx %arg6[%shift_right_arithmetic3A_535], %broadcast_in_dim3A_3 {add = true} : memref<256xi32, #tpu.memory_space<vmem>>[vector<16xi32>], vector<16xi32>,
        %mul3A_536 = arith.constant 8 : i32
        %mul3A_537 = arith.muli %scan3A_480, %mul3A_536 : i32
        %add3A_538 = arith.constant 4 : i32
        %add3A_539 = arith.addi %mul3A_537, %add3A_538 : i32
        %mul3A_540 = arith.constant 16 : i32
        %mul3A_541 = arith.muli %add3A_539, %mul3A_540 : i32
        %get3A_542 = arith.index_cast %mul3A_541 : i32 to index
        %get3A_543 = tpu.vector_load %arg4[%get3A_542] {strides = array<i32>} : memref<4096xi32, #tpu.memory_space<vmem>>, vector<16xi32>,
        %add3A_544 = arith.constant 1065353217 : i32
        %add3A_545 = vector.broadcast %add3A_544 : i32 to vector<16xi32>
        %add3A_546 = arith.addi %get3A_543, %add3A_545 : vector<16xi32>
        %shift_right_arithmetic3A_547 = arith.constant 23 : i32
        %shift_right_arithmetic3A_548 = vector.broadcast %shift_right_arithmetic3A_547 : i32 to vector<16xi32>
        %shift_right_arithmetic3A_549 = arith.shrsi %add3A_546, %shift_right_arithmetic3A_548 : vector<16xi32>
        tpu.vector_store_idx %arg6[%shift_right_arithmetic3A_549], %broadcast_in_dim3A_3 {add = true} : memref<256xi32, #tpu.memory_space<vmem>>[vector<16xi32>], vector<16xi32>,
        %mul3A_550 = arith.constant 8 : i32
        %mul3A_551 = arith.muli %scan3A_480, %mul3A_550 : i32
        %add3A_552 = arith.constant 5 : i32
        %add3A_553 = arith.addi %mul3A_551, %add3A_552 : i32
        %mul3A_554 = arith.constant 16 : i32
        %mul3A_555 = arith.muli %add3A_553, %mul3A_554 : i32
        %get3A_556 = arith.index_cast %mul3A_555 : i32 to index
        %get3A_557 = tpu.vector_load %arg4[%get3A_556] {strides = array<i32>} : memref<4096xi32, #tpu.memory_space<vmem>>, vector<16xi32>,
        %add3A_558 = arith.constant 1065353217 : i32
        %add3A_559 = vector.broadcast %add3A_558 : i32 to vector<16xi32>
        %add3A_560 = arith.addi %get3A_557, %add3A_559 : vector<16xi32>
        %shift_right_arithmetic3A_561 = arith.constant 23 : i32
        %shift_right_arithmetic3A_562 = vector.broadcast %shift_right_arithmetic3A_561 : i32 to vector<16xi32>
        %shift_right_arithmetic3A_563 = arith.shrsi %add3A_560, %shift_right_arithmetic3A_562 : vector<16xi32>
        tpu.vector_store_idx %arg6[%shift_right_arithmetic3A_563], %broadcast_in_dim3A_3 {add = true} : memref<256xi32, #tpu.memory_space<vmem>>[vector<16xi32>], vector<16xi32>,
        %mul3A_564 = arith.constant 8 : i32
        %mul3A_565 = arith.muli %scan3A_480, %mul3A_564 : i32
        %add3A_566 = arith.constant 6 : i32
        %add3A_567 = arith.addi %mul3A_565, %add3A_566 : i32
        %mul3A_568 = arith.constant 16 : i32
        %mul3A_569 = arith.muli %add3A_567, %mul3A_568 : i32
        %get3A_570 = arith.index_cast %mul3A_569 : i32 to index
        %get3A_571 = tpu.vector_load %arg4[%get3A_570] {strides = array<i32>} : memref<4096xi32, #tpu.memory_space<vmem>>, vector<16xi32>,
        %add3A_572 = arith.constant 1065353217 : i32
        %add3A_573 = vector.broadcast %add3A_572 : i32 to vector<16xi32>
        %add3A_574 = arith.addi %get3A_571, %add3A_573 : vector<16xi32>
        %shift_right_arithmetic3A_575 = arith.constant 23 : i32
        %shift_right_arithmetic3A_576 = vector.broadcast %shift_right_arithmetic3A_575 : i32 to vector<16xi32>
        %shift_right_arithmetic3A_577 = arith.shrsi %add3A_574, %shift_right_arithmetic3A_576 : vector<16xi32>
        tpu.vector_store_idx %arg6[%shift_right_arithmetic3A_577], %broadcast_in_dim3A_3 {add = true} : memref<256xi32, #tpu.memory_space<vmem>>[vector<16xi32>], vector<16xi32>,
        %mul3A_578 = arith.constant 8 : i32
        %mul3A_579 = arith.muli %scan3A_480, %mul3A_578 : i32
        %add3A_580 = arith.constant 7 : i32
        %add3A_581 = arith.addi %mul3A_579, %add3A_580 : i32
        %mul3A_582 = arith.constant 16 : i32
        %mul3A_583 = arith.muli %add3A_581, %mul3A_582 : i32
        %get3A_584 = arith.index_cast %mul3A_583 : i32 to index
        %get3A_585 = tpu.vector_load %arg4[%get3A_584] {strides = array<i32>} : memref<4096xi32, #tpu.memory_space<vmem>>, vector<16xi32>,
        %add3A_586 = arith.constant 1065353217 : i32
        %add3A_587 = vector.broadcast %add3A_586 : i32 to vector<16xi32>
        %add3A_588 = arith.addi %get3A_585, %add3A_587 : vector<16xi32>
        %shift_right_arithmetic3A_589 = arith.constant 23 : i32
        %shift_right_arithmetic3A_590 = vector.broadcast %shift_right_arithmetic3A_589 : i32 to vector<16xi32>
        %shift_right_arithmetic3A_591 = arith.shrsi %add3A_588, %shift_right_arithmetic3A_590 : vector<16xi32>
        tpu.vector_store_idx %arg6[%shift_right_arithmetic3A_591], %broadcast_in_dim3A_3 {add = true} : memref<256xi32, #tpu.memory_space<vmem>>[vector<16xi32>], vector<16xi32>,
        %scan3A_592 = arith.constant 0 : i32
        scf.yield %scan3A_592 : i32
      }
      %scan3A_179 = arith.constant 32 : i32
      %scan3A_180 = arith.constant 410 : i32
      %scan3A_181 = arith.constant 0 : i32
      %scan3A_182 = arith.constant 0 : i32
      %scan3A_183 = arith.constant 0 : i32
      %scan3A_184 = arith.constant 0 : i32
      %scan3A_185 = arith.constant 0 : i32
      %scan3A_186 = arith.constant 16 : i32
      %scan3A_187 = arith.addi %scan3A_185, %scan3A_186 : i32
      %scan3A_188 = arith.constant 1 : i32
      %scan3A_189:4 = scf.for %scan3A_480 = %scan3A_185 to %scan3A_187 step %scan3A_188 iter_args(%scan3A_481 = %scan3A_181, %scan3A_482 = %scan3A_182, %scan3A_483 = %scan3A_183, %scan3A_484 = %scan3A_184) -> (i32, i32, i32, i32)  : i32 {
        %sub3A_485 = arith.constant 15 : i32
        %sub3A_486 = arith.subi %sub3A_485, %scan3A_480 : i32
        %mul3A_487 = arith.constant 16 : i32
        %mul3A_488 = arith.muli %sub3A_486, %mul3A_487 : i32
        %get3A = arith.index_cast %mul3A_488 : i32 to index
        %get3A_489 = tpu.vector_load %arg6[%get3A] {strides = array<i32>} : memref<256xi32, #tpu.memory_space<vmem>>, vector<16xi32>,
        %rev3A = arith.constant 15 : i32
        %rev3A_490 = vector.broadcast %rev3A : i32 to vector<16xi32>
        %rev3A_491 = tpu.iota {dimensions = array<i32: 0>} : vector<16xi32>
        %rev3A_492 = arith.subi %rev3A_490, %rev3A_491 : vector<16xi32>
        %rev3A_493 = tpu.dynamic_gather %get3A_489[%rev3A_492] in [0] : vector<16xi32>, vector<16xi32> -> vector<16xi32>
        %broadcast_in_dim3A_494 = arith.constant true
        %broadcast_in_dim3A_495 = vector.broadcast %broadcast_in_dim3A_494 : i1 to vector<16xi1>
        %masked_cumsum3A = tpu.scan <sum>, %rev3A_493 masked %broadcast_in_dim3A_495 : vector<16xi32>, vector<16xi1> -> vector<16xi32>
        %add3A_496 = vector.broadcast %scan3A_481 : i32 to vector<16xi32>
        %add3A_497 = arith.addi %masked_cumsum3A, %add3A_496 : vector<16xi32>
        %ge3A = vector.broadcast %scan3A_180 : i32 to vector<16xi32>
        %ge3A_498 = arith.cmpi sge, %add3A_497, %ge3A : vector<16xi32>
        %sub3A_499 = arith.constant 15 : i32
        %sub3A_500 = vector.broadcast %sub3A_499 : i32 to vector<16xi32>
        %sub3A_501 = arith.subi %sub3A_500, %iota3A : vector<16xi32>
        %jit3A_502 = arith.constant -1 : i32
        %broadcast_in_dim3A_503 = vector.broadcast %jit3A_502 : i32 to vector<16xi32>
        %select_n3A_504 = arith.select %ge3A_498, %sub3A_501, %broadcast_in_dim3A_503 : vector<16xi1>, vector<16xi32>
        %reduce_max3A = arith.constant true
        %reduce_max3A_505 = vector.broadcast %reduce_max3A : i1 to vector<16xi1>
        %reduce_max3A_506 = arith.constant -2147483648 : i32
        %reduce_max3A_507 = vector.broadcast %reduce_max3A_506 : i32 to vector<16xi32>
        %reduce_max3A_508 = arith.xori %select_n3A_504, %reduce_max3A_507 : vector<16xi32>
        %reduce_max3A_509 = tpu.scan <max>, %reduce_max3A_508 masked %reduce_max3A_505 : vector<16xi32>, vector<16xi1> -> vector<16xi32>
        %reduce_max3A_510 = arith.xori %reduce_max3A_509, %reduce_max3A_507 : vector<16xi32>
        %reduce_max3A_511 = vector.extract %reduce_max3A_510[15] : i32 from vector<16xi32>
        %ge3A_512 = arith.constant 0 : i32
        %ge3A_513 = arith.cmpi sge, %reduce_max3A_511, %ge3A_512 : i32
        %mul3A_514 = arith.constant 16 : i32
        %mul3A_515 = arith.muli %sub3A_486, %mul3A_514 : i32
        %add3A_516 = arith.addi %mul3A_515, %reduce_max3A_511 : i32
        %sub3A_517 = arith.constant 15 : i32
        %sub3A_518 = arith.subi %sub3A_517, %reduce_max3A_511 : i32
        %eq3A_519 = vector.broadcast %sub3A_518 : i32 to vector<16xi32>
        %eq3A_520 = arith.cmpi eq, %iota3A, %eq3A_519 : vector<16xi32>
        %sub3A_521 = arith.subi %add3A_497, %rev3A_493 : vector<16xi32>
        %jit3A_522 = arith.constant 0 : i32
        %broadcast_in_dim3A_523 = vector.broadcast %jit3A_522 : i32 to vector<16xi32>
        %select_n3A_524 = arith.select %eq3A_520, %sub3A_521, %broadcast_in_dim3A_523 : vector<16xi1>, vector<16xi32>
        %reduce_sum3A = arith.constant true
        %reduce_sum3A_525 = vector.broadcast %reduce_sum3A : i1 to vector<16xi1>
        %reduce_sum3A_526 = tpu.scan <sum>, %select_n3A_524 masked %reduce_sum3A_525 : vector<16xi32>, vector<16xi1> -> vector<16xi32>
        %reduce_sum3A_527 = vector.extract %reduce_sum3A_526[15] : i32 from vector<16xi32>
        %eq3A_528 = arith.constant 0 : i32
        %eq3A_529 = arith.cmpi eq, %scan3A_482, %eq3A_528 : i32
        %and3A_530 = arith.andi %eq3A_529, %ge3A_513 : i1
        %select_n3A_531 = arith.select %and3A_530, %add3A_516, %scan3A_483 : i32
        %select_n3A_532 = arith.select %and3A_530, %reduce_sum3A_527, %scan3A_484 : i32
        %jit3A_533 = arith.constant 1 : i32
        %select_n3A_534 = arith.select %ge3A_513, %jit3A_533, %scan3A_482 : i32
        %reduce_sum3A_535 = arith.constant true
        %reduce_sum3A_536 = vector.broadcast %reduce_sum3A_535 : i1 to vector<16xi1>
        %reduce_sum3A_537 = tpu.scan <sum>, %get3A_489 masked %reduce_sum3A_536 : vector<16xi32>, vector<16xi1> -> vector<16xi32>
        %reduce_sum3A_538 = vector.extract %reduce_sum3A_537[15] : i32 from vector<16xi32>
        %add3A_539 = arith.addi %scan3A_481, %reduce_sum3A_538 : i32
        scf.yield %add3A_539, %select_n3A_534, %select_n3A_531, %select_n3A_532 : i32, i32, i32, i32
      }
      %scan3A_190 = arith.constant 16 : i32
      %scan3A_191 = arith.constant 0 : i32
      %scan3A_192 = arith.constant 0 : i32
      %scan3A_193 = arith.constant 32 : i32
      %scan3A_194 = arith.addi %scan3A_192, %scan3A_193 : i32
      %scan3A_195 = arith.constant 1 : i32
      %scan3A_196 = scf.for %scan3A_480 = %scan3A_192 to %scan3A_194 step %scan3A_195 iter_args(%scan3A_481 = %scan3A_191) -> (i32)  : i32 {
        %mul3A_482 = arith.constant 8 : i32
        %mul3A_483 = arith.muli %scan3A_480, %mul3A_482 : i32
        %add3A_484 = arith.constant 0 : i32
        %add3A_485 = arith.addi %mul3A_483, %add3A_484 : i32
        %mul3A_486 = arith.constant 16 : i32
        %mul3A_487 = arith.muli %add3A_485, %mul3A_486 : i32
        %get3A = arith.index_cast %mul3A_487 : i32 to index
        %get3A_488 = tpu.vector_load %arg4[%get3A] {strides = array<i32>} : memref<4096xi32, #tpu.memory_space<vmem>>, vector<16xi32>,
        %add3A_489 = arith.constant 1065353217 : i32
        %add3A_490 = vector.broadcast %add3A_489 : i32 to vector<16xi32>
        %add3A_491 = arith.addi %get3A_488, %add3A_490 : vector<16xi32>
        %shift_right_arithmetic3A = arith.constant 23 : i32
        %shift_right_arithmetic3A_492 = vector.broadcast %shift_right_arithmetic3A : i32 to vector<16xi32>
        %shift_right_arithmetic3A_493 = arith.shrsi %add3A_491, %shift_right_arithmetic3A_492 : vector<16xi32>
        %eq3A_494 = vector.broadcast %scan3A_189#2 : i32 to vector<16xi32>
        %eq3A_495 = arith.cmpi eq, %shift_right_arithmetic3A_493, %eq3A_494 : vector<16xi32>
        %shift_right_arithmetic3A_496 = arith.constant 15 : i32
        %shift_right_arithmetic3A_497 = vector.broadcast %shift_right_arithmetic3A_496 : i32 to vector<16xi32>
        %shift_right_arithmetic3A_498 = arith.shrsi %add3A_491, %shift_right_arithmetic3A_497 : vector<16xi32>
        %and3A_499 = arith.constant 255 : i32
        %and3A_500 = vector.broadcast %and3A_499 : i32 to vector<16xi32>
        %and3A_501 = arith.andi %shift_right_arithmetic3A_498, %and3A_500 : vector<16xi32>
        tpu.vector_store_idx %arg7[%and3A_501], %broadcast_in_dim3A_3 masked %eq3A_495 {add = true} : memref<256xi32, #tpu.memory_space<vmem>>[vector<16xi32>], vector<16xi32>, vector<16xi1>
        %mul3A_502 = arith.constant 8 : i32
        %mul3A_503 = arith.muli %scan3A_480, %mul3A_502 : i32
        %add3A_504 = arith.constant 1 : i32
        %add3A_505 = arith.addi %mul3A_503, %add3A_504 : i32
        %mul3A_506 = arith.constant 16 : i32
        %mul3A_507 = arith.muli %add3A_505, %mul3A_506 : i32
        %get3A_508 = arith.index_cast %mul3A_507 : i32 to index
        %get3A_509 = tpu.vector_load %arg4[%get3A_508] {strides = array<i32>} : memref<4096xi32, #tpu.memory_space<vmem>>, vector<16xi32>,
        %add3A_510 = arith.constant 1065353217 : i32
        %add3A_511 = vector.broadcast %add3A_510 : i32 to vector<16xi32>
        %add3A_512 = arith.addi %get3A_509, %add3A_511 : vector<16xi32>
        %shift_right_arithmetic3A_513 = arith.constant 23 : i32
        %shift_right_arithmetic3A_514 = vector.broadcast %shift_right_arithmetic3A_513 : i32 to vector<16xi32>
        %shift_right_arithmetic3A_515 = arith.shrsi %add3A_512, %shift_right_arithmetic3A_514 : vector<16xi32>
        %eq3A_516 = vector.broadcast %scan3A_189#2 : i32 to vector<16xi32>
        %eq3A_517 = arith.cmpi eq, %shift_right_arithmetic3A_515, %eq3A_516 : vector<16xi32>
        %shift_right_arithmetic3A_518 = arith.constant 15 : i32
        %shift_right_arithmetic3A_519 = vector.broadcast %shift_right_arithmetic3A_518 : i32 to vector<16xi32>
        %shift_right_arithmetic3A_520 = arith.shrsi %add3A_512, %shift_right_arithmetic3A_519 : vector<16xi32>
        %and3A_521 = arith.constant 255 : i32
        %and3A_522 = vector.broadcast %and3A_521 : i32 to vector<16xi32>
        %and3A_523 = arith.andi %shift_right_arithmetic3A_520, %and3A_522 : vector<16xi32>
        tpu.vector_store_idx %arg7[%and3A_523], %broadcast_in_dim3A_3 masked %eq3A_517 {add = true} : memref<256xi32, #tpu.memory_space<vmem>>[vector<16xi32>], vector<16xi32>, vector<16xi1>
        %mul3A_524 = arith.constant 8 : i32
        %mul3A_525 = arith.muli %scan3A_480, %mul3A_524 : i32
        %add3A_526 = arith.constant 2 : i32
        %add3A_527 = arith.addi %mul3A_525, %add3A_526 : i32
        %mul3A_528 = arith.constant 16 : i32
        %mul3A_529 = arith.muli %add3A_527, %mul3A_528 : i32
        %get3A_530 = arith.index_cast %mul3A_529 : i32 to index
        %get3A_531 = tpu.vector_load %arg4[%get3A_530] {strides = array<i32>} : memref<4096xi32, #tpu.memory_space<vmem>>, vector<16xi32>,
        %add3A_532 = arith.constant 1065353217 : i32
        %add3A_533 = vector.broadcast %add3A_532 : i32 to vector<16xi32>
        %add3A_534 = arith.addi %get3A_531, %add3A_533 : vector<16xi32>
        %shift_right_arithmetic3A_535 = arith.constant 23 : i32
        %shift_right_arithmetic3A_536 = vector.broadcast %shift_right_arithmetic3A_535 : i32 to vector<16xi32>
        %shift_right_arithmetic3A_537 = arith.shrsi %add3A_534, %shift_right_arithmetic3A_536 : vector<16xi32>
        %eq3A_538 = vector.broadcast %scan3A_189#2 : i32 to vector<16xi32>
        %eq3A_539 = arith.cmpi eq, %shift_right_arithmetic3A_537, %eq3A_538 : vector<16xi32>
        %shift_right_arithmetic3A_540 = arith.constant 15 : i32
        %shift_right_arithmetic3A_541 = vector.broadcast %shift_right_arithmetic3A_540 : i32 to vector<16xi32>
        %shift_right_arithmetic3A_542 = arith.shrsi %add3A_534, %shift_right_arithmetic3A_541 : vector<16xi32>
        %and3A_543 = arith.constant 255 : i32
        %and3A_544 = vector.broadcast %and3A_543 : i32 to vector<16xi32>
        %and3A_545 = arith.andi %shift_right_arithmetic3A_542, %and3A_544 : vector<16xi32>
        tpu.vector_store_idx %arg7[%and3A_545], %broadcast_in_dim3A_3 masked %eq3A_539 {add = true} : memref<256xi32, #tpu.memory_space<vmem>>[vector<16xi32>], vector<16xi32>, vector<16xi1>
        %mul3A_546 = arith.constant 8 : i32
        %mul3A_547 = arith.muli %scan3A_480, %mul3A_546 : i32
        %add3A_548 = arith.constant 3 : i32
        %add3A_549 = arith.addi %mul3A_547, %add3A_548 : i32
        %mul3A_550 = arith.constant 16 : i32
        %mul3A_551 = arith.muli %add3A_549, %mul3A_550 : i32
        %get3A_552 = arith.index_cast %mul3A_551 : i32 to index
        %get3A_553 = tpu.vector_load %arg4[%get3A_552] {strides = array<i32>} : memref<4096xi32, #tpu.memory_space<vmem>>, vector<16xi32>,
        %add3A_554 = arith.constant 1065353217 : i32
        %add3A_555 = vector.broadcast %add3A_554 : i32 to vector<16xi32>
        %add3A_556 = arith.addi %get3A_553, %add3A_555 : vector<16xi32>
        %shift_right_arithmetic3A_557 = arith.constant 23 : i32
        %shift_right_arithmetic3A_558 = vector.broadcast %shift_right_arithmetic3A_557 : i32 to vector<16xi32>
        %shift_right_arithmetic3A_559 = arith.shrsi %add3A_556, %shift_right_arithmetic3A_558 : vector<16xi32>
        %eq3A_560 = vector.broadcast %scan3A_189#2 : i32 to vector<16xi32>
        %eq3A_561 = arith.cmpi eq, %shift_right_arithmetic3A_559, %eq3A_560 : vector<16xi32>
        %shift_right_arithmetic3A_562 = arith.constant 15 : i32
        %shift_right_arithmetic3A_563 = vector.broadcast %shift_right_arithmetic3A_562 : i32 to vector<16xi32>
        %shift_right_arithmetic3A_564 = arith.shrsi %add3A_556, %shift_right_arithmetic3A_563 : vector<16xi32>
        %and3A_565 = arith.constant 255 : i32
        %and3A_566 = vector.broadcast %and3A_565 : i32 to vector<16xi32>
        %and3A_567 = arith.andi %shift_right_arithmetic3A_564, %and3A_566 : vector<16xi32>
        tpu.vector_store_idx %arg7[%and3A_567], %broadcast_in_dim3A_3 masked %eq3A_561 {add = true} : memref<256xi32, #tpu.memory_space<vmem>>[vector<16xi32>], vector<16xi32>, vector<16xi1>
        %mul3A_568 = arith.constant 8 : i32
        %mul3A_569 = arith.muli %scan3A_480, %mul3A_568 : i32
        %add3A_570 = arith.constant 4 : i32
        %add3A_571 = arith.addi %mul3A_569, %add3A_570 : i32
        %mul3A_572 = arith.constant 16 : i32
        %mul3A_573 = arith.muli %add3A_571, %mul3A_572 : i32
        %get3A_574 = arith.index_cast %mul3A_573 : i32 to index
        %get3A_575 = tpu.vector_load %arg4[%get3A_574] {strides = array<i32>} : memref<4096xi32, #tpu.memory_space<vmem>>, vector<16xi32>,
        %add3A_576 = arith.constant 1065353217 : i32
        %add3A_577 = vector.broadcast %add3A_576 : i32 to vector<16xi32>
        %add3A_578 = arith.addi %get3A_575, %add3A_577 : vector<16xi32>
        %shift_right_arithmetic3A_579 = arith.constant 23 : i32
        %shift_right_arithmetic3A_580 = vector.broadcast %shift_right_arithmetic3A_579 : i32 to vector<16xi32>
        %shift_right_arithmetic3A_581 = arith.shrsi %add3A_578, %shift_right_arithmetic3A_580 : vector<16xi32>
        %eq3A_582 = vector.broadcast %scan3A_189#2 : i32 to vector<16xi32>
        %eq3A_583 = arith.cmpi eq, %shift_right_arithmetic3A_581, %eq3A_582 : vector<16xi32>
        %shift_right_arithmetic3A_584 = arith.constant 15 : i32
        %shift_right_arithmetic3A_585 = vector.broadcast %shift_right_arithmetic3A_584 : i32 to vector<16xi32>
        %shift_right_arithmetic3A_586 = arith.shrsi %add3A_578, %shift_right_arithmetic3A_585 : vector<16xi32>
        %and3A_587 = arith.constant 255 : i32
        %and3A_588 = vector.broadcast %and3A_587 : i32 to vector<16xi32>
        %and3A_589 = arith.andi %shift_right_arithmetic3A_586, %and3A_588 : vector<16xi32>
        tpu.vector_store_idx %arg7[%and3A_589], %broadcast_in_dim3A_3 masked %eq3A_583 {add = true} : memref<256xi32, #tpu.memory_space<vmem>>[vector<16xi32>], vector<16xi32>, vector<16xi1>
        %mul3A_590 = arith.constant 8 : i32
        %mul3A_591 = arith.muli %scan3A_480, %mul3A_590 : i32
        %add3A_592 = arith.constant 5 : i32
        %add3A_593 = arith.addi %mul3A_591, %add3A_592 : i32
        %mul3A_594 = arith.constant 16 : i32
        %mul3A_595 = arith.muli %add3A_593, %mul3A_594 : i32
        %get3A_596 = arith.index_cast %mul3A_595 : i32 to index
        %get3A_597 = tpu.vector_load %arg4[%get3A_596] {strides = array<i32>} : memref<4096xi32, #tpu.memory_space<vmem>>, vector<16xi32>,
        %add3A_598 = arith.constant 1065353217 : i32
        %add3A_599 = vector.broadcast %add3A_598 : i32 to vector<16xi32>
        %add3A_600 = arith.addi %get3A_597, %add3A_599 : vector<16xi32>
        %shift_right_arithmetic3A_601 = arith.constant 23 : i32
        %shift_right_arithmetic3A_602 = vector.broadcast %shift_right_arithmetic3A_601 : i32 to vector<16xi32>
        %shift_right_arithmetic3A_603 = arith.shrsi %add3A_600, %shift_right_arithmetic3A_602 : vector<16xi32>
        %eq3A_604 = vector.broadcast %scan3A_189#2 : i32 to vector<16xi32>
        %eq3A_605 = arith.cmpi eq, %shift_right_arithmetic3A_603, %eq3A_604 : vector<16xi32>
        %shift_right_arithmetic3A_606 = arith.constant 15 : i32
        %shift_right_arithmetic3A_607 = vector.broadcast %shift_right_arithmetic3A_606 : i32 to vector<16xi32>
        %shift_right_arithmetic3A_608 = arith.shrsi %add3A_600, %shift_right_arithmetic3A_607 : vector<16xi32>
        %and3A_609 = arith.constant 255 : i32
        %and3A_610 = vector.broadcast %and3A_609 : i32 to vector<16xi32>
        %and3A_611 = arith.andi %shift_right_arithmetic3A_608, %and3A_610 : vector<16xi32>
        tpu.vector_store_idx %arg7[%and3A_611], %broadcast_in_dim3A_3 masked %eq3A_605 {add = true} : memref<256xi32, #tpu.memory_space<vmem>>[vector<16xi32>], vector<16xi32>, vector<16xi1>
        %mul3A_612 = arith.constant 8 : i32
        %mul3A_613 = arith.muli %scan3A_480, %mul3A_612 : i32
        %add3A_614 = arith.constant 6 : i32
        %add3A_615 = arith.addi %mul3A_613, %add3A_614 : i32
        %mul3A_616 = arith.constant 16 : i32
        %mul3A_617 = arith.muli %add3A_615, %mul3A_616 : i32
        %get3A_618 = arith.index_cast %mul3A_617 : i32 to index
        %get3A_619 = tpu.vector_load %arg4[%get3A_618] {strides = array<i32>} : memref<4096xi32, #tpu.memory_space<vmem>>, vector<16xi32>,
        %add3A_620 = arith.constant 1065353217 : i32
        %add3A_621 = vector.broadcast %add3A_620 : i32 to vector<16xi32>
        %add3A_622 = arith.addi %get3A_619, %add3A_621 : vector<16xi32>
        %shift_right_arithmetic3A_623 = arith.constant 23 : i32
        %shift_right_arithmetic3A_624 = vector.broadcast %shift_right_arithmetic3A_623 : i32 to vector<16xi32>
        %shift_right_arithmetic3A_625 = arith.shrsi %add3A_622, %shift_right_arithmetic3A_624 : vector<16xi32>
        %eq3A_626 = vector.broadcast %scan3A_189#2 : i32 to vector<16xi32>
        %eq3A_627 = arith.cmpi eq, %shift_right_arithmetic3A_625, %eq3A_626 : vector<16xi32>
        %shift_right_arithmetic3A_628 = arith.constant 15 : i32
        %shift_right_arithmetic3A_629 = vector.broadcast %shift_right_arithmetic3A_628 : i32 to vector<16xi32>
        %shift_right_arithmetic3A_630 = arith.shrsi %add3A_622, %shift_right_arithmetic3A_629 : vector<16xi32>
        %and3A_631 = arith.constant 255 : i32
        %and3A_632 = vector.broadcast %and3A_631 : i32 to vector<16xi32>
        %and3A_633 = arith.andi %shift_right_arithmetic3A_630, %and3A_632 : vector<16xi32>
        tpu.vector_store_idx %arg7[%and3A_633], %broadcast_in_dim3A_3 masked %eq3A_627 {add = true} : memref<256xi32, #tpu.memory_space<vmem>>[vector<16xi32>], vector<16xi32>, vector<16xi1>
        %mul3A_634 = arith.constant 8 : i32
        %mul3A_635 = arith.muli %scan3A_480, %mul3A_634 : i32
        %add3A_636 = arith.constant 7 : i32
        %add3A_637 = arith.addi %mul3A_635, %add3A_636 : i32
        %mul3A_638 = arith.constant 16 : i32
        %mul3A_639 = arith.muli %add3A_637, %mul3A_638 : i32
        %get3A_640 = arith.index_cast %mul3A_639 : i32 to index
        %get3A_641 = tpu.vector_load %arg4[%get3A_640] {strides = array<i32>} : memref<4096xi32, #tpu.memory_space<vmem>>, vector<16xi32>,
        %add3A_642 = arith.constant 1065353217 : i32
        %add3A_643 = vector.broadcast %add3A_642 : i32 to vector<16xi32>
        %add3A_644 = arith.addi %get3A_641, %add3A_643 : vector<16xi32>
        %shift_right_arithmetic3A_645 = arith.constant 23 : i32
        %shift_right_arithmetic3A_646 = vector.broadcast %shift_right_arithmetic3A_645 : i32 to vector<16xi32>
        %shift_right_arithmetic3A_647 = arith.shrsi %add3A_644, %shift_right_arithmetic3A_646 : vector<16xi32>
        %eq3A_648 = vector.broadcast %scan3A_189#2 : i32 to vector<16xi32>
        %eq3A_649 = arith.cmpi eq, %shift_right_arithmetic3A_647, %eq3A_648 : vector<16xi32>
        %shift_right_arithmetic3A_650 = arith.constant 15 : i32
        %shift_right_arithmetic3A_651 = vector.broadcast %shift_right_arithmetic3A_650 : i32 to vector<16xi32>
        %shift_right_arithmetic3A_652 = arith.shrsi %add3A_644, %shift_right_arithmetic3A_651 : vector<16xi32>
        %and3A_653 = arith.constant 255 : i32
        %and3A_654 = vector.broadcast %and3A_653 : i32 to vector<16xi32>
        %and3A_655 = arith.andi %shift_right_arithmetic3A_652, %and3A_654 : vector<16xi32>
        tpu.vector_store_idx %arg7[%and3A_655], %broadcast_in_dim3A_3 masked %eq3A_649 {add = true} : memref<256xi32, #tpu.memory_space<vmem>>[vector<16xi32>], vector<16xi32>, vector<16xi1>
        %scan3A_656 = arith.constant 0 : i32
        scf.yield %scan3A_656 : i32
      }
      %scan3A_197 = arith.constant 32 : i32
      %sub3A = arith.constant 410 : i32
      %sub3A_198 = arith.subi %sub3A, %scan3A_189#3 : i32
      %scan3A_199 = arith.constant 0 : i32
      %scan3A_200 = arith.constant 0 : i32
      %scan3A_201 = arith.constant 0 : i32
      %scan3A_202 = arith.constant 0 : i32
      %scan3A_203 = arith.constant 0 : i32
      %scan3A_204 = arith.constant 16 : i32
      %scan3A_205 = arith.addi %scan3A_203, %scan3A_204 : i32
      %scan3A_206 = arith.constant 1 : i32
      %scan3A_207:4 = scf.for %scan3A_480 = %scan3A_203 to %scan3A_205 step %scan3A_206 iter_args(%scan3A_481 = %scan3A_199, %scan3A_482 = %scan3A_200, %scan3A_483 = %scan3A_201, %scan3A_484 = %scan3A_202) -> (i32, i32, i32, i32)  : i32 {
        %sub3A_485 = arith.constant 15 : i32
        %sub3A_486 = arith.subi %sub3A_485, %scan3A_480 : i32
        %mul3A_487 = arith.constant 16 : i32
        %mul3A_488 = arith.muli %sub3A_486, %mul3A_487 : i32
        %get3A = arith.index_cast %mul3A_488 : i32 to index
        %get3A_489 = tpu.vector_load %arg7[%get3A] {strides = array<i32>} : memref<256xi32, #tpu.memory_space<vmem>>, vector<16xi32>,
        %rev3A = arith.constant 15 : i32
        %rev3A_490 = vector.broadcast %rev3A : i32 to vector<16xi32>
        %rev3A_491 = tpu.iota {dimensions = array<i32: 0>} : vector<16xi32>
        %rev3A_492 = arith.subi %rev3A_490, %rev3A_491 : vector<16xi32>
        %rev3A_493 = tpu.dynamic_gather %get3A_489[%rev3A_492] in [0] : vector<16xi32>, vector<16xi32> -> vector<16xi32>
        %broadcast_in_dim3A_494 = arith.constant true
        %broadcast_in_dim3A_495 = vector.broadcast %broadcast_in_dim3A_494 : i1 to vector<16xi1>
        %masked_cumsum3A = tpu.scan <sum>, %rev3A_493 masked %broadcast_in_dim3A_495 : vector<16xi32>, vector<16xi1> -> vector<16xi32>
        %add3A_496 = vector.broadcast %scan3A_481 : i32 to vector<16xi32>
        %add3A_497 = arith.addi %masked_cumsum3A, %add3A_496 : vector<16xi32>
        %ge3A = vector.broadcast %sub3A_198 : i32 to vector<16xi32>
        %ge3A_498 = arith.cmpi sge, %add3A_497, %ge3A : vector<16xi32>
        %sub3A_499 = arith.constant 15 : i32
        %sub3A_500 = vector.broadcast %sub3A_499 : i32 to vector<16xi32>
        %sub3A_501 = arith.subi %sub3A_500, %iota3A : vector<16xi32>
        %jit3A_502 = arith.constant -1 : i32
        %broadcast_in_dim3A_503 = vector.broadcast %jit3A_502 : i32 to vector<16xi32>
        %select_n3A_504 = arith.select %ge3A_498, %sub3A_501, %broadcast_in_dim3A_503 : vector<16xi1>, vector<16xi32>
        %reduce_max3A = arith.constant true
        %reduce_max3A_505 = vector.broadcast %reduce_max3A : i1 to vector<16xi1>
        %reduce_max3A_506 = arith.constant -2147483648 : i32
        %reduce_max3A_507 = vector.broadcast %reduce_max3A_506 : i32 to vector<16xi32>
        %reduce_max3A_508 = arith.xori %select_n3A_504, %reduce_max3A_507 : vector<16xi32>
        %reduce_max3A_509 = tpu.scan <max>, %reduce_max3A_508 masked %reduce_max3A_505 : vector<16xi32>, vector<16xi1> -> vector<16xi32>
        %reduce_max3A_510 = arith.xori %reduce_max3A_509, %reduce_max3A_507 : vector<16xi32>
        %reduce_max3A_511 = vector.extract %reduce_max3A_510[15] : i32 from vector<16xi32>
        %ge3A_512 = arith.constant 0 : i32
        %ge3A_513 = arith.cmpi sge, %reduce_max3A_511, %ge3A_512 : i32
        %mul3A_514 = arith.constant 16 : i32
        %mul3A_515 = arith.muli %sub3A_486, %mul3A_514 : i32
        %add3A_516 = arith.addi %mul3A_515, %reduce_max3A_511 : i32
        %sub3A_517 = arith.constant 15 : i32
        %sub3A_518 = arith.subi %sub3A_517, %reduce_max3A_511 : i32
        %eq3A_519 = vector.broadcast %sub3A_518 : i32 to vector<16xi32>
        %eq3A_520 = arith.cmpi eq, %iota3A, %eq3A_519 : vector<16xi32>
        %sub3A_521 = arith.subi %add3A_497, %rev3A_493 : vector<16xi32>
        %jit3A_522 = arith.constant 0 : i32
        %broadcast_in_dim3A_523 = vector.broadcast %jit3A_522 : i32 to vector<16xi32>
        %select_n3A_524 = arith.select %eq3A_520, %sub3A_521, %broadcast_in_dim3A_523 : vector<16xi1>, vector<16xi32>
        %reduce_sum3A = arith.constant true
        %reduce_sum3A_525 = vector.broadcast %reduce_sum3A : i1 to vector<16xi1>
        %reduce_sum3A_526 = tpu.scan <sum>, %select_n3A_524 masked %reduce_sum3A_525 : vector<16xi32>, vector<16xi1> -> vector<16xi32>
        %reduce_sum3A_527 = vector.extract %reduce_sum3A_526[15] : i32 from vector<16xi32>
        %eq3A_528 = arith.constant 0 : i32
        %eq3A_529 = arith.cmpi eq, %scan3A_482, %eq3A_528 : i32
        %and3A_530 = arith.andi %eq3A_529, %ge3A_513 : i1
        %select_n3A_531 = arith.select %and3A_530, %add3A_516, %scan3A_483 : i32
        %select_n3A_532 = arith.select %and3A_530, %reduce_sum3A_527, %scan3A_484 : i32
        %jit3A_533 = arith.constant 1 : i32
        %select_n3A_534 = arith.select %ge3A_513, %jit3A_533, %scan3A_482 : i32
        %reduce_sum3A_535 = arith.constant true
        %reduce_sum3A_536 = vector.broadcast %reduce_sum3A_535 : i1 to vector<16xi1>
        %reduce_sum3A_537 = tpu.scan <sum>, %get3A_489 masked %reduce_sum3A_536 : vector<16xi32>, vector<16xi1> -> vector<16xi32>
        %reduce_sum3A_538 = vector.extract %reduce_sum3A_537[15] : i32 from vector<16xi32>
        %add3A_539 = arith.addi %scan3A_481, %reduce_sum3A_538 : i32
        scf.yield %add3A_539, %select_n3A_534, %select_n3A_531, %select_n3A_532 : i32, i32, i32, i32
      }
      %scan3A_208 = arith.constant 16 : i32
      %shift_left3A = arith.constant 8 : i32
      %shift_left3A_209 = arith.shli %scan3A_189#2, %shift_left3A : i32
      %or3A = arith.ori %shift_left3A_209, %scan3A_207#2 : i32
      %shift_left3A_210 = arith.constant 15 : i32
      %shift_left3A_211 = arith.shli %or3A, %shift_left3A_210 : i32
      %sub3A_212 = arith.constant 1065353217 : i32
      %sub3A_213 = arith.subi %shift_left3A_211, %sub3A_212 : i32
      %jit3A = arith.constant 16 : i32
      %eq3A = arith.constant 0 : i32
      %eq3A_214 = arith.cmpi eq, %jit3A, %eq3A : i32
      %jit3A_215 = arith.constant 1 : i32
      %select_n3A = arith.select %eq3A_214, %jit3A_215, %jit3A : i32
      %rem3A = arith.remsi %add3A_26, %select_n3A : i32
      %ne3A = arith.constant 0 : i32
      %ne3A_216 = arith.cmpi ne, %rem3A, %ne3A : i32
      %lt3A = arith.constant 0 : i32
      %lt3A_217 = arith.cmpi slt, %rem3A, %lt3A : i32
      %lt3A_218 = arith.constant 0 : i32
      %lt3A_219 = arith.cmpi slt, %select_n3A, %lt3A_218 : i32
      %ne3A_220 = arith.xori %lt3A_217, %lt3A_219 : i1
      %and3A = arith.andi %ne3A_220, %ne3A_216 : i1
      %add3A_221 = arith.addi %rem3A, %select_n3A : i32
      %select_n3A_222 = arith.select %and3A, %add3A_221, %rem3A : i32
      %eq3A_223 = vector.broadcast %select_n3A_222 : i32 to vector<16xi32>
      %eq3A_224 = arith.cmpi eq, %iota3A, %eq3A_223 : vector<16xi32>
      %broadcast_in_dim3A_225 = vector.broadcast %sub3A_213 : i32 to vector<16xi32>
      %select_n3A_226 = arith.select %eq3A_224, %broadcast_in_dim3A_225, %scan3A_22 : vector<16xi1>, vector<16xi32>
      %jit3A_227 = arith.constant 16 : i32
      %eq3A_228 = arith.constant 0 : i32
      %eq3A_229 = arith.cmpi eq, %jit3A_227, %eq3A_228 : i32
      %jit3A_230 = arith.constant 1 : i32
      %select_n3A_231 = arith.select %eq3A_229, %jit3A_230, %jit3A_227 : i32
      %rem3A_232 = arith.remsi %add3A_26, %select_n3A_231 : i32
      %ne3A_233 = arith.constant 0 : i32
      %ne3A_234 = arith.cmpi ne, %rem3A_232, %ne3A_233 : i32
      %lt3A_235 = arith.constant 0 : i32
      %lt3A_236 = arith.cmpi slt, %rem3A_232, %lt3A_235 : i32
      %lt3A_237 = arith.constant 0 : i32
      %lt3A_238 = arith.cmpi slt, %select_n3A_231, %lt3A_237 : i32
      %ne3A_239 = arith.xori %lt3A_236, %lt3A_238 : i1
      %and3A_240 = arith.andi %ne3A_239, %ne3A_234 : i1
      %add3A_241 = arith.addi %rem3A_232, %select_n3A_231 : i32
      %select_n3A_242 = arith.select %and3A_240, %add3A_241, %rem3A_232 : i32
      %eq3A_243 = arith.constant 15 : i32
      %eq3A_244 = arith.cmpi eq, %select_n3A_242, %eq3A_243 : i32
      %convert_element_type3A = arith.extui %eq3A_244 : i1 to i32
      %cond3A = arith.constant 0 : i32
      %cond3A_245 = arith.cmpi ne, %convert_element_type3A, %cond3A : i32
      scf.if %cond3A_245 {
        %jit3A_480 = arith.constant 16 : i32
        %div3A = arith.divsi %add3A_26, %jit3A_480 : i32
        %sign3A = arith.constant 0 : i32
        %sign3A_481 = arith.cmpi sgt, %add3A_26, %sign3A : i32
        %sign3A_482 = arith.extui %sign3A_481 : i1 to i32
        %sign3A_483 = arith.constant 0 : i32
        %sign3A_484 = arith.cmpi slt, %add3A_26, %sign3A_483 : i32
        %sign3A_485 = arith.extui %sign3A_484 : i1 to i32
        %sign3A_486 = arith.subi %sign3A_482, %sign3A_485 : i32
        %sign3A_487 = arith.constant 0 : i32
        %sign3A_488 = arith.cmpi sgt, %jit3A_480, %sign3A_487 : i32
        %sign3A_489 = arith.extui %sign3A_488 : i1 to i32
        %sign3A_490 = arith.constant 0 : i32
        %sign3A_491 = arith.cmpi slt, %jit3A_480, %sign3A_490 : i32
        %sign3A_492 = arith.extui %sign3A_491 : i1 to i32
        %sign3A_493 = arith.subi %sign3A_489, %sign3A_492 : i32
        %ne3A_494 = arith.cmpi ne, %sign3A_486, %sign3A_493 : i32
        %rem3A_495 = arith.remsi %add3A_26, %jit3A_480 : i32
        %ne3A_496 = arith.constant 0 : i32
        %ne3A_497 = arith.cmpi ne, %rem3A_495, %ne3A_496 : i32
        %and3A_498 = arith.andi %ne3A_494, %ne3A_497 : i1
        %sub3A_499 = arith.constant 1 : i32
        %sub3A_500 = arith.subi %div3A, %sub3A_499 : i32
        %select_n3A_501 = arith.select %and3A_498, %sub3A_500, %div3A : i32
        %mul3A_502 = arith.constant 16 : i32
        %mul3A_503 = arith.muli %select_n3A_501, %mul3A_502 : i32
        %swap3A_504 = arith.index_cast %mul3A_503 : i32 to index
        %swap3A_505 = tpu.vector_load %arg8[%swap3A_504] {strides = array<i32>} : memref<96xi32, #tpu.memory_space<vmem>>, vector<16xi32>,
        tpu.vector_store %arg8[%swap3A_504], %select_n3A_226 {strides = array<i32>} : memref<96xi32, #tpu.memory_space<vmem>>, vector<16xi32>,
      } else {
      }
      %mul3A_246 = arith.constant 2 : i32
      %mul3A_247 = arith.muli %scan3A_21, %mul3A_246 : i32
      %add3A_248 = arith.constant 1 : i32
      %add3A_249 = arith.addi %mul3A_247, %add3A_248 : i32
      %add3A_250 = arith.addi %mul3A_2, %add3A_249 : i32
      %dma_wait3A_251 = arith.constant 0 : i32
      %dma_wait3A_252 = tpu.memref_slice %arg2[%add3A_250, %dma_wait3A_251] : memref<3072x4096xi32, #tpu.memory_space<hbm>> -> memref<1x4096xi32, #tpu.memory_space<hbm>>
      %dma_wait3A_253 = tpu.memref_squeeze %dma_wait3A_252 : memref<1x4096xi32, #tpu.memory_space<hbm>> -> memref<4096xi32, #tpu.memory_space<hbm>>
      %dma_wait3A_254 = arith.constant 0 : i32
      %dma_wait3A_255 = tpu.memref_slice %arg2[%add3A_250, %dma_wait3A_254] : memref<3072x4096xi32, #tpu.memory_space<hbm>> -> memref<1x4096xi32, #tpu.memory_space<hbm>>
      %dma_wait3A_256 = tpu.memref_squeeze %dma_wait3A_255 : memref<1x4096xi32, #tpu.memory_space<hbm>> -> memref<4096xi32, #tpu.memory_space<hbm>>
      tpu.wait_dma2 semaphore(%arg10 : memref<!tpu.dma_semaphore, #tpu.memory_space<semaphore_mem>>) src(%dma_wait3A_256 : memref<4096xi32, #tpu.memory_space<hbm>>) dst(%arg5 : memref<4096xi32, #tpu.memory_space<vmem>>)
      %add3A_257 = arith.constant 2 : i32
      %add3A_258 = arith.addi %add3A_250, %add3A_257 : i32
      %min3A_259 = arith.constant 3071 : i32
      %min3A_260 = arith.minsi %add3A_258, %min3A_259 : i32
      %dma_start3A_261 = arith.constant 0 : i32
      %dma_start3A_262 = tpu.memref_slice %arg2[%min3A_260, %dma_start3A_261] : memref<3072x4096xi32, #tpu.memory_space<hbm>> -> memref<1x4096xi32, #tpu.memory_space<hbm>>
      %dma_start3A_263 = tpu.memref_squeeze %dma_start3A_262 : memref<1x4096xi32, #tpu.memory_space<hbm>> -> memref<4096xi32, #tpu.memory_space<hbm>>
      %dma_start3A_264 = arith.constant 0 : i32
      %dma_start3A_265 = tpu.memref_slice %arg2[%min3A_260, %dma_start3A_264] : memref<3072x4096xi32, #tpu.memory_space<hbm>> -> memref<1x4096xi32, #tpu.memory_space<hbm>>
      %dma_start3A_266 = tpu.memref_squeeze %dma_start3A_265 : memref<1x4096xi32, #tpu.memory_space<hbm>> -> memref<4096xi32, #tpu.memory_space<hbm>>
      tpu.enqueue_dma source(%dma_start3A_266 : memref<4096xi32, #tpu.memory_space<hbm>>) target(%arg4 : memref<4096xi32, #tpu.memory_space<vmem>>) target_semaphore(%arg9 : memref<!tpu.dma_semaphore, #tpu.memory_space<semaphore_mem>>)
      %broadcast_in_dim3A_267 = arith.constant 0 : i32
      %broadcast_in_dim3A_268 = vector.broadcast %broadcast_in_dim3A_267 : i32 to vector<16xi32>
      %swap3A_269 = arith.constant 0 : index
      %swap3A_270 = tpu.vector_load %arg6[%swap3A_269] {strides = array<i32>} : memref<256xi32, #tpu.memory_space<vmem>>, vector<16xi32>,
      tpu.vector_store %arg6[%swap3A_269], %broadcast_in_dim3A_268 {strides = array<i32>} : memref<256xi32, #tpu.memory_space<vmem>>, vector<16xi32>,
      %broadcast_in_dim3A_271 = arith.constant 0 : i32
      %broadcast_in_dim3A_272 = vector.broadcast %broadcast_in_dim3A_271 : i32 to vector<16xi32>
      %swap3A_273 = arith.constant 0 : index
      %swap3A_274 = tpu.vector_load %arg7[%swap3A_273] {strides = array<i32>} : memref<256xi32, #tpu.memory_space<vmem>>, vector<16xi32>,
      tpu.vector_store %arg7[%swap3A_273], %broadcast_in_dim3A_272 {strides = array<i32>} : memref<256xi32, #tpu.memory_space<vmem>>, vector<16xi32>,
      %broadcast_in_dim3A_275 = arith.constant 0 : i32
      %broadcast_in_dim3A_276 = vector.broadcast %broadcast_in_dim3A_275 : i32 to vector<16xi32>
      %swap3A_277 = arith.constant 16 : index
      %swap3A_278 = tpu.vector_load %arg6[%swap3A_277] {strides = array<i32>} : memref<256xi32, #tpu.memory_space<vmem>>, vector<16xi32>,
      tpu.vector_store %arg6[%swap3A_277], %broadcast_in_dim3A_276 {strides = array<i32>} : memref<256xi32, #tpu.memory_space<vmem>>, vector<16xi32>,
      %broadcast_in_dim3A_279 = arith.constant 0 : i32
      %broadcast_in_dim3A_280 = vector.broadcast %broadcast_in_dim3A_279 : i32 to vector<16xi32>
      %swap3A_281 = arith.constant 16 : index
      %swap3A_282 = tpu.vector_load %arg7[%swap3A_281] {strides = array<i32>} : memref<256xi32, #tpu.memory_space<vmem>>, vector<16xi32>,
      tpu.vector_store %arg7[%swap3A_281], %broadcast_in_dim3A_280 {strides = array<i32>} : memref<256xi32, #tpu.memory_space<vmem>>, vector<16xi32>,
      %broadcast_in_dim3A_283 = arith.constant 0 : i32
      %broadcast_in_dim3A_284 = vector.broadcast %broadcast_in_dim3A_283 : i32 to vector<16xi32>
      %swap3A_285 = arith.constant 32 : index
      %swap3A_286 = tpu.vector_load %arg6[%swap3A_285] {strides = array<i32>} : memref<256xi32, #tpu.memory_space<vmem>>, vector<16xi32>,
      tpu.vector_store %arg6[%swap3A_285], %broadcast_in_dim3A_284 {strides = array<i32>} : memref<256xi32, #tpu.memory_space<vmem>>, vector<16xi32>,
      %broadcast_in_dim3A_287 = arith.constant 0 : i32
      %broadcast_in_dim3A_288 = vector.broadcast %broadcast_in_dim3A_287 : i32 to vector<16xi32>
      %swap3A_289 = arith.constant 32 : index
      %swap3A_290 = tpu.vector_load %arg7[%swap3A_289] {strides = array<i32>} : memref<256xi32, #tpu.memory_space<vmem>>, vector<16xi32>,
      tpu.vector_store %arg7[%swap3A_289], %broadcast_in_dim3A_288 {strides = array<i32>} : memref<256xi32, #tpu.memory_space<vmem>>, vector<16xi32>,
      %broadcast_in_dim3A_291 = arith.constant 0 : i32
      %broadcast_in_dim3A_292 = vector.broadcast %broadcast_in_dim3A_291 : i32 to vector<16xi32>
      %swap3A_293 = arith.constant 48 : index
      %swap3A_294 = tpu.vector_load %arg6[%swap3A_293] {strides = array<i32>} : memref<256xi32, #tpu.memory_space<vmem>>, vector<16xi32>,
      tpu.vector_store %arg6[%swap3A_293], %broadcast_in_dim3A_292 {strides = array<i32>} : memref<256xi32, #tpu.memory_space<vmem>>, vector<16xi32>,
      %broadcast_in_dim3A_295 = arith.constant 0 : i32
      %broadcast_in_dim3A_296 = vector.broadcast %broadcast_in_dim3A_295 : i32 to vector<16xi32>
      %swap3A_297 = arith.constant 48 : index
      %swap3A_298 = tpu.vector_load %arg7[%swap3A_297] {strides = array<i32>} : memref<256xi32, #tpu.memory_space<vmem>>, vector<16xi32>,
      tpu.vector_store %arg7[%swap3A_297], %broadcast_in_dim3A_296 {strides = array<i32>} : memref<256xi32, #tpu.memory_space<vmem>>, vector<16xi32>,
      %broadcast_in_dim3A_299 = arith.constant 0 : i32
      %broadcast_in_dim3A_300 = vector.broadcast %broadcast_in_dim3A_299 : i32 to vector<16xi32>
      %swap3A_301 = arith.constant 64 : index
      %swap3A_302 = tpu.vector_load %arg6[%swap3A_301] {strides = array<i32>} : memref<256xi32, #tpu.memory_space<vmem>>, vector<16xi32>,
      tpu.vector_store %arg6[%swap3A_301], %broadcast_in_dim3A_300 {strides = array<i32>} : memref<256xi32, #tpu.memory_space<vmem>>, vector<16xi32>,
      %broadcast_in_dim3A_303 = arith.constant 0 : i32
      %broadcast_in_dim3A_304 = vector.broadcast %broadcast_in_dim3A_303 : i32 to vector<16xi32>
      %swap3A_305 = arith.constant 64 : index
      %swap3A_306 = tpu.vector_load %arg7[%swap3A_305] {strides = array<i32>} : memref<256xi32, #tpu.memory_space<vmem>>, vector<16xi32>,
      tpu.vector_store %arg7[%swap3A_305], %broadcast_in_dim3A_304 {strides = array<i32>} : memref<256xi32, #tpu.memory_space<vmem>>, vector<16xi32>,
      %broadcast_in_dim3A_307 = arith.constant 0 : i32
      %broadcast_in_dim3A_308 = vector.broadcast %broadcast_in_dim3A_307 : i32 to vector<16xi32>
      %swap3A_309 = arith.constant 80 : index
      %swap3A_310 = tpu.vector_load %arg6[%swap3A_309] {strides = array<i32>} : memref<256xi32, #tpu.memory_space<vmem>>, vector<16xi32>,
      tpu.vector_store %arg6[%swap3A_309], %broadcast_in_dim3A_308 {strides = array<i32>} : memref<256xi32, #tpu.memory_space<vmem>>, vector<16xi32>,
      %broadcast_in_dim3A_311 = arith.constant 0 : i32
      %broadcast_in_dim3A_312 = vector.broadcast %broadcast_in_dim3A_311 : i32 to vector<16xi32>
      %swap3A_313 = arith.constant 80 : index
      %swap3A_314 = tpu.vector_load %arg7[%swap3A_313] {strides = array<i32>} : memref<256xi32, #tpu.memory_space<vmem>>, vector<16xi32>,
      tpu.vector_store %arg7[%swap3A_313], %broadcast_in_dim3A_312 {strides = array<i32>} : memref<256xi32, #tpu.memory_space<vmem>>, vector<16xi32>,
      %broadcast_in_dim3A_315 = arith.constant 0 : i32
      %broadcast_in_dim3A_316 = vector.broadcast %broadcast_in_dim3A_315 : i32 to vector<16xi32>
      %swap3A_317 = arith.constant 96 : index
      %swap3A_318 = tpu.vector_load %arg6[%swap3A_317] {strides = array<i32>} : memref<256xi32, #tpu.memory_space<vmem>>, vector<16xi32>,
      tpu.vector_store %arg6[%swap3A_317], %broadcast_in_dim3A_316 {strides = array<i32>} : memref<256xi32, #tpu.memory_space<vmem>>, vector<16xi32>,
      %broadcast_in_dim3A_319 = arith.constant 0 : i32
      %broadcast_in_dim3A_320 = vector.broadcast %broadcast_in_dim3A_319 : i32 to vector<16xi32>
      %swap3A_321 = arith.constant 96 : index
      %swap3A_322 = tpu.vector_load %arg7[%swap3A_321] {strides = array<i32>} : memref<256xi32, #tpu.memory_space<vmem>>, vector<16xi32>,
      tpu.vector_store %arg7[%swap3A_321], %broadcast_in_dim3A_320 {strides = array<i32>} : memref<256xi32, #tpu.memory_space<vmem>>, vector<16xi32>,
      %broadcast_in_dim3A_323 = arith.constant 0 : i32
      %broadcast_in_dim3A_324 = vector.broadcast %broadcast_in_dim3A_323 : i32 to vector<16xi32>
      %swap3A_325 = arith.constant 112 : index
      %swap3A_326 = tpu.vector_load %arg6[%swap3A_325] {strides = array<i32>} : memref<256xi32, #tpu.memory_space<vmem>>, vector<16xi32>,
      tpu.vector_store %arg6[%swap3A_325], %broadcast_in_dim3A_324 {strides = array<i32>} : memref<256xi32, #tpu.memory_space<vmem>>, vector<16xi32>,
      %broadcast_in_dim3A_327 = arith.constant 0 : i32
      %broadcast_in_dim3A_328 = vector.broadcast %broadcast_in_dim3A_327 : i32 to vector<16xi32>
      %swap3A_329 = arith.constant 112 : index
      %swap3A_330 = tpu.vector_load %arg7[%swap3A_329] {strides = array<i32>} : memref<256xi32, #tpu.memory_space<vmem>>, vector<16xi32>,
      tpu.vector_store %arg7[%swap3A_329], %broadcast_in_dim3A_328 {strides = array<i32>} : memref<256xi32, #tpu.memory_space<vmem>>, vector<16xi32>,
      %broadcast_in_dim3A_331 = arith.constant 0 : i32
      %broadcast_in_dim3A_332 = vector.broadcast %broadcast_in_dim3A_331 : i32 to vector<16xi32>
      %swap3A_333 = arith.constant 128 : index
      %swap3A_334 = tpu.vector_load %arg6[%swap3A_333] {strides = array<i32>} : memref<256xi32, #tpu.memory_space<vmem>>, vector<16xi32>,
      tpu.vector_store %arg6[%swap3A_333], %broadcast_in_dim3A_332 {strides = array<i32>} : memref<256xi32, #tpu.memory_space<vmem>>, vector<16xi32>,
      %broadcast_in_dim3A_335 = arith.constant 0 : i32
      %broadcast_in_dim3A_336 = vector.broadcast %broadcast_in_dim3A_335 : i32 to vector<16xi32>
      %swap3A_337 = arith.constant 128 : index
      %swap3A_338 = tpu.vector_load %arg7[%swap3A_337] {strides = array<i32>} : memref<256xi32, #tpu.memory_space<vmem>>, vector<16xi32>,
      tpu.vector_store %arg7[%swap3A_337], %broadcast_in_dim3A_336 {strides = array<i32>} : memref<256xi32, #tpu.memory_space<vmem>>, vector<16xi32>,
      %broadcast_in_dim3A_339 = arith.constant 0 : i32
      %broadcast_in_dim3A_340 = vector.broadcast %broadcast_in_dim3A_339 : i32 to vector<16xi32>
      %swap3A_341 = arith.constant 144 : index
      %swap3A_342 = tpu.vector_load %arg6[%swap3A_341] {strides = array<i32>} : memref<256xi32, #tpu.memory_space<vmem>>, vector<16xi32>,
      tpu.vector_store %arg6[%swap3A_341], %broadcast_in_dim3A_340 {strides = array<i32>} : memref<256xi32, #tpu.memory_space<vmem>>, vector<16xi32>,
      %broadcast_in_dim3A_343 = arith.constant 0 : i32
      %broadcast_in_dim3A_344 = vector.broadcast %broadcast_in_dim3A_343 : i32 to vector<16xi32>
      %swap3A_345 = arith.constant 144 : index
      %swap3A_346 = tpu.vector_load %arg7[%swap3A_345] {strides = array<i32>} : memref<256xi32, #tpu.memory_space<vmem>>, vector<16xi32>,
      tpu.vector_store %arg7[%swap3A_345], %broadcast_in_dim3A_344 {strides = array<i32>} : memref<256xi32, #tpu.memory_space<vmem>>, vector<16xi32>,
      %broadcast_in_dim3A_347 = arith.constant 0 : i32
      %broadcast_in_dim3A_348 = vector.broadcast %broadcast_in_dim3A_347 : i32 to vector<16xi32>
      %swap3A_349 = arith.constant 160 : index
      %swap3A_350 = tpu.vector_load %arg6[%swap3A_349] {strides = array<i32>} : memref<256xi32, #tpu.memory_space<vmem>>, vector<16xi32>,
      tpu.vector_store %arg6[%swap3A_349], %broadcast_in_dim3A_348 {strides = array<i32>} : memref<256xi32, #tpu.memory_space<vmem>>, vector<16xi32>,
      %broadcast_in_dim3A_351 = arith.constant 0 : i32
      %broadcast_in_dim3A_352 = vector.broadcast %broadcast_in_dim3A_351 : i32 to vector<16xi32>
      %swap3A_353 = arith.constant 160 : index
      %swap3A_354 = tpu.vector_load %arg7[%swap3A_353] {strides = array<i32>} : memref<256xi32, #tpu.memory_space<vmem>>, vector<16xi32>,
      tpu.vector_store %arg7[%swap3A_353], %broadcast_in_dim3A_352 {strides = array<i32>} : memref<256xi32, #tpu.memory_space<vmem>>, vector<16xi32>,
      %broadcast_in_dim3A_355 = arith.constant 0 : i32
      %broadcast_in_dim3A_356 = vector.broadcast %broadcast_in_dim3A_355 : i32 to vector<16xi32>
      %swap3A_357 = arith.constant 176 : index
      %swap3A_358 = tpu.vector_load %arg6[%swap3A_357] {strides = array<i32>} : memref<256xi32, #tpu.memory_space<vmem>>, vector<16xi32>,
      tpu.vector_store %arg6[%swap3A_357], %broadcast_in_dim3A_356 {strides = array<i32>} : memref<256xi32, #tpu.memory_space<vmem>>, vector<16xi32>,
      %broadcast_in_dim3A_359 = arith.constant 0 : i32
      %broadcast_in_dim3A_360 = vector.broadcast %broadcast_in_dim3A_359 : i32 to vector<16xi32>
      %swap3A_361 = arith.constant 176 : index
      %swap3A_362 = tpu.vector_load %arg7[%swap3A_361] {strides = array<i32>} : memref<256xi32, #tpu.memory_space<vmem>>, vector<16xi32>,
      tpu.vector_store %arg7[%swap3A_361], %broadcast_in_dim3A_360 {strides = array<i32>} : memref<256xi32, #tpu.memory_space<vmem>>, vector<16xi32>,
      %broadcast_in_dim3A_363 = arith.constant 0 : i32
      %broadcast_in_dim3A_364 = vector.broadcast %broadcast_in_dim3A_363 : i32 to vector<16xi32>
      %swap3A_365 = arith.constant 192 : index
      %swap3A_366 = tpu.vector_load %arg6[%swap3A_365] {strides = array<i32>} : memref<256xi32, #tpu.memory_space<vmem>>, vector<16xi32>,
      tpu.vector_store %arg6[%swap3A_365], %broadcast_in_dim3A_364 {strides = array<i32>} : memref<256xi32, #tpu.memory_space<vmem>>, vector<16xi32>,
      %broadcast_in_dim3A_367 = arith.constant 0 : i32
      %broadcast_in_dim3A_368 = vector.broadcast %broadcast_in_dim3A_367 : i32 to vector<16xi32>
      %swap3A_369 = arith.constant 192 : index
      %swap3A_370 = tpu.vector_load %arg7[%swap3A_369] {strides = array<i32>} : memref<256xi32, #tpu.memory_space<vmem>>, vector<16xi32>,
      tpu.vector_store %arg7[%swap3A_369], %broadcast_in_dim3A_368 {strides = array<i32>} : memref<256xi32, #tpu.memory_space<vmem>>, vector<16xi32>,
      %broadcast_in_dim3A_371 = arith.constant 0 : i32
      %broadcast_in_dim3A_372 = vector.broadcast %broadcast_in_dim3A_371 : i32 to vector<16xi32>
      %swap3A_373 = arith.constant 208 : index
      %swap3A_374 = tpu.vector_load %arg6[%swap3A_373] {strides = array<i32>} : memref<256xi32, #tpu.memory_space<vmem>>, vector<16xi32>,
      tpu.vector_store %arg6[%swap3A_373], %broadcast_in_dim3A_372 {strides = array<i32>} : memref<256xi32, #tpu.memory_space<vmem>>, vector<16xi32>,
      %broadcast_in_dim3A_375 = arith.constant 0 : i32
      %broadcast_in_dim3A_376 = vector.broadcast %broadcast_in_dim3A_375 : i32 to vector<16xi32>
      %swap3A_377 = arith.constant 208 : index
      %swap3A_378 = tpu.vector_load %arg7[%swap3A_377] {strides = array<i32>} : memref<256xi32, #tpu.memory_space<vmem>>, vector<16xi32>,
      tpu.vector_store %arg7[%swap3A_377], %broadcast_in_dim3A_376 {strides = array<i32>} : memref<256xi32, #tpu.memory_space<vmem>>, vector<16xi32>,
      %broadcast_in_dim3A_379 = arith.constant 0 : i32
      %broadcast_in_dim3A_380 = vector.broadcast %broadcast_in_dim3A_379 : i32 to vector<16xi32>
      %swap3A_381 = arith.constant 224 : index
      %swap3A_382 = tpu.vector_load %arg6[%swap3A_381] {strides = array<i32>} : memref<256xi32, #tpu.memory_space<vmem>>, vector<16xi32>,
      tpu.vector_store %arg6[%swap3A_381], %broadcast_in_dim3A_380 {strides = array<i32>} : memref<256xi32, #tpu.memory_space<vmem>>, vector<16xi32>,
      %broadcast_in_dim3A_383 = arith.constant 0 : i32
      %broadcast_in_dim3A_384 = vector.broadcast %broadcast_in_dim3A_383 : i32 to vector<16xi32>
      %swap3A_385 = arith.constant 224 : index
      %swap3A_386 = tpu.vector_load %arg7[%swap3A_385] {strides = array<i32>} : memref<256xi32, #tpu.memory_space<vmem>>, vector<16xi32>,
      tpu.vector_store %arg7[%swap3A_385], %broadcast_in_dim3A_384 {strides = array<i32>} : memref<256xi32, #tpu.memory_space<vmem>>, vector<16xi32>,
      %broadcast_in_dim3A_387 = arith.constant 0 : i32
      %broadcast_in_dim3A_388 = vector.broadcast %broadcast_in_dim3A_387 : i32 to vector<16xi32>
      %swap3A_389 = arith.constant 240 : index
      %swap3A_390 = tpu.vector_load %arg6[%swap3A_389] {strides = array<i32>} : memref<256xi32, #tpu.memory_space<vmem>>, vector<16xi32>,
      tpu.vector_store %arg6[%swap3A_389], %broadcast_in_dim3A_388 {strides = array<i32>} : memref<256xi32, #tpu.memory_space<vmem>>, vector<16xi32>,
      %broadcast_in_dim3A_391 = arith.constant 0 : i32
      %broadcast_in_dim3A_392 = vector.broadcast %broadcast_in_dim3A_391 : i32 to vector<16xi32>
      %swap3A_393 = arith.constant 240 : index
      %swap3A_394 = tpu.vector_load %arg7[%swap3A_393] {strides = array<i32>} : memref<256xi32, #tpu.memory_space<vmem>>, vector<16xi32>,
      tpu.vector_store %arg7[%swap3A_393], %broadcast_in_dim3A_392 {strides = array<i32>} : memref<256xi32, #tpu.memory_space<vmem>>, vector<16xi32>,
      %scan3A_395 = arith.constant 0 : i32
      %scan3A_396 = arith.constant 0 : i32
      %scan3A_397 = arith.constant 32 : i32
      %scan3A_398 = arith.addi %scan3A_396, %scan3A_397 : i32
      %scan3A_399 = arith.constant 1 : i32
      %scan3A_400 = scf.for %scan3A_480 = %scan3A_396 to %scan3A_398 step %scan3A_399 iter_args(%scan3A_481 = %scan3A_395) -> (i32)  : i32 {
        %mul3A_482 = arith.constant 8 : i32
        %mul3A_483 = arith.muli %scan3A_480, %mul3A_482 : i32
        %add3A_484 = arith.constant 0 : i32
        %add3A_485 = arith.addi %mul3A_483, %add3A_484 : i32
        %mul3A_486 = arith.constant 16 : i32
        %mul3A_487 = arith.muli %add3A_485, %mul3A_486 : i32
        %get3A = arith.index_cast %mul3A_487 : i32 to index
        %get3A_488 = tpu.vector_load %arg5[%get3A] {strides = array<i32>} : memref<4096xi32, #tpu.memory_space<vmem>>, vector<16xi32>,
        %add3A_489 = arith.constant 1065353217 : i32
        %add3A_490 = vector.broadcast %add3A_489 : i32 to vector<16xi32>
        %add3A_491 = arith.addi %get3A_488, %add3A_490 : vector<16xi32>
        %shift_right_arithmetic3A = arith.constant 23 : i32
        %shift_right_arithmetic3A_492 = vector.broadcast %shift_right_arithmetic3A : i32 to vector<16xi32>
        %shift_right_arithmetic3A_493 = arith.shrsi %add3A_491, %shift_right_arithmetic3A_492 : vector<16xi32>
        tpu.vector_store_idx %arg6[%shift_right_arithmetic3A_493], %broadcast_in_dim3A_3 {add = true} : memref<256xi32, #tpu.memory_space<vmem>>[vector<16xi32>], vector<16xi32>,
        %mul3A_494 = arith.constant 8 : i32
        %mul3A_495 = arith.muli %scan3A_480, %mul3A_494 : i32
        %add3A_496 = arith.constant 1 : i32
        %add3A_497 = arith.addi %mul3A_495, %add3A_496 : i32
        %mul3A_498 = arith.constant 16 : i32
        %mul3A_499 = arith.muli %add3A_497, %mul3A_498 : i32
        %get3A_500 = arith.index_cast %mul3A_499 : i32 to index
        %get3A_501 = tpu.vector_load %arg5[%get3A_500] {strides = array<i32>} : memref<4096xi32, #tpu.memory_space<vmem>>, vector<16xi32>,
        %add3A_502 = arith.constant 1065353217 : i32
        %add3A_503 = vector.broadcast %add3A_502 : i32 to vector<16xi32>
        %add3A_504 = arith.addi %get3A_501, %add3A_503 : vector<16xi32>
        %shift_right_arithmetic3A_505 = arith.constant 23 : i32
        %shift_right_arithmetic3A_506 = vector.broadcast %shift_right_arithmetic3A_505 : i32 to vector<16xi32>
        %shift_right_arithmetic3A_507 = arith.shrsi %add3A_504, %shift_right_arithmetic3A_506 : vector<16xi32>
        tpu.vector_store_idx %arg6[%shift_right_arithmetic3A_507], %broadcast_in_dim3A_3 {add = true} : memref<256xi32, #tpu.memory_space<vmem>>[vector<16xi32>], vector<16xi32>,
        %mul3A_508 = arith.constant 8 : i32
        %mul3A_509 = arith.muli %scan3A_480, %mul3A_508 : i32
        %add3A_510 = arith.constant 2 : i32
        %add3A_511 = arith.addi %mul3A_509, %add3A_510 : i32
        %mul3A_512 = arith.constant 16 : i32
        %mul3A_513 = arith.muli %add3A_511, %mul3A_512 : i32
        %get3A_514 = arith.index_cast %mul3A_513 : i32 to index
        %get3A_515 = tpu.vector_load %arg5[%get3A_514] {strides = array<i32>} : memref<4096xi32, #tpu.memory_space<vmem>>, vector<16xi32>,
        %add3A_516 = arith.constant 1065353217 : i32
        %add3A_517 = vector.broadcast %add3A_516 : i32 to vector<16xi32>
        %add3A_518 = arith.addi %get3A_515, %add3A_517 : vector<16xi32>
        %shift_right_arithmetic3A_519 = arith.constant 23 : i32
        %shift_right_arithmetic3A_520 = vector.broadcast %shift_right_arithmetic3A_519 : i32 to vector<16xi32>
        %shift_right_arithmetic3A_521 = arith.shrsi %add3A_518, %shift_right_arithmetic3A_520 : vector<16xi32>
        tpu.vector_store_idx %arg6[%shift_right_arithmetic3A_521], %broadcast_in_dim3A_3 {add = true} : memref<256xi32, #tpu.memory_space<vmem>>[vector<16xi32>], vector<16xi32>,
        %mul3A_522 = arith.constant 8 : i32
        %mul3A_523 = arith.muli %scan3A_480, %mul3A_522 : i32
        %add3A_524 = arith.constant 3 : i32
        %add3A_525 = arith.addi %mul3A_523, %add3A_524 : i32
        %mul3A_526 = arith.constant 16 : i32
        %mul3A_527 = arith.muli %add3A_525, %mul3A_526 : i32
        %get3A_528 = arith.index_cast %mul3A_527 : i32 to index
        %get3A_529 = tpu.vector_load %arg5[%get3A_528] {strides = array<i32>} : memref<4096xi32, #tpu.memory_space<vmem>>, vector<16xi32>,
        %add3A_530 = arith.constant 1065353217 : i32
        %add3A_531 = vector.broadcast %add3A_530 : i32 to vector<16xi32>
        %add3A_532 = arith.addi %get3A_529, %add3A_531 : vector<16xi32>
        %shift_right_arithmetic3A_533 = arith.constant 23 : i32
        %shift_right_arithmetic3A_534 = vector.broadcast %shift_right_arithmetic3A_533 : i32 to vector<16xi32>
        %shift_right_arithmetic3A_535 = arith.shrsi %add3A_532, %shift_right_arithmetic3A_534 : vector<16xi32>
        tpu.vector_store_idx %arg6[%shift_right_arithmetic3A_535], %broadcast_in_dim3A_3 {add = true} : memref<256xi32, #tpu.memory_space<vmem>>[vector<16xi32>], vector<16xi32>,
        %mul3A_536 = arith.constant 8 : i32
        %mul3A_537 = arith.muli %scan3A_480, %mul3A_536 : i32
        %add3A_538 = arith.constant 4 : i32
        %add3A_539 = arith.addi %mul3A_537, %add3A_538 : i32
        %mul3A_540 = arith.constant 16 : i32
        %mul3A_541 = arith.muli %add3A_539, %mul3A_540 : i32
        %get3A_542 = arith.index_cast %mul3A_541 : i32 to index
        %get3A_543 = tpu.vector_load %arg5[%get3A_542] {strides = array<i32>} : memref<4096xi32, #tpu.memory_space<vmem>>, vector<16xi32>,
        %add3A_544 = arith.constant 1065353217 : i32
        %add3A_545 = vector.broadcast %add3A_544 : i32 to vector<16xi32>
        %add3A_546 = arith.addi %get3A_543, %add3A_545 : vector<16xi32>
        %shift_right_arithmetic3A_547 = arith.constant 23 : i32
        %shift_right_arithmetic3A_548 = vector.broadcast %shift_right_arithmetic3A_547 : i32 to vector<16xi32>
        %shift_right_arithmetic3A_549 = arith.shrsi %add3A_546, %shift_right_arithmetic3A_548 : vector<16xi32>
        tpu.vector_store_idx %arg6[%shift_right_arithmetic3A_549], %broadcast_in_dim3A_3 {add = true} : memref<256xi32, #tpu.memory_space<vmem>>[vector<16xi32>], vector<16xi32>,
        %mul3A_550 = arith.constant 8 : i32
        %mul3A_551 = arith.muli %scan3A_480, %mul3A_550 : i32
        %add3A_552 = arith.constant 5 : i32
        %add3A_553 = arith.addi %mul3A_551, %add3A_552 : i32
        %mul3A_554 = arith.constant 16 : i32
        %mul3A_555 = arith.muli %add3A_553, %mul3A_554 : i32
        %get3A_556 = arith.index_cast %mul3A_555 : i32 to index
        %get3A_557 = tpu.vector_load %arg5[%get3A_556] {strides = array<i32>} : memref<4096xi32, #tpu.memory_space<vmem>>, vector<16xi32>,
        %add3A_558 = arith.constant 1065353217 : i32
        %add3A_559 = vector.broadcast %add3A_558 : i32 to vector<16xi32>
        %add3A_560 = arith.addi %get3A_557, %add3A_559 : vector<16xi32>
        %shift_right_arithmetic3A_561 = arith.constant 23 : i32
        %shift_right_arithmetic3A_562 = vector.broadcast %shift_right_arithmetic3A_561 : i32 to vector<16xi32>
        %shift_right_arithmetic3A_563 = arith.shrsi %add3A_560, %shift_right_arithmetic3A_562 : vector<16xi32>
        tpu.vector_store_idx %arg6[%shift_right_arithmetic3A_563], %broadcast_in_dim3A_3 {add = true} : memref<256xi32, #tpu.memory_space<vmem>>[vector<16xi32>], vector<16xi32>,
        %mul3A_564 = arith.constant 8 : i32
        %mul3A_565 = arith.muli %scan3A_480, %mul3A_564 : i32
        %add3A_566 = arith.constant 6 : i32
        %add3A_567 = arith.addi %mul3A_565, %add3A_566 : i32
        %mul3A_568 = arith.constant 16 : i32
        %mul3A_569 = arith.muli %add3A_567, %mul3A_568 : i32
        %get3A_570 = arith.index_cast %mul3A_569 : i32 to index
        %get3A_571 = tpu.vector_load %arg5[%get3A_570] {strides = array<i32>} : memref<4096xi32, #tpu.memory_space<vmem>>, vector<16xi32>,
        %add3A_572 = arith.constant 1065353217 : i32
        %add3A_573 = vector.broadcast %add3A_572 : i32 to vector<16xi32>
        %add3A_574 = arith.addi %get3A_571, %add3A_573 : vector<16xi32>
        %shift_right_arithmetic3A_575 = arith.constant 23 : i32
        %shift_right_arithmetic3A_576 = vector.broadcast %shift_right_arithmetic3A_575 : i32 to vector<16xi32>
        %shift_right_arithmetic3A_577 = arith.shrsi %add3A_574, %shift_right_arithmetic3A_576 : vector<16xi32>
        tpu.vector_store_idx %arg6[%shift_right_arithmetic3A_577], %broadcast_in_dim3A_3 {add = true} : memref<256xi32, #tpu.memory_space<vmem>>[vector<16xi32>], vector<16xi32>,
        %mul3A_578 = arith.constant 8 : i32
        %mul3A_579 = arith.muli %scan3A_480, %mul3A_578 : i32
        %add3A_580 = arith.constant 7 : i32
        %add3A_581 = arith.addi %mul3A_579, %add3A_580 : i32
        %mul3A_582 = arith.constant 16 : i32
        %mul3A_583 = arith.muli %add3A_581, %mul3A_582 : i32
        %get3A_584 = arith.index_cast %mul3A_583 : i32 to index
        %get3A_585 = tpu.vector_load %arg5[%get3A_584] {strides = array<i32>} : memref<4096xi32, #tpu.memory_space<vmem>>, vector<16xi32>,
        %add3A_586 = arith.constant 1065353217 : i32
        %add3A_587 = vector.broadcast %add3A_586 : i32 to vector<16xi32>
        %add3A_588 = arith.addi %get3A_585, %add3A_587 : vector<16xi32>
        %shift_right_arithmetic3A_589 = arith.constant 23 : i32
        %shift_right_arithmetic3A_590 = vector.broadcast %shift_right_arithmetic3A_589 : i32 to vector<16xi32>
        %shift_right_arithmetic3A_591 = arith.shrsi %add3A_588, %shift_right_arithmetic3A_590 : vector<16xi32>
        tpu.vector_store_idx %arg6[%shift_right_arithmetic3A_591], %broadcast_in_dim3A_3 {add = true} : memref<256xi32, #tpu.memory_space<vmem>>[vector<16xi32>], vector<16xi32>,
        %scan3A_592 = arith.constant 0 : i32
        scf.yield %scan3A_592 : i32
      }
      %scan3A_401 = arith.constant 32 : i32
      %scan3A_402 = arith.constant 410 : i32
      %scan3A_403 = arith.constant 0 : i32
      %scan3A_404 = arith.constant 0 : i32
      %scan3A_405 = arith.constant 0 : i32
      %scan3A_406 = arith.constant 0 : i32
      %scan3A_407 = arith.constant 0 : i32
      %scan3A_408 = arith.constant 16 : i32
      %scan3A_409 = arith.addi %scan3A_407, %scan3A_408 : i32
      %scan3A_410 = arith.constant 1 : i32
      %scan3A_411:4 = scf.for %scan3A_480 = %scan3A_407 to %scan3A_409 step %scan3A_410 iter_args(%scan3A_481 = %scan3A_403, %scan3A_482 = %scan3A_404, %scan3A_483 = %scan3A_405, %scan3A_484 = %scan3A_406) -> (i32, i32, i32, i32)  : i32 {
        %sub3A_485 = arith.constant 15 : i32
        %sub3A_486 = arith.subi %sub3A_485, %scan3A_480 : i32
        %mul3A_487 = arith.constant 16 : i32
        %mul3A_488 = arith.muli %sub3A_486, %mul3A_487 : i32
        %get3A = arith.index_cast %mul3A_488 : i32 to index
        %get3A_489 = tpu.vector_load %arg6[%get3A] {strides = array<i32>} : memref<256xi32, #tpu.memory_space<vmem>>, vector<16xi32>,
        %rev3A = arith.constant 15 : i32
        %rev3A_490 = vector.broadcast %rev3A : i32 to vector<16xi32>
        %rev3A_491 = tpu.iota {dimensions = array<i32: 0>} : vector<16xi32>
        %rev3A_492 = arith.subi %rev3A_490, %rev3A_491 : vector<16xi32>
        %rev3A_493 = tpu.dynamic_gather %get3A_489[%rev3A_492] in [0] : vector<16xi32>, vector<16xi32> -> vector<16xi32>
        %broadcast_in_dim3A_494 = arith.constant true
        %broadcast_in_dim3A_495 = vector.broadcast %broadcast_in_dim3A_494 : i1 to vector<16xi1>
        %masked_cumsum3A = tpu.scan <sum>, %rev3A_493 masked %broadcast_in_dim3A_495 : vector<16xi32>, vector<16xi1> -> vector<16xi32>
        %add3A_496 = vector.broadcast %scan3A_481 : i32 to vector<16xi32>
        %add3A_497 = arith.addi %masked_cumsum3A, %add3A_496 : vector<16xi32>
        %ge3A = vector.broadcast %scan3A_402 : i32 to vector<16xi32>
        %ge3A_498 = arith.cmpi sge, %add3A_497, %ge3A : vector<16xi32>
        %sub3A_499 = arith.constant 15 : i32
        %sub3A_500 = vector.broadcast %sub3A_499 : i32 to vector<16xi32>
        %sub3A_501 = arith.subi %sub3A_500, %iota3A : vector<16xi32>
        %jit3A_502 = arith.constant -1 : i32
        %broadcast_in_dim3A_503 = vector.broadcast %jit3A_502 : i32 to vector<16xi32>
        %select_n3A_504 = arith.select %ge3A_498, %sub3A_501, %broadcast_in_dim3A_503 : vector<16xi1>, vector<16xi32>
        %reduce_max3A = arith.constant true
        %reduce_max3A_505 = vector.broadcast %reduce_max3A : i1 to vector<16xi1>
        %reduce_max3A_506 = arith.constant -2147483648 : i32
        %reduce_max3A_507 = vector.broadcast %reduce_max3A_506 : i32 to vector<16xi32>
        %reduce_max3A_508 = arith.xori %select_n3A_504, %reduce_max3A_507 : vector<16xi32>
        %reduce_max3A_509 = tpu.scan <max>, %reduce_max3A_508 masked %reduce_max3A_505 : vector<16xi32>, vector<16xi1> -> vector<16xi32>
        %reduce_max3A_510 = arith.xori %reduce_max3A_509, %reduce_max3A_507 : vector<16xi32>
        %reduce_max3A_511 = vector.extract %reduce_max3A_510[15] : i32 from vector<16xi32>
        %ge3A_512 = arith.constant 0 : i32
        %ge3A_513 = arith.cmpi sge, %reduce_max3A_511, %ge3A_512 : i32
        %mul3A_514 = arith.constant 16 : i32
        %mul3A_515 = arith.muli %sub3A_486, %mul3A_514 : i32
        %add3A_516 = arith.addi %mul3A_515, %reduce_max3A_511 : i32
        %sub3A_517 = arith.constant 15 : i32
        %sub3A_518 = arith.subi %sub3A_517, %reduce_max3A_511 : i32
        %eq3A_519 = vector.broadcast %sub3A_518 : i32 to vector<16xi32>
        %eq3A_520 = arith.cmpi eq, %iota3A, %eq3A_519 : vector<16xi32>
        %sub3A_521 = arith.subi %add3A_497, %rev3A_493 : vector<16xi32>
        %jit3A_522 = arith.constant 0 : i32
        %broadcast_in_dim3A_523 = vector.broadcast %jit3A_522 : i32 to vector<16xi32>
        %select_n3A_524 = arith.select %eq3A_520, %sub3A_521, %broadcast_in_dim3A_523 : vector<16xi1>, vector<16xi32>
        %reduce_sum3A = arith.constant true
        %reduce_sum3A_525 = vector.broadcast %reduce_sum3A : i1 to vector<16xi1>
        %reduce_sum3A_526 = tpu.scan <sum>, %select_n3A_524 masked %reduce_sum3A_525 : vector<16xi32>, vector<16xi1> -> vector<16xi32>
        %reduce_sum3A_527 = vector.extract %reduce_sum3A_526[15] : i32 from vector<16xi32>
        %eq3A_528 = arith.constant 0 : i32
        %eq3A_529 = arith.cmpi eq, %scan3A_482, %eq3A_528 : i32
        %and3A_530 = arith.andi %eq3A_529, %ge3A_513 : i1
        %select_n3A_531 = arith.select %and3A_530, %add3A_516, %scan3A_483 : i32
        %select_n3A_532 = arith.select %and3A_530, %reduce_sum3A_527, %scan3A_484 : i32
        %jit3A_533 = arith.constant 1 : i32
        %select_n3A_534 = arith.select %ge3A_513, %jit3A_533, %scan3A_482 : i32
        %reduce_sum3A_535 = arith.constant true
        %reduce_sum3A_536 = vector.broadcast %reduce_sum3A_535 : i1 to vector<16xi1>
        %reduce_sum3A_537 = tpu.scan <sum>, %get3A_489 masked %reduce_sum3A_536 : vector<16xi32>, vector<16xi1> -> vector<16xi32>
        %reduce_sum3A_538 = vector.extract %reduce_sum3A_537[15] : i32 from vector<16xi32>
        %add3A_539 = arith.addi %scan3A_481, %reduce_sum3A_538 : i32
        scf.yield %add3A_539, %select_n3A_534, %select_n3A_531, %select_n3A_532 : i32, i32, i32, i32
      }
      %scan3A_412 = arith.constant 16 : i32
      %scan3A_413 = arith.constant 0 : i32
      %scan3A_414 = arith.constant 0 : i32
      %scan3A_415 = arith.constant 32 : i32
      %scan3A_416 = arith.addi %scan3A_414, %scan3A_415 : i32
      %scan3A_417 = arith.constant 1 : i32
      %scan3A_418 = scf.for %scan3A_480 = %scan3A_414 to %scan3A_416 step %scan3A_417 iter_args(%scan3A_481 = %scan3A_413) -> (i32)  : i32 {
        %mul3A_482 = arith.constant 8 : i32
        %mul3A_483 = arith.muli %scan3A_480, %mul3A_482 : i32
        %add3A_484 = arith.constant 0 : i32
        %add3A_485 = arith.addi %mul3A_483, %add3A_484 : i32
        %mul3A_486 = arith.constant 16 : i32
        %mul3A_487 = arith.muli %add3A_485, %mul3A_486 : i32
        %get3A = arith.index_cast %mul3A_487 : i32 to index
        %get3A_488 = tpu.vector_load %arg5[%get3A] {strides = array<i32>} : memref<4096xi32, #tpu.memory_space<vmem>>, vector<16xi32>,
        %add3A_489 = arith.constant 1065353217 : i32
        %add3A_490 = vector.broadcast %add3A_489 : i32 to vector<16xi32>
        %add3A_491 = arith.addi %get3A_488, %add3A_490 : vector<16xi32>
        %shift_right_arithmetic3A = arith.constant 23 : i32
        %shift_right_arithmetic3A_492 = vector.broadcast %shift_right_arithmetic3A : i32 to vector<16xi32>
        %shift_right_arithmetic3A_493 = arith.shrsi %add3A_491, %shift_right_arithmetic3A_492 : vector<16xi32>
        %eq3A_494 = vector.broadcast %scan3A_411#2 : i32 to vector<16xi32>
        %eq3A_495 = arith.cmpi eq, %shift_right_arithmetic3A_493, %eq3A_494 : vector<16xi32>
        %shift_right_arithmetic3A_496 = arith.constant 15 : i32
        %shift_right_arithmetic3A_497 = vector.broadcast %shift_right_arithmetic3A_496 : i32 to vector<16xi32>
        %shift_right_arithmetic3A_498 = arith.shrsi %add3A_491, %shift_right_arithmetic3A_497 : vector<16xi32>
        %and3A_499 = arith.constant 255 : i32
        %and3A_500 = vector.broadcast %and3A_499 : i32 to vector<16xi32>
        %and3A_501 = arith.andi %shift_right_arithmetic3A_498, %and3A_500 : vector<16xi32>
        tpu.vector_store_idx %arg7[%and3A_501], %broadcast_in_dim3A_3 masked %eq3A_495 {add = true} : memref<256xi32, #tpu.memory_space<vmem>>[vector<16xi32>], vector<16xi32>, vector<16xi1>
        %mul3A_502 = arith.constant 8 : i32
        %mul3A_503 = arith.muli %scan3A_480, %mul3A_502 : i32
        %add3A_504 = arith.constant 1 : i32
        %add3A_505 = arith.addi %mul3A_503, %add3A_504 : i32
        %mul3A_506 = arith.constant 16 : i32
        %mul3A_507 = arith.muli %add3A_505, %mul3A_506 : i32
        %get3A_508 = arith.index_cast %mul3A_507 : i32 to index
        %get3A_509 = tpu.vector_load %arg5[%get3A_508] {strides = array<i32>} : memref<4096xi32, #tpu.memory_space<vmem>>, vector<16xi32>,
        %add3A_510 = arith.constant 1065353217 : i32
        %add3A_511 = vector.broadcast %add3A_510 : i32 to vector<16xi32>
        %add3A_512 = arith.addi %get3A_509, %add3A_511 : vector<16xi32>
        %shift_right_arithmetic3A_513 = arith.constant 23 : i32
        %shift_right_arithmetic3A_514 = vector.broadcast %shift_right_arithmetic3A_513 : i32 to vector<16xi32>
        %shift_right_arithmetic3A_515 = arith.shrsi %add3A_512, %shift_right_arithmetic3A_514 : vector<16xi32>
        %eq3A_516 = vector.broadcast %scan3A_411#2 : i32 to vector<16xi32>
        %eq3A_517 = arith.cmpi eq, %shift_right_arithmetic3A_515, %eq3A_516 : vector<16xi32>
        %shift_right_arithmetic3A_518 = arith.constant 15 : i32
        %shift_right_arithmetic3A_519 = vector.broadcast %shift_right_arithmetic3A_518 : i32 to vector<16xi32>
        %shift_right_arithmetic3A_520 = arith.shrsi %add3A_512, %shift_right_arithmetic3A_519 : vector<16xi32>
        %and3A_521 = arith.constant 255 : i32
        %and3A_522 = vector.broadcast %and3A_521 : i32 to vector<16xi32>
        %and3A_523 = arith.andi %shift_right_arithmetic3A_520, %and3A_522 : vector<16xi32>
        tpu.vector_store_idx %arg7[%and3A_523], %broadcast_in_dim3A_3 masked %eq3A_517 {add = true} : memref<256xi32, #tpu.memory_space<vmem>>[vector<16xi32>], vector<16xi32>, vector<16xi1>
        %mul3A_524 = arith.constant 8 : i32
        %mul3A_525 = arith.muli %scan3A_480, %mul3A_524 : i32
        %add3A_526 = arith.constant 2 : i32
        %add3A_527 = arith.addi %mul3A_525, %add3A_526 : i32
        %mul3A_528 = arith.constant 16 : i32
        %mul3A_529 = arith.muli %add3A_527, %mul3A_528 : i32
        %get3A_530 = arith.index_cast %mul3A_529 : i32 to index
        %get3A_531 = tpu.vector_load %arg5[%get3A_530] {strides = array<i32>} : memref<4096xi32, #tpu.memory_space<vmem>>, vector<16xi32>,
        %add3A_532 = arith.constant 1065353217 : i32
        %add3A_533 = vector.broadcast %add3A_532 : i32 to vector<16xi32>
        %add3A_534 = arith.addi %get3A_531, %add3A_533 : vector<16xi32>
        %shift_right_arithmetic3A_535 = arith.constant 23 : i32
        %shift_right_arithmetic3A_536 = vector.broadcast %shift_right_arithmetic3A_535 : i32 to vector<16xi32>
        %shift_right_arithmetic3A_537 = arith.shrsi %add3A_534, %shift_right_arithmetic3A_536 : vector<16xi32>
        %eq3A_538 = vector.broadcast %scan3A_411#2 : i32 to vector<16xi32>
        %eq3A_539 = arith.cmpi eq, %shift_right_arithmetic3A_537, %eq3A_538 : vector<16xi32>
        %shift_right_arithmetic3A_540 = arith.constant 15 : i32
        %shift_right_arithmetic3A_541 = vector.broadcast %shift_right_arithmetic3A_540 : i32 to vector<16xi32>
        %shift_right_arithmetic3A_542 = arith.shrsi %add3A_534, %shift_right_arithmetic3A_541 : vector<16xi32>
        %and3A_543 = arith.constant 255 : i32
        %and3A_544 = vector.broadcast %and3A_543 : i32 to vector<16xi32>
        %and3A_545 = arith.andi %shift_right_arithmetic3A_542, %and3A_544 : vector<16xi32>
        tpu.vector_store_idx %arg7[%and3A_545], %broadcast_in_dim3A_3 masked %eq3A_539 {add = true} : memref<256xi32, #tpu.memory_space<vmem>>[vector<16xi32>], vector<16xi32>, vector<16xi1>
        %mul3A_546 = arith.constant 8 : i32
        %mul3A_547 = arith.muli %scan3A_480, %mul3A_546 : i32
        %add3A_548 = arith.constant 3 : i32
        %add3A_549 = arith.addi %mul3A_547, %add3A_548 : i32
        %mul3A_550 = arith.constant 16 : i32
        %mul3A_551 = arith.muli %add3A_549, %mul3A_550 : i32
        %get3A_552 = arith.index_cast %mul3A_551 : i32 to index
        %get3A_553 = tpu.vector_load %arg5[%get3A_552] {strides = array<i32>} : memref<4096xi32, #tpu.memory_space<vmem>>, vector<16xi32>,
        %add3A_554 = arith.constant 1065353217 : i32
        %add3A_555 = vector.broadcast %add3A_554 : i32 to vector<16xi32>
        %add3A_556 = arith.addi %get3A_553, %add3A_555 : vector<16xi32>
        %shift_right_arithmetic3A_557 = arith.constant 23 : i32
        %shift_right_arithmetic3A_558 = vector.broadcast %shift_right_arithmetic3A_557 : i32 to vector<16xi32>
        %shift_right_arithmetic3A_559 = arith.shrsi %add3A_556, %shift_right_arithmetic3A_558 : vector<16xi32>
        %eq3A_560 = vector.broadcast %scan3A_411#2 : i32 to vector<16xi32>
        %eq3A_561 = arith.cmpi eq, %shift_right_arithmetic3A_559, %eq3A_560 : vector<16xi32>
        %shift_right_arithmetic3A_562 = arith.constant 15 : i32
        %shift_right_arithmetic3A_563 = vector.broadcast %shift_right_arithmetic3A_562 : i32 to vector<16xi32>
        %shift_right_arithmetic3A_564 = arith.shrsi %add3A_556, %shift_right_arithmetic3A_563 : vector<16xi32>
        %and3A_565 = arith.constant 255 : i32
        %and3A_566 = vector.broadcast %and3A_565 : i32 to vector<16xi32>
        %and3A_567 = arith.andi %shift_right_arithmetic3A_564, %and3A_566 : vector<16xi32>
        tpu.vector_store_idx %arg7[%and3A_567], %broadcast_in_dim3A_3 masked %eq3A_561 {add = true} : memref<256xi32, #tpu.memory_space<vmem>>[vector<16xi32>], vector<16xi32>, vector<16xi1>
        %mul3A_568 = arith.constant 8 : i32
        %mul3A_569 = arith.muli %scan3A_480, %mul3A_568 : i32
        %add3A_570 = arith.constant 4 : i32
        %add3A_571 = arith.addi %mul3A_569, %add3A_570 : i32
        %mul3A_572 = arith.constant 16 : i32
        %mul3A_573 = arith.muli %add3A_571, %mul3A_572 : i32
        %get3A_574 = arith.index_cast %mul3A_573 : i32 to index
        %get3A_575 = tpu.vector_load %arg5[%get3A_574] {strides = array<i32>} : memref<4096xi32, #tpu.memory_space<vmem>>, vector<16xi32>,
        %add3A_576 = arith.constant 1065353217 : i32
        %add3A_577 = vector.broadcast %add3A_576 : i32 to vector<16xi32>
        %add3A_578 = arith.addi %get3A_575, %add3A_577 : vector<16xi32>
        %shift_right_arithmetic3A_579 = arith.constant 23 : i32
        %shift_right_arithmetic3A_580 = vector.broadcast %shift_right_arithmetic3A_579 : i32 to vector<16xi32>
        %shift_right_arithmetic3A_581 = arith.shrsi %add3A_578, %shift_right_arithmetic3A_580 : vector<16xi32>
        %eq3A_582 = vector.broadcast %scan3A_411#2 : i32 to vector<16xi32>
        %eq3A_583 = arith.cmpi eq, %shift_right_arithmetic3A_581, %eq3A_582 : vector<16xi32>
        %shift_right_arithmetic3A_584 = arith.constant 15 : i32
        %shift_right_arithmetic3A_585 = vector.broadcast %shift_right_arithmetic3A_584 : i32 to vector<16xi32>
        %shift_right_arithmetic3A_586 = arith.shrsi %add3A_578, %shift_right_arithmetic3A_585 : vector<16xi32>
        %and3A_587 = arith.constant 255 : i32
        %and3A_588 = vector.broadcast %and3A_587 : i32 to vector<16xi32>
        %and3A_589 = arith.andi %shift_right_arithmetic3A_586, %and3A_588 : vector<16xi32>
        tpu.vector_store_idx %arg7[%and3A_589], %broadcast_in_dim3A_3 masked %eq3A_583 {add = true} : memref<256xi32, #tpu.memory_space<vmem>>[vector<16xi32>], vector<16xi32>, vector<16xi1>
        %mul3A_590 = arith.constant 8 : i32
        %mul3A_591 = arith.muli %scan3A_480, %mul3A_590 : i32
        %add3A_592 = arith.constant 5 : i32
        %add3A_593 = arith.addi %mul3A_591, %add3A_592 : i32
        %mul3A_594 = arith.constant 16 : i32
        %mul3A_595 = arith.muli %add3A_593, %mul3A_594 : i32
        %get3A_596 = arith.index_cast %mul3A_595 : i32 to index
        %get3A_597 = tpu.vector_load %arg5[%get3A_596] {strides = array<i32>} : memref<4096xi32, #tpu.memory_space<vmem>>, vector<16xi32>,
        %add3A_598 = arith.constant 1065353217 : i32
        %add3A_599 = vector.broadcast %add3A_598 : i32 to vector<16xi32>
        %add3A_600 = arith.addi %get3A_597, %add3A_599 : vector<16xi32>
        %shift_right_arithmetic3A_601 = arith.constant 23 : i32
        %shift_right_arithmetic3A_602 = vector.broadcast %shift_right_arithmetic3A_601 : i32 to vector<16xi32>
        %shift_right_arithmetic3A_603 = arith.shrsi %add3A_600, %shift_right_arithmetic3A_602 : vector<16xi32>
        %eq3A_604 = vector.broadcast %scan3A_411#2 : i32 to vector<16xi32>
        %eq3A_605 = arith.cmpi eq, %shift_right_arithmetic3A_603, %eq3A_604 : vector<16xi32>
        %shift_right_arithmetic3A_606 = arith.constant 15 : i32
        %shift_right_arithmetic3A_607 = vector.broadcast %shift_right_arithmetic3A_606 : i32 to vector<16xi32>
        %shift_right_arithmetic3A_608 = arith.shrsi %add3A_600, %shift_right_arithmetic3A_607 : vector<16xi32>
        %and3A_609 = arith.constant 255 : i32
        %and3A_610 = vector.broadcast %and3A_609 : i32 to vector<16xi32>
        %and3A_611 = arith.andi %shift_right_arithmetic3A_608, %and3A_610 : vector<16xi32>
        tpu.vector_store_idx %arg7[%and3A_611], %broadcast_in_dim3A_3 masked %eq3A_605 {add = true} : memref<256xi32, #tpu.memory_space<vmem>>[vector<16xi32>], vector<16xi32>, vector<16xi1>
        %mul3A_612 = arith.constant 8 : i32
        %mul3A_613 = arith.muli %scan3A_480, %mul3A_612 : i32
        %add3A_614 = arith.constant 6 : i32
        %add3A_615 = arith.addi %mul3A_613, %add3A_614 : i32
        %mul3A_616 = arith.constant 16 : i32
        %mul3A_617 = arith.muli %add3A_615, %mul3A_616 : i32
        %get3A_618 = arith.index_cast %mul3A_617 : i32 to index
        %get3A_619 = tpu.vector_load %arg5[%get3A_618] {strides = array<i32>} : memref<4096xi32, #tpu.memory_space<vmem>>, vector<16xi32>,
        %add3A_620 = arith.constant 1065353217 : i32
        %add3A_621 = vector.broadcast %add3A_620 : i32 to vector<16xi32>
        %add3A_622 = arith.addi %get3A_619, %add3A_621 : vector<16xi32>
        %shift_right_arithmetic3A_623 = arith.constant 23 : i32
        %shift_right_arithmetic3A_624 = vector.broadcast %shift_right_arithmetic3A_623 : i32 to vector<16xi32>
        %shift_right_arithmetic3A_625 = arith.shrsi %add3A_622, %shift_right_arithmetic3A_624 : vector<16xi32>
        %eq3A_626 = vector.broadcast %scan3A_411#2 : i32 to vector<16xi32>
        %eq3A_627 = arith.cmpi eq, %shift_right_arithmetic3A_625, %eq3A_626 : vector<16xi32>
        %shift_right_arithmetic3A_628 = arith.constant 15 : i32
        %shift_right_arithmetic3A_629 = vector.broadcast %shift_right_arithmetic3A_628 : i32 to vector<16xi32>
        %shift_right_arithmetic3A_630 = arith.shrsi %add3A_622, %shift_right_arithmetic3A_629 : vector<16xi32>
        %and3A_631 = arith.constant 255 : i32
        %and3A_632 = vector.broadcast %and3A_631 : i32 to vector<16xi32>
        %and3A_633 = arith.andi %shift_right_arithmetic3A_630, %and3A_632 : vector<16xi32>
        tpu.vector_store_idx %arg7[%and3A_633], %broadcast_in_dim3A_3 masked %eq3A_627 {add = true} : memref<256xi32, #tpu.memory_space<vmem>>[vector<16xi32>], vector<16xi32>, vector<16xi1>
        %mul3A_634 = arith.constant 8 : i32
        %mul3A_635 = arith.muli %scan3A_480, %mul3A_634 : i32
        %add3A_636 = arith.constant 7 : i32
        %add3A_637 = arith.addi %mul3A_635, %add3A_636 : i32
        %mul3A_638 = arith.constant 16 : i32
        %mul3A_639 = arith.muli %add3A_637, %mul3A_638 : i32
        %get3A_640 = arith.index_cast %mul3A_639 : i32 to index
        %get3A_641 = tpu.vector_load %arg5[%get3A_640] {strides = array<i32>} : memref<4096xi32, #tpu.memory_space<vmem>>, vector<16xi32>,
        %add3A_642 = arith.constant 1065353217 : i32
        %add3A_643 = vector.broadcast %add3A_642 : i32 to vector<16xi32>
        %add3A_644 = arith.addi %get3A_641, %add3A_643 : vector<16xi32>
        %shift_right_arithmetic3A_645 = arith.constant 23 : i32
        %shift_right_arithmetic3A_646 = vector.broadcast %shift_right_arithmetic3A_645 : i32 to vector<16xi32>
        %shift_right_arithmetic3A_647 = arith.shrsi %add3A_644, %shift_right_arithmetic3A_646 : vector<16xi32>
        %eq3A_648 = vector.broadcast %scan3A_411#2 : i32 to vector<16xi32>
        %eq3A_649 = arith.cmpi eq, %shift_right_arithmetic3A_647, %eq3A_648 : vector<16xi32>
        %shift_right_arithmetic3A_650 = arith.constant 15 : i32
        %shift_right_arithmetic3A_651 = vector.broadcast %shift_right_arithmetic3A_650 : i32 to vector<16xi32>
        %shift_right_arithmetic3A_652 = arith.shrsi %add3A_644, %shift_right_arithmetic3A_651 : vector<16xi32>
        %and3A_653 = arith.constant 255 : i32
        %and3A_654 = vector.broadcast %and3A_653 : i32 to vector<16xi32>
        %and3A_655 = arith.andi %shift_right_arithmetic3A_652, %and3A_654 : vector<16xi32>
        tpu.vector_store_idx %arg7[%and3A_655], %broadcast_in_dim3A_3 masked %eq3A_649 {add = true} : memref<256xi32, #tpu.memory_space<vmem>>[vector<16xi32>], vector<16xi32>, vector<16xi1>
        %scan3A_656 = arith.constant 0 : i32
        scf.yield %scan3A_656 : i32
      }
      %scan3A_419 = arith.constant 32 : i32
      %sub3A_420 = arith.constant 410 : i32
      %sub3A_421 = arith.subi %sub3A_420, %scan3A_411#3 : i32
      %scan3A_422 = arith.constant 0 : i32
      %scan3A_423 = arith.constant 0 : i32
      %scan3A_424 = arith.constant 0 : i32
      %scan3A_425 = arith.constant 0 : i32
      %scan3A_426 = arith.constant 0 : i32
      %scan3A_427 = arith.constant 16 : i32
      %scan3A_428 = arith.addi %scan3A_426, %scan3A_427 : i32
      %scan3A_429 = arith.constant 1 : i32
      %scan3A_430:4 = scf.for %scan3A_480 = %scan3A_426 to %scan3A_428 step %scan3A_429 iter_args(%scan3A_481 = %scan3A_422, %scan3A_482 = %scan3A_423, %scan3A_483 = %scan3A_424, %scan3A_484 = %scan3A_425) -> (i32, i32, i32, i32)  : i32 {
        %sub3A_485 = arith.constant 15 : i32
        %sub3A_486 = arith.subi %sub3A_485, %scan3A_480 : i32
        %mul3A_487 = arith.constant 16 : i32
        %mul3A_488 = arith.muli %sub3A_486, %mul3A_487 : i32
        %get3A = arith.index_cast %mul3A_488 : i32 to index
        %get3A_489 = tpu.vector_load %arg7[%get3A] {strides = array<i32>} : memref<256xi32, #tpu.memory_space<vmem>>, vector<16xi32>,
        %rev3A = arith.constant 15 : i32
        %rev3A_490 = vector.broadcast %rev3A : i32 to vector<16xi32>
        %rev3A_491 = tpu.iota {dimensions = array<i32: 0>} : vector<16xi32>
        %rev3A_492 = arith.subi %rev3A_490, %rev3A_491 : vector<16xi32>
        %rev3A_493 = tpu.dynamic_gather %get3A_489[%rev3A_492] in [0] : vector<16xi32>, vector<16xi32> -> vector<16xi32>
        %broadcast_in_dim3A_494 = arith.constant true
        %broadcast_in_dim3A_495 = vector.broadcast %broadcast_in_dim3A_494 : i1 to vector<16xi1>
        %masked_cumsum3A = tpu.scan <sum>, %rev3A_493 masked %broadcast_in_dim3A_495 : vector<16xi32>, vector<16xi1> -> vector<16xi32>
        %add3A_496 = vector.broadcast %scan3A_481 : i32 to vector<16xi32>
        %add3A_497 = arith.addi %masked_cumsum3A, %add3A_496 : vector<16xi32>
        %ge3A = vector.broadcast %sub3A_421 : i32 to vector<16xi32>
        %ge3A_498 = arith.cmpi sge, %add3A_497, %ge3A : vector<16xi32>
        %sub3A_499 = arith.constant 15 : i32
        %sub3A_500 = vector.broadcast %sub3A_499 : i32 to vector<16xi32>
        %sub3A_501 = arith.subi %sub3A_500, %iota3A : vector<16xi32>
        %jit3A_502 = arith.constant -1 : i32
        %broadcast_in_dim3A_503 = vector.broadcast %jit3A_502 : i32 to vector<16xi32>
        %select_n3A_504 = arith.select %ge3A_498, %sub3A_501, %broadcast_in_dim3A_503 : vector<16xi1>, vector<16xi32>
        %reduce_max3A = arith.constant true
        %reduce_max3A_505 = vector.broadcast %reduce_max3A : i1 to vector<16xi1>
        %reduce_max3A_506 = arith.constant -2147483648 : i32
        %reduce_max3A_507 = vector.broadcast %reduce_max3A_506 : i32 to vector<16xi32>
        %reduce_max3A_508 = arith.xori %select_n3A_504, %reduce_max3A_507 : vector<16xi32>
        %reduce_max3A_509 = tpu.scan <max>, %reduce_max3A_508 masked %reduce_max3A_505 : vector<16xi32>, vector<16xi1> -> vector<16xi32>
        %reduce_max3A_510 = arith.xori %reduce_max3A_509, %reduce_max3A_507 : vector<16xi32>
        %reduce_max3A_511 = vector.extract %reduce_max3A_510[15] : i32 from vector<16xi32>
        %ge3A_512 = arith.constant 0 : i32
        %ge3A_513 = arith.cmpi sge, %reduce_max3A_511, %ge3A_512 : i32
        %mul3A_514 = arith.constant 16 : i32
        %mul3A_515 = arith.muli %sub3A_486, %mul3A_514 : i32
        %add3A_516 = arith.addi %mul3A_515, %reduce_max3A_511 : i32
        %sub3A_517 = arith.constant 15 : i32
        %sub3A_518 = arith.subi %sub3A_517, %reduce_max3A_511 : i32
        %eq3A_519 = vector.broadcast %sub3A_518 : i32 to vector<16xi32>
        %eq3A_520 = arith.cmpi eq, %iota3A, %eq3A_519 : vector<16xi32>
        %sub3A_521 = arith.subi %add3A_497, %rev3A_493 : vector<16xi32>
        %jit3A_522 = arith.constant 0 : i32
        %broadcast_in_dim3A_523 = vector.broadcast %jit3A_522 : i32 to vector<16xi32>
        %select_n3A_524 = arith.select %eq3A_520, %sub3A_521, %broadcast_in_dim3A_523 : vector<16xi1>, vector<16xi32>
        %reduce_sum3A = arith.constant true
        %reduce_sum3A_525 = vector.broadcast %reduce_sum3A : i1 to vector<16xi1>
        %reduce_sum3A_526 = tpu.scan <sum>, %select_n3A_524 masked %reduce_sum3A_525 : vector<16xi32>, vector<16xi1> -> vector<16xi32>
        %reduce_sum3A_527 = vector.extract %reduce_sum3A_526[15] : i32 from vector<16xi32>
        %eq3A_528 = arith.constant 0 : i32
        %eq3A_529 = arith.cmpi eq, %scan3A_482, %eq3A_528 : i32
        %and3A_530 = arith.andi %eq3A_529, %ge3A_513 : i1
        %select_n3A_531 = arith.select %and3A_530, %add3A_516, %scan3A_483 : i32
        %select_n3A_532 = arith.select %and3A_530, %reduce_sum3A_527, %scan3A_484 : i32
        %jit3A_533 = arith.constant 1 : i32
        %select_n3A_534 = arith.select %ge3A_513, %jit3A_533, %scan3A_482 : i32
        %reduce_sum3A_535 = arith.constant true
        %reduce_sum3A_536 = vector.broadcast %reduce_sum3A_535 : i1 to vector<16xi1>
        %reduce_sum3A_537 = tpu.scan <sum>, %get3A_489 masked %reduce_sum3A_536 : vector<16xi32>, vector<16xi1> -> vector<16xi32>
        %reduce_sum3A_538 = vector.extract %reduce_sum3A_537[15] : i32 from vector<16xi32>
        %add3A_539 = arith.addi %scan3A_481, %reduce_sum3A_538 : i32
        scf.yield %add3A_539, %select_n3A_534, %select_n3A_531, %select_n3A_532 : i32, i32, i32, i32
      }
      %scan3A_431 = arith.constant 16 : i32
      %shift_left3A_432 = arith.constant 8 : i32
      %shift_left3A_433 = arith.shli %scan3A_411#2, %shift_left3A_432 : i32
      %or3A_434 = arith.ori %shift_left3A_433, %scan3A_430#2 : i32
      %shift_left3A_435 = arith.constant 15 : i32
      %shift_left3A_436 = arith.shli %or3A_434, %shift_left3A_435 : i32
      %sub3A_437 = arith.constant 1065353217 : i32
      %sub3A_438 = arith.subi %shift_left3A_436, %sub3A_437 : i32
      %jit3A_439 = arith.constant 16 : i32
      %eq3A_440 = arith.constant 0 : i32
      %eq3A_441 = arith.cmpi eq, %jit3A_439, %eq3A_440 : i32
      %jit3A_442 = arith.constant 1 : i32
      %select_n3A_443 = arith.select %eq3A_441, %jit3A_442, %jit3A_439 : i32
      %rem3A_444 = arith.remsi %add3A_249, %select_n3A_443 : i32
      %ne3A_445 = arith.constant 0 : i32
      %ne3A_446 = arith.cmpi ne, %rem3A_444, %ne3A_445 : i32
      %lt3A_447 = arith.constant 0 : i32
      %lt3A_448 = arith.cmpi slt, %rem3A_444, %lt3A_447 : i32
      %lt3A_449 = arith.constant 0 : i32
      %lt3A_450 = arith.cmpi slt, %select_n3A_443, %lt3A_449 : i32
      %ne3A_451 = arith.xori %lt3A_448, %lt3A_450 : i1
      %and3A_452 = arith.andi %ne3A_451, %ne3A_446 : i1
      %add3A_453 = arith.addi %rem3A_444, %select_n3A_443 : i32
      %select_n3A_454 = arith.select %and3A_452, %add3A_453, %rem3A_444 : i32
      %eq3A_455 = vector.broadcast %select_n3A_454 : i32 to vector<16xi32>
      %eq3A_456 = arith.cmpi eq, %iota3A, %eq3A_455 : vector<16xi32>
      %broadcast_in_dim3A_457 = vector.broadcast %sub3A_438 : i32 to vector<16xi32>
      %select_n3A_458 = arith.select %eq3A_456, %broadcast_in_dim3A_457, %select_n3A_226 : vector<16xi1>, vector<16xi32>
      %jit3A_459 = arith.constant 16 : i32
      %eq3A_460 = arith.constant 0 : i32
      %eq3A_461 = arith.cmpi eq, %jit3A_459, %eq3A_460 : i32
      %jit3A_462 = arith.constant 1 : i32
      %select_n3A_463 = arith.select %eq3A_461, %jit3A_462, %jit3A_459 : i32
      %rem3A_464 = arith.remsi %add3A_249, %select_n3A_463 : i32
      %ne3A_465 = arith.constant 0 : i32
      %ne3A_466 = arith.cmpi ne, %rem3A_464, %ne3A_465 : i32
      %lt3A_467 = arith.constant 0 : i32
      %lt3A_468 = arith.cmpi slt, %rem3A_464, %lt3A_467 : i32
      %lt3A_469 = arith.constant 0 : i32
      %lt3A_470 = arith.cmpi slt, %select_n3A_463, %lt3A_469 : i32
      %ne3A_471 = arith.xori %lt3A_468, %lt3A_470 : i1
      %and3A_472 = arith.andi %ne3A_471, %ne3A_466 : i1
      %add3A_473 = arith.addi %rem3A_464, %select_n3A_463 : i32
      %select_n3A_474 = arith.select %and3A_472, %add3A_473, %rem3A_464 : i32
      %eq3A_475 = arith.constant 15 : i32
      %eq3A_476 = arith.cmpi eq, %select_n3A_474, %eq3A_475 : i32
      %convert_element_type3A_477 = arith.extui %eq3A_476 : i1 to i32
      %cond3A_478 = arith.constant 0 : i32
      %cond3A_479 = arith.cmpi ne, %convert_element_type3A_477, %cond3A_478 : i32
      scf.if %cond3A_479 {
        %jit3A_480 = arith.constant 16 : i32
        %div3A = arith.divsi %add3A_249, %jit3A_480 : i32
        %sign3A = arith.constant 0 : i32
        %sign3A_481 = arith.cmpi sgt, %add3A_249, %sign3A : i32
        %sign3A_482 = arith.extui %sign3A_481 : i1 to i32
        %sign3A_483 = arith.constant 0 : i32
        %sign3A_484 = arith.cmpi slt, %add3A_249, %sign3A_483 : i32
        %sign3A_485 = arith.extui %sign3A_484 : i1 to i32
        %sign3A_486 = arith.subi %sign3A_482, %sign3A_485 : i32
        %sign3A_487 = arith.constant 0 : i32
        %sign3A_488 = arith.cmpi sgt, %jit3A_480, %sign3A_487 : i32
        %sign3A_489 = arith.extui %sign3A_488 : i1 to i32
        %sign3A_490 = arith.constant 0 : i32
        %sign3A_491 = arith.cmpi slt, %jit3A_480, %sign3A_490 : i32
        %sign3A_492 = arith.extui %sign3A_491 : i1 to i32
        %sign3A_493 = arith.subi %sign3A_489, %sign3A_492 : i32
        %ne3A_494 = arith.cmpi ne, %sign3A_486, %sign3A_493 : i32
        %rem3A_495 = arith.remsi %add3A_249, %jit3A_480 : i32
        %ne3A_496 = arith.constant 0 : i32
        %ne3A_497 = arith.cmpi ne, %rem3A_495, %ne3A_496 : i32
        %and3A_498 = arith.andi %ne3A_494, %ne3A_497 : i1
        %sub3A_499 = arith.constant 1 : i32
        %sub3A_500 = arith.subi %div3A, %sub3A_499 : i32
        %select_n3A_501 = arith.select %and3A_498, %sub3A_500, %div3A : i32
        %mul3A_502 = arith.constant 16 : i32
        %mul3A_503 = arith.muli %select_n3A_501, %mul3A_502 : i32
        %swap3A_504 = arith.index_cast %mul3A_503 : i32 to index
        %swap3A_505 = tpu.vector_load %arg8[%swap3A_504] {strides = array<i32>} : memref<96xi32, #tpu.memory_space<vmem>>, vector<16xi32>,
        tpu.vector_store %arg8[%swap3A_504], %select_n3A_458 {strides = array<i32>} : memref<96xi32, #tpu.memory_space<vmem>>, vector<16xi32>,
      } else {
      }
      scf.yield %select_n3A_458 : vector<16xi32>
    }
    %scan3A_15 = arith.constant 48 : i32
    %dma_wait3A = arith.constant 0 : i32
    %dma_wait3A_16 = tpu.memref_slice %arg2[%mul3A_2, %dma_wait3A] : memref<3072x4096xi32, #tpu.memory_space<hbm>> -> memref<1x4096xi32, #tpu.memory_space<hbm>>
    %dma_wait3A_17 = tpu.memref_squeeze %dma_wait3A_16 : memref<1x4096xi32, #tpu.memory_space<hbm>> -> memref<4096xi32, #tpu.memory_space<hbm>>
    %dma_wait3A_18 = arith.constant 0 : i32
    %dma_wait3A_19 = tpu.memref_slice %arg2[%mul3A_2, %dma_wait3A_18] : memref<3072x4096xi32, #tpu.memory_space<hbm>> -> memref<1x4096xi32, #tpu.memory_space<hbm>>
    %dma_wait3A_20 = tpu.memref_squeeze %dma_wait3A_19 : memref<1x4096xi32, #tpu.memory_space<hbm>> -> memref<4096xi32, #tpu.memory_space<hbm>>
    tpu.wait_dma2 semaphore(%arg9 : memref<!tpu.dma_semaphore, #tpu.memory_space<semaphore_mem>>) src(%dma_wait3A_20 : memref<4096xi32, #tpu.memory_space<hbm>>) dst(%arg4 : memref<4096xi32, #tpu.memory_space<vmem>>)
    "tpu.region"() ({
      %run_scoped3A = tpu.sem_alloc : memref<!tpu.dma_semaphore, #tpu.memory_space<semaphore_mem>>
      %dma_start3A_21 = tpu.memref_slice %arg3[%mul3A_2] : memref<3072xi32, #tpu.memory_space<hbm>> -> memref<96xi32, #tpu.memory_space<hbm>>
      %dma_start3A_22 = tpu.memref_slice %arg3[%mul3A_2] : memref<3072xi32, #tpu.memory_space<hbm>> -> memref<96xi32, #tpu.memory_space<hbm>>
      tpu.enqueue_dma source(%arg8 : memref<96xi32, #tpu.memory_space<vmem>>) target(%dma_start3A_22 : memref<96xi32, #tpu.memory_space<hbm>>) target_semaphore(%run_scoped3A : memref<!tpu.dma_semaphore, #tpu.memory_space<semaphore_mem>>)
      %dma_wait3A_23 = tpu.memref_slice %arg3[%mul3A_2] : memref<3072xi32, #tpu.memory_space<hbm>> -> memref<96xi32, #tpu.memory_space<hbm>>
      %dma_wait3A_24 = tpu.memref_slice %arg3[%mul3A_2] : memref<3072xi32, #tpu.memory_space<hbm>> -> memref<96xi32, #tpu.memory_space<hbm>>
      tpu.wait_dma2 semaphore(%run_scoped3A : memref<!tpu.dma_semaphore, #tpu.memory_space<semaphore_mem>>) src(%arg8 : memref<96xi32, #tpu.memory_space<vmem>>) dst(%dma_wait3A_24 : memref<96xi32, #tpu.memory_space<hbm>>)
      tpu.yield
    }) : () -> ()
    return
  }
}

module attributes {stable_mosaic.version = 14 : i64} {
  func.func @_stage_ak_kernel(%arg0: i32, %arg1: memref<1024x768xf32, #tpu.memory_space<vmem>>, %arg2: memref<1024x768xf32, #tpu.memory_space<vmem>>, %arg3: memref<768xf32, #tpu.memory_space<vmem>>, %arg4: memref<768xf32, #tpu.memory_space<vmem>>, %arg5: memref<768x768xf32, #tpu.memory_space<vmem>>, %arg6: memref<768xf32, #tpu.memory_space<vmem>>, %arg7: memref<1024x768xf32, #tpu.memory_space<vmem>>, %arg8: memref<1024x768xf32, #tpu.memory_space<vmem>>) attributes {dimension_semantics = [#tpu.dimension_semantics<arbitrary>], iteration_bounds = array<i64: 4>, scalar_prefetch = 0 : i64, scratch_operands = 0 : i64, tpu.core_type = #tpu.core_type<tc>, window_params = [{transform_indices = @transform_0, window_bounds = array<i64: 1024, 768>}, {transform_indices = @transform_1, window_bounds = array<i64: 1024, 768>}, {pipeline_mode = #tpu.pipeline_mode<synchronous>, transform_indices = @transform_2, window_bounds = array<i64: 768>}, {pipeline_mode = #tpu.pipeline_mode<synchronous>, transform_indices = @transform_3, window_bounds = array<i64: 768>}, {pipeline_mode = #tpu.pipeline_mode<synchronous>, transform_indices = @transform_4, window_bounds = array<i64: 768, 768>}, {pipeline_mode = #tpu.pipeline_mode<synchronous>, transform_indices = @transform_5, window_bounds = array<i64: 768>}, {transform_indices = @transform_6, window_bounds = array<i64: 1024, 768>}, {transform_indices = @transform_7, window_bounds = array<i64: 1024, 768>}]} {
    %iota3A = tpu.iota {dimensions = array<i32: 0>} : vector<768x12xi32>
    %iota3A_0 = tpu.iota {dimensions = array<i32: 1>} : vector<768x12xi32>
    %jit3A = arith.constant 64 : i32
    %div3A = vector.broadcast %jit3A : i32 to vector<768x12xi32>
    %div3A_1 = arith.divsi %iota3A, %div3A : vector<768x12xi32>
    %sign3A = arith.constant 0 : i32
    %sign3A_2 = vector.broadcast %sign3A : i32 to vector<768x12xi32>
    %sign3A_3 = arith.cmpi sgt, %iota3A, %sign3A_2 : vector<768x12xi32>
    %sign3A_4 = arith.extui %sign3A_3 : vector<768x12xi1> to vector<768x12xi32>
    %sign3A_5 = arith.constant 0 : i32
    %sign3A_6 = vector.broadcast %sign3A_5 : i32 to vector<768x12xi32>
    %sign3A_7 = arith.cmpi slt, %iota3A, %sign3A_6 : vector<768x12xi32>
    %sign3A_8 = arith.extui %sign3A_7 : vector<768x12xi1> to vector<768x12xi32>
    %sign3A_9 = arith.subi %sign3A_4, %sign3A_8 : vector<768x12xi32>
    %sign3A_10 = arith.constant 0 : i32
    %sign3A_11 = arith.cmpi sgt, %jit3A, %sign3A_10 : i32
    %sign3A_12 = arith.extui %sign3A_11 : i1 to i32
    %sign3A_13 = arith.constant 0 : i32
    %sign3A_14 = arith.cmpi slt, %jit3A, %sign3A_13 : i32
    %sign3A_15 = arith.extui %sign3A_14 : i1 to i32
    %sign3A_16 = arith.subi %sign3A_12, %sign3A_15 : i32
    %ne3A = vector.broadcast %sign3A_16 : i32 to vector<768x12xi32>
    %ne3A_17 = arith.cmpi ne, %sign3A_9, %ne3A : vector<768x12xi32>
    %rem3A = vector.broadcast %jit3A : i32 to vector<768x12xi32>
    %rem3A_18 = arith.remsi %iota3A, %rem3A : vector<768x12xi32>
    %ne3A_19 = arith.constant 0 : i32
    %ne3A_20 = vector.broadcast %ne3A_19 : i32 to vector<768x12xi32>
    %ne3A_21 = arith.cmpi ne, %rem3A_18, %ne3A_20 : vector<768x12xi32>
    %and3A = arith.andi %ne3A_17, %ne3A_21 : vector<768x12xi1>
    %sub3A = arith.constant 1 : i32
    %sub3A_22 = vector.broadcast %sub3A : i32 to vector<768x12xi32>
    %sub3A_23 = arith.subi %div3A_1, %sub3A_22 : vector<768x12xi32>
    %select_n3A = arith.select %and3A, %sub3A_23, %div3A_1 : vector<768x12xi1>, vector<768x12xi32>
    %eq3A = arith.cmpi eq, %select_n3A, %iota3A_0 : vector<768x12xi32>
    %convert_element_type3A = arith.extui %eq3A : vector<768x12xi1> to vector<768x12xi32>
    %convert_element_type3A_24 = arith.sitofp %convert_element_type3A : vector<768x12xi32> to vector<768x12xf32>
    %get3A = arith.constant 0 : index
    %get3A_25 = arith.constant 0 : index
    %get3A_26 = vector.load %arg1[%get3A, %get3A_25] : memref<1024x768xf32, #tpu.memory_space<vmem>>, vector<1024x768xf32>
    %get3A_27 = arith.constant 0 : index
    %get3A_28 = arith.constant 0 : index
    %get3A_29 = vector.load %arg2[%get3A_27, %get3A_28] : memref<1024x768xf32, #tpu.memory_space<vmem>>, vector<1024x768xf32>
    %add3A = arith.addf %get3A_26, %get3A_29 : vector<1024x768xf32>
    %swap3A = arith.constant 0 : index
    %swap3A_30 = arith.constant 0 : index
    %swap3A_31 = vector.load %arg8[%swap3A, %swap3A_30] : memref<1024x768xf32, #tpu.memory_space<vmem>>, vector<1024x768xf32>
    tpu.vector_store %arg8[%swap3A, %swap3A_30], %add3A {strides = array<i32>} : memref<1024x768xf32, #tpu.memory_space<vmem>>, vector<1024x768xf32>,
    %get3A_32 = arith.constant 0 : index
    %get3A_33 = vector.load %arg3[%get3A_32] : memref<768xf32, #tpu.memory_space<vmem>>, vector<768xf32>
    %get3A_34 = arith.constant 0 : index
    %get3A_35 = vector.load %arg4[%get3A_34] : memref<768xf32, #tpu.memory_space<vmem>>, vector<768xf32>
    %get3A_36 = arith.constant 0 : index
    %get3A_37 = arith.constant 0 : index
    %get3A_38 = vector.load %arg5[%get3A_36, %get3A_37] : memref<768x768xf32, #tpu.memory_space<vmem>>, vector<768x768xf32>
    %get3A_39 = arith.constant 0 : index
    %get3A_40 = vector.load %arg6[%get3A_39] : memref<768xf32, #tpu.memory_space<vmem>>, vector<768xf32>
    %reduce_sum3A = arith.constant dense<0.000000e+00> : vector<1024xf32>
    %reduce_sum3A_41 = vector.multi_reduction <add>, %add3A, %reduce_sum3A [1] : vector<1024x768xf32> to vector<1024xf32>
    %broadcast_in_dim3A = vector.shape_cast %reduce_sum3A_41 : vector<1024xf32> to vector<1024x1xf32>
    %div3A_42 = arith.constant 7.680000e+02 : f32
    %div3A_43 = vector.broadcast %div3A_42 : f32 to vector<1024x1xf32>
    %div3A_44 = arith.divf %broadcast_in_dim3A, %div3A_43 : vector<1024x1xf32>
    %sub3A_45 = vector.broadcast %div3A_44 : vector<1024x1xf32> to vector<1024x768xf32>
    %sub3A_46 = arith.subf %add3A, %sub3A_45 : vector<1024x768xf32>
    %integer_pow3A = arith.mulf %sub3A_46, %sub3A_46 : vector<1024x768xf32>
    %reduce_sum3A_47 = arith.constant dense<0.000000e+00> : vector<1024xf32>
    %reduce_sum3A_48 = vector.multi_reduction <add>, %integer_pow3A, %reduce_sum3A_47 [1] : vector<1024x768xf32> to vector<1024xf32>
    %broadcast_in_dim3A_49 = vector.shape_cast %reduce_sum3A_48 : vector<1024xf32> to vector<1024x1xf32>
    %div3A_50 = arith.constant 7.680000e+02 : f32
    %div3A_51 = vector.broadcast %div3A_50 : f32 to vector<1024x1xf32>
    %div3A_52 = arith.divf %broadcast_in_dim3A_49, %div3A_51 : vector<1024x1xf32>
    %sub3A_53 = vector.broadcast %div3A_44 : vector<1024x1xf32> to vector<1024x768xf32>
    %sub3A_54 = arith.subf %add3A, %sub3A_53 : vector<1024x768xf32>
    %add3A_55 = arith.constant 9.99999974E-6 : f32
    %add3A_56 = vector.broadcast %add3A_55 : f32 to vector<1024x1xf32>
    %add3A_57 = arith.addf %div3A_52, %add3A_56 : vector<1024x1xf32>
    %rsqrt3A = math.rsqrt %add3A_57 : vector<1024x1xf32>
    %mul3A = vector.broadcast %rsqrt3A : vector<1024x1xf32> to vector<1024x768xf32>
    %mul3A_58 = arith.mulf %sub3A_54, %mul3A : vector<1024x768xf32>
    %broadcast_in_dim3A_59 = vector.shape_cast %get3A_33 : vector<768xf32> to vector<1x768xf32>
    %mul3A_60 = vector.broadcast %broadcast_in_dim3A_59 : vector<1x768xf32> to vector<1024x768xf32>
    %mul3A_61 = arith.mulf %mul3A_58, %mul3A_60 : vector<1024x768xf32>
    %broadcast_in_dim3A_62 = vector.shape_cast %get3A_35 : vector<768xf32> to vector<1x768xf32>
    %add3A_63 = vector.broadcast %broadcast_in_dim3A_62 : vector<1x768xf32> to vector<1024x768xf32>
    %add3A_64 = arith.addf %mul3A_61, %add3A_63 : vector<1024x768xf32>
    %dot_general3A = arith.constant dense<0.000000e+00> : vector<1024x768xf32>
    %dot_general3A_65 = tpu.matmul %add3A_64, %get3A_38, %dot_general3A {dimension_numbers = #tpu.dot_dimension_numbers<[1], [0], [0], [1], [0, 0, 1, 1], [], []>, transpose_lhs_hint = false} : vector<1024x768xf32>, vector<768x768xf32>, vector<1024x768xf32> -> vector<1024x768xf32>
    %broadcast_in_dim3A_66 = vector.shape_cast %get3A_40 : vector<768xf32> to vector<1x768xf32>
    %add3A_67 = vector.broadcast %broadcast_in_dim3A_66 : vector<1x768xf32> to vector<1024x768xf32>
    %add3A_68 = arith.addf %dot_general3A_65, %add3A_67 : vector<1024x768xf32>
    %mul3A_69 = arith.mulf %add3A_68, %add3A_68 : vector<1024x768xf32>
    %dot_general3A_70 = arith.constant dense<0.000000e+00> : vector<1024x12xf32>
    %dot_general3A_71 = tpu.matmul %mul3A_69, %convert_element_type3A_24, %dot_general3A_70 {dimension_numbers = #tpu.dot_dimension_numbers<[1], [0], [0], [1], [0, 0, 1, 1], [], []>, transpose_lhs_hint = false} : vector<1024x768xf32>, vector<768x12xf32>, vector<1024x12xf32> -> vector<1024x12xf32>
    %sqrt3A = math.sqrt %dot_general3A_71 : vector<1024x12xf32>
    %max3A = arith.constant 9.99999996E-13 : f32
    %max3A_72 = vector.broadcast %max3A : f32 to vector<1024x12xf32>
    %max3A_73 = arith.maximumf %sqrt3A, %max3A_72 : vector<1024x12xf32>
    %div3A_74 = arith.constant 1.000000e+00 : f32
    %div3A_75 = vector.broadcast %div3A_74 : f32 to vector<1024x12xf32>
    %div3A_76 = arith.divf %div3A_75, %max3A_73 : vector<1024x12xf32>
    %transpose3A = tpu.transpose %convert_element_type3A_24, [1, 0] : vector<768x12xf32> -> vector<12x768xf32>
    %dot_general3A_77 = arith.constant dense<0.000000e+00> : vector<1024x768xf32>
    %dot_general3A_78 = tpu.matmul %div3A_76, %transpose3A, %dot_general3A_77 {dimension_numbers = #tpu.dot_dimension_numbers<[1], [0], [0], [1], [0, 0, 1, 1], [], []>, transpose_lhs_hint = false} : vector<1024x12xf32>, vector<12x768xf32>, vector<1024x768xf32> -> vector<1024x768xf32>
    %mul3A_79 = arith.mulf %add3A_68, %dot_general3A_78 : vector<1024x768xf32>
    %swap3A_80 = arith.constant 0 : index
    %swap3A_81 = arith.constant 0 : index
    %swap3A_82 = vector.load %arg7[%swap3A_80, %swap3A_81] : memref<1024x768xf32, #tpu.memory_space<vmem>>, vector<1024x768xf32>
    tpu.vector_store %arg7[%swap3A_80, %swap3A_81], %mul3A_79 {strides = array<i32>} : memref<1024x768xf32, #tpu.memory_space<vmem>>, vector<1024x768xf32>,
    return
  }
  func.func @transform_0(%arg0: i32) -> (i32, i32) {
    %c0_i32 = arith.constant 0 : i32
    %c0_i32_0 = arith.constant 0 : i32
    return %arg0, %c0_i32 : i32, i32
  }
  func.func @transform_1(%arg0: i32) -> (i32, i32) {
    %c0_i32 = arith.constant 0 : i32
    %c0_i32_0 = arith.constant 0 : i32
    return %arg0, %c0_i32 : i32, i32
  }
  func.func @transform_2(%arg0: i32) -> i32 {
    %c0_i32 = arith.constant 0 : i32
    %c0_i32_0 = arith.constant 0 : i32
    return %c0_i32 : i32
  }
  func.func @transform_3(%arg0: i32) -> i32 {
    %c0_i32 = arith.constant 0 : i32
    %c0_i32_0 = arith.constant 0 : i32
    return %c0_i32 : i32
  }
  func.func @transform_4(%arg0: i32) -> (i32, i32) {
    %c0_i32 = arith.constant 0 : i32
    %c0_i32_0 = arith.constant 0 : i32
    %c0_i32_1 = arith.constant 0 : i32
    return %c0_i32, %c0_i32_0 : i32, i32
  }
  func.func @transform_5(%arg0: i32) -> i32 {
    %c0_i32 = arith.constant 0 : i32
    %c0_i32_0 = arith.constant 0 : i32
    return %c0_i32 : i32
  }
  func.func @transform_6(%arg0: i32) -> (i32, i32) {
    %c0_i32 = arith.constant 0 : i32
    %c0_i32_0 = arith.constant 0 : i32
    return %arg0, %c0_i32 : i32, i32
  }
  func.func @transform_7(%arg0: i32) -> (i32, i32) {
    %c0_i32 = arith.constant 0 : i32
    %c0_i32_0 = arith.constant 0 : i32
    return %arg0, %c0_i32 : i32, i32
  }
}

module attributes {stable_mosaic.version = 14 : i64} {
  func.func @_stage_aq_kernel(%arg0: memref<256x768xf32, #tpu.memory_space<vmem>>, %arg1: memref<256x768xf32, #tpu.memory_space<vmem>>, %arg2: memref<768xf32, #tpu.memory_space<vmem>>, %arg3: memref<768xf32, #tpu.memory_space<vmem>>, %arg4: memref<768x768xf32, #tpu.memory_space<vmem>>, %arg5: memref<768xf32, #tpu.memory_space<vmem>>, %arg6: memref<256x768xf32, #tpu.memory_space<vmem>>, %arg7: memref<256x768xf32, #tpu.memory_space<vmem>>) attributes {dimension_semantics = [], scalar_prefetch = 0 : i64, scratch_operands = 0 : i64, tpu.core_type = #tpu.core_type<tc>} {
    %iota3A = tpu.iota {dimensions = array<i32: 0>} : vector<768x12xi32>
    %iota3A_0 = tpu.iota {dimensions = array<i32: 1>} : vector<768x12xi32>
    %jit3A = arith.constant 64 : i32
    %div3A = vector.broadcast %jit3A : i32 to vector<768x12xi32>
    %div3A_1 = arith.divsi %iota3A, %div3A : vector<768x12xi32>
    %sign3A = arith.constant 0 : i32
    %sign3A_2 = vector.broadcast %sign3A : i32 to vector<768x12xi32>
    %sign3A_3 = arith.cmpi sgt, %iota3A, %sign3A_2 : vector<768x12xi32>
    %sign3A_4 = arith.extui %sign3A_3 : vector<768x12xi1> to vector<768x12xi32>
    %sign3A_5 = arith.constant 0 : i32
    %sign3A_6 = vector.broadcast %sign3A_5 : i32 to vector<768x12xi32>
    %sign3A_7 = arith.cmpi slt, %iota3A, %sign3A_6 : vector<768x12xi32>
    %sign3A_8 = arith.extui %sign3A_7 : vector<768x12xi1> to vector<768x12xi32>
    %sign3A_9 = arith.subi %sign3A_4, %sign3A_8 : vector<768x12xi32>
    %sign3A_10 = arith.constant 0 : i32
    %sign3A_11 = arith.cmpi sgt, %jit3A, %sign3A_10 : i32
    %sign3A_12 = arith.extui %sign3A_11 : i1 to i32
    %sign3A_13 = arith.constant 0 : i32
    %sign3A_14 = arith.cmpi slt, %jit3A, %sign3A_13 : i32
    %sign3A_15 = arith.extui %sign3A_14 : i1 to i32
    %sign3A_16 = arith.subi %sign3A_12, %sign3A_15 : i32
    %ne3A = vector.broadcast %sign3A_16 : i32 to vector<768x12xi32>
    %ne3A_17 = arith.cmpi ne, %sign3A_9, %ne3A : vector<768x12xi32>
    %rem3A = vector.broadcast %jit3A : i32 to vector<768x12xi32>
    %rem3A_18 = arith.remsi %iota3A, %rem3A : vector<768x12xi32>
    %ne3A_19 = arith.constant 0 : i32
    %ne3A_20 = vector.broadcast %ne3A_19 : i32 to vector<768x12xi32>
    %ne3A_21 = arith.cmpi ne, %rem3A_18, %ne3A_20 : vector<768x12xi32>
    %and3A = arith.andi %ne3A_17, %ne3A_21 : vector<768x12xi1>
    %sub3A = arith.constant 1 : i32
    %sub3A_22 = vector.broadcast %sub3A : i32 to vector<768x12xi32>
    %sub3A_23 = arith.subi %div3A_1, %sub3A_22 : vector<768x12xi32>
    %select_n3A = arith.select %and3A, %sub3A_23, %div3A_1 : vector<768x12xi1>, vector<768x12xi32>
    %eq3A = arith.cmpi eq, %select_n3A, %iota3A_0 : vector<768x12xi32>
    %convert_element_type3A = arith.extui %eq3A : vector<768x12xi1> to vector<768x12xi32>
    %convert_element_type3A_24 = arith.sitofp %convert_element_type3A : vector<768x12xi32> to vector<768x12xf32>
    %get3A = arith.constant 0 : index
    %get3A_25 = arith.constant 0 : index
    %get3A_26 = vector.load %arg0[%get3A, %get3A_25] : memref<256x768xf32, #tpu.memory_space<vmem>>, vector<256x768xf32>
    %get3A_27 = arith.constant 0 : index
    %get3A_28 = arith.constant 0 : index
    %get3A_29 = vector.load %arg1[%get3A_27, %get3A_28] : memref<256x768xf32, #tpu.memory_space<vmem>>, vector<256x768xf32>
    %add3A = arith.addf %get3A_26, %get3A_29 : vector<256x768xf32>
    %get3A_30 = arith.constant 0 : index
    %get3A_31 = vector.load %arg2[%get3A_30] : memref<768xf32, #tpu.memory_space<vmem>>, vector<768xf32>
    %get3A_32 = arith.constant 0 : index
    %get3A_33 = vector.load %arg3[%get3A_32] : memref<768xf32, #tpu.memory_space<vmem>>, vector<768xf32>
    %get3A_34 = arith.constant 0 : index
    %get3A_35 = arith.constant 0 : index
    %get3A_36 = vector.load %arg4[%get3A_34, %get3A_35] : memref<768x768xf32, #tpu.memory_space<vmem>>, vector<768x768xf32>
    %get3A_37 = arith.constant 0 : index
    %get3A_38 = vector.load %arg5[%get3A_37] : memref<768xf32, #tpu.memory_space<vmem>>, vector<768xf32>
    %reduce_sum3A = arith.constant dense<0.000000e+00> : vector<256xf32>
    %reduce_sum3A_39 = vector.multi_reduction <add>, %add3A, %reduce_sum3A [1] : vector<256x768xf32> to vector<256xf32>
    %broadcast_in_dim3A = vector.shape_cast %reduce_sum3A_39 : vector<256xf32> to vector<256x1xf32>
    %div3A_40 = arith.constant 7.680000e+02 : f32
    %div3A_41 = vector.broadcast %div3A_40 : f32 to vector<256x1xf32>
    %div3A_42 = arith.divf %broadcast_in_dim3A, %div3A_41 : vector<256x1xf32>
    %sub3A_43 = vector.broadcast %div3A_42 : vector<256x1xf32> to vector<256x768xf32>
    %sub3A_44 = arith.subf %add3A, %sub3A_43 : vector<256x768xf32>
    %integer_pow3A = arith.mulf %sub3A_44, %sub3A_44 : vector<256x768xf32>
    %reduce_sum3A_45 = arith.constant dense<0.000000e+00> : vector<256xf32>
    %reduce_sum3A_46 = vector.multi_reduction <add>, %integer_pow3A, %reduce_sum3A_45 [1] : vector<256x768xf32> to vector<256xf32>
    %broadcast_in_dim3A_47 = vector.shape_cast %reduce_sum3A_46 : vector<256xf32> to vector<256x1xf32>
    %div3A_48 = arith.constant 7.680000e+02 : f32
    %div3A_49 = vector.broadcast %div3A_48 : f32 to vector<256x1xf32>
    %div3A_50 = arith.divf %broadcast_in_dim3A_47, %div3A_49 : vector<256x1xf32>
    %sub3A_51 = vector.broadcast %div3A_42 : vector<256x1xf32> to vector<256x768xf32>
    %sub3A_52 = arith.subf %add3A, %sub3A_51 : vector<256x768xf32>
    %add3A_53 = arith.constant 9.99999974E-6 : f32
    %add3A_54 = vector.broadcast %add3A_53 : f32 to vector<256x1xf32>
    %add3A_55 = arith.addf %div3A_50, %add3A_54 : vector<256x1xf32>
    %rsqrt3A = math.rsqrt %add3A_55 : vector<256x1xf32>
    %mul3A = vector.broadcast %rsqrt3A : vector<256x1xf32> to vector<256x768xf32>
    %mul3A_56 = arith.mulf %sub3A_52, %mul3A : vector<256x768xf32>
    %broadcast_in_dim3A_57 = vector.shape_cast %get3A_31 : vector<768xf32> to vector<1x768xf32>
    %mul3A_58 = vector.broadcast %broadcast_in_dim3A_57 : vector<1x768xf32> to vector<256x768xf32>
    %mul3A_59 = arith.mulf %mul3A_56, %mul3A_58 : vector<256x768xf32>
    %broadcast_in_dim3A_60 = vector.shape_cast %get3A_33 : vector<768xf32> to vector<1x768xf32>
    %add3A_61 = vector.broadcast %broadcast_in_dim3A_60 : vector<1x768xf32> to vector<256x768xf32>
    %add3A_62 = arith.addf %mul3A_59, %add3A_61 : vector<256x768xf32>
    %dot_general3A = arith.constant dense<0.000000e+00> : vector<256x768xf32>
    %dot_general3A_63 = tpu.matmul %add3A_62, %get3A_36, %dot_general3A {dimension_numbers = #tpu.dot_dimension_numbers<[1], [0], [0], [1], [0, 0, 1, 1], [], []>, transpose_lhs_hint = false} : vector<256x768xf32>, vector<768x768xf32>, vector<256x768xf32> -> vector<256x768xf32>
    %broadcast_in_dim3A_64 = vector.shape_cast %get3A_38 : vector<768xf32> to vector<1x768xf32>
    %add3A_65 = vector.broadcast %broadcast_in_dim3A_64 : vector<1x768xf32> to vector<256x768xf32>
    %add3A_66 = arith.addf %dot_general3A_63, %add3A_65 : vector<256x768xf32>
    %swap3A = arith.constant 0 : index
    %swap3A_67 = arith.constant 0 : index
    %swap3A_68 = vector.load %arg7[%swap3A, %swap3A_67] : memref<256x768xf32, #tpu.memory_space<vmem>>, vector<256x768xf32>
    tpu.vector_store %arg7[%swap3A, %swap3A_67], %add3A_66 {strides = array<i32>} : memref<256x768xf32, #tpu.memory_space<vmem>>, vector<256x768xf32>,
    %mul3A_69 = arith.mulf %add3A_66, %add3A_66 : vector<256x768xf32>
    %dot_general3A_70 = arith.constant dense<0.000000e+00> : vector<256x12xf32>
    %dot_general3A_71 = tpu.matmul %mul3A_69, %convert_element_type3A_24, %dot_general3A_70 {dimension_numbers = #tpu.dot_dimension_numbers<[1], [0], [0], [1], [0, 0, 1, 1], [], []>, transpose_lhs_hint = false} : vector<256x768xf32>, vector<768x12xf32>, vector<256x12xf32> -> vector<256x12xf32>
    %sqrt3A = math.sqrt %dot_general3A_71 : vector<256x12xf32>
    %max3A = arith.constant 9.99999996E-13 : f32
    %max3A_72 = vector.broadcast %max3A : f32 to vector<256x12xf32>
    %max3A_73 = arith.maximumf %sqrt3A, %max3A_72 : vector<256x12xf32>
    %div3A_74 = arith.constant 1.000000e+00 : f32
    %div3A_75 = vector.broadcast %div3A_74 : f32 to vector<256x12xf32>
    %div3A_76 = arith.divf %div3A_75, %max3A_73 : vector<256x12xf32>
    %transpose3A = tpu.transpose %convert_element_type3A_24, [1, 0] : vector<768x12xf32> -> vector<12x768xf32>
    %dot_general3A_77 = arith.constant dense<0.000000e+00> : vector<256x768xf32>
    %dot_general3A_78 = tpu.matmul %div3A_76, %transpose3A, %dot_general3A_77 {dimension_numbers = #tpu.dot_dimension_numbers<[1], [0], [0], [1], [0, 0, 1, 1], [], []>, transpose_lhs_hint = false} : vector<256x12xf32>, vector<12x768xf32>, vector<256x768xf32> -> vector<256x768xf32>
    %mul3A_79 = arith.mulf %add3A_66, %dot_general3A_78 : vector<256x768xf32>
    %swap3A_80 = arith.constant 0 : index
    %swap3A_81 = arith.constant 0 : index
    %swap3A_82 = vector.load %arg6[%swap3A_80, %swap3A_81] : memref<256x768xf32, #tpu.memory_space<vmem>>, vector<256x768xf32>
    tpu.vector_store %arg6[%swap3A_80, %swap3A_81], %mul3A_79 {strides = array<i32>} : memref<256x768xf32, #tpu.memory_space<vmem>>, vector<256x768xf32>,
    return
  }
}

module attributes {stable_mosaic.version = 14 : i64} {
  func.func @_stage_b1_kernel(%arg0: i32, %arg1: memref<256x128xf32, #tpu.memory_space<vmem>>, %arg2: memref<4096x128xf32, #tpu.memory_space<vmem>>, %arg3: memref<512x4096xi32, #tpu.memory_space<vmem>>) attributes {dimension_semantics = [#tpu.dimension_semantics<arbitrary>], iteration_bounds = array<i64: 6>, scalar_prefetch = 0 : i64, scratch_operands = 0 : i64, tpu.core_type = #tpu.core_type<tc>, window_params = [{transform_indices = @transform_0, window_bounds = array<i64: 256, 128>}, {transform_indices = @transform_1, window_bounds = array<i64: 4096, 128>}, {transform_indices = @transform_2, window_bounds = array<i64: 512, 4096>}]} {
    %get3A = arith.constant 0 : index
    %get3A_0 = arith.constant 0 : index
    %get3A_1 = vector.load %arg1[%get3A, %get3A_0] : memref<256x128xf32, #tpu.memory_space<vmem>>, vector<256x64xf32>
    %get3A_2 = arith.constant 0 : index
    %get3A_3 = arith.constant 0 : index
    %get3A_4 = vector.load %arg2[%get3A_2, %get3A_3] : memref<4096x128xf32, #tpu.memory_space<vmem>>, vector<4096x64xf32>
    %dot_general3A = arith.constant dense<0.000000e+00> : vector<256x4096xf32>
    %dot_general3A_5 = tpu.matmul %get3A_1, %get3A_4, %dot_general3A {dimension_numbers = #tpu.dot_dimension_numbers<[1], [1], [0], [0], [0, 0, 1, 0], [], []>, transpose_lhs_hint = false} : vector<256x64xf32>, vector<4096x64xf32>, vector<256x4096xf32> -> vector<256x4096xf32>
    %bitcast_convert_type3A = tpu.bitcast %dot_general3A_5 : vector<256x4096xf32> -> vector<256x4096xi32>
    %shift_right_arithmetic3A = arith.constant 31 : i32
    %shift_right_arithmetic3A_6 = vector.broadcast %shift_right_arithmetic3A : i32 to vector<256x4096xi32>
    %shift_right_arithmetic3A_7 = arith.shrsi %bitcast_convert_type3A, %shift_right_arithmetic3A_6 : vector<256x4096xi32>
    %shift_right_logical3A = arith.constant 1 : i32
    %shift_right_logical3A_8 = vector.broadcast %shift_right_logical3A : i32 to vector<256x4096xi32>
    %shift_right_logical3A_9 = arith.shrui %shift_right_arithmetic3A_7, %shift_right_logical3A_8 : vector<256x4096xi32>
    %xor3A = arith.xori %bitcast_convert_type3A, %shift_right_logical3A_9 : vector<256x4096xi32>
    %swap3A = arith.constant 0 : index
    %swap3A_10 = arith.constant 0 : index
    %swap3A_11 = vector.load %arg3[%swap3A, %swap3A_10] : memref<512x4096xi32, #tpu.memory_space<vmem>>, vector<256x4096xi32>
    tpu.vector_store %arg3[%swap3A, %swap3A_10], %xor3A {strides = array<i32>} : memref<512x4096xi32, #tpu.memory_space<vmem>>, vector<256x4096xi32>,
    %get3A_12 = arith.constant 0 : index
    %get3A_13 = arith.constant 64 : index
    %get3A_14 = vector.load %arg1[%get3A_12, %get3A_13] : memref<256x128xf32, #tpu.memory_space<vmem>>, vector<256x64xf32>
    %get3A_15 = arith.constant 0 : index
    %get3A_16 = arith.constant 64 : index
    %get3A_17 = vector.load %arg2[%get3A_15, %get3A_16] : memref<4096x128xf32, #tpu.memory_space<vmem>>, vector<4096x64xf32>
    %dot_general3A_18 = arith.constant dense<0.000000e+00> : vector<256x4096xf32>
    %dot_general3A_19 = tpu.matmul %get3A_14, %get3A_17, %dot_general3A_18 {dimension_numbers = #tpu.dot_dimension_numbers<[1], [1], [0], [0], [0, 0, 1, 0], [], []>, transpose_lhs_hint = false} : vector<256x64xf32>, vector<4096x64xf32>, vector<256x4096xf32> -> vector<256x4096xf32>
    %bitcast_convert_type3A_20 = tpu.bitcast %dot_general3A_19 : vector<256x4096xf32> -> vector<256x4096xi32>
    %shift_right_arithmetic3A_21 = arith.constant 31 : i32
    %shift_right_arithmetic3A_22 = vector.broadcast %shift_right_arithmetic3A_21 : i32 to vector<256x4096xi32>
    %shift_right_arithmetic3A_23 = arith.shrsi %bitcast_convert_type3A_20, %shift_right_arithmetic3A_22 : vector<256x4096xi32>
    %shift_right_logical3A_24 = arith.constant 1 : i32
    %shift_right_logical3A_25 = vector.broadcast %shift_right_logical3A_24 : i32 to vector<256x4096xi32>
    %shift_right_logical3A_26 = arith.shrui %shift_right_arithmetic3A_23, %shift_right_logical3A_25 : vector<256x4096xi32>
    %xor3A_27 = arith.xori %bitcast_convert_type3A_20, %shift_right_logical3A_26 : vector<256x4096xi32>
    %swap3A_28 = arith.constant 256 : index
    %swap3A_29 = arith.constant 0 : index
    %swap3A_30 = vector.load %arg3[%swap3A_28, %swap3A_29] : memref<512x4096xi32, #tpu.memory_space<vmem>>, vector<256x4096xi32>
    tpu.vector_store %arg3[%swap3A_28, %swap3A_29], %xor3A_27 {strides = array<i32>} : memref<512x4096xi32, #tpu.memory_space<vmem>>, vector<256x4096xi32>,
    return
  }
  func.func @transform_0(%arg0: i32) -> (i32, i32) {
    %c0_i32 = arith.constant 0 : i32
    %c0_i32_0 = arith.constant 0 : i32
    return %c0_i32, %arg0 : i32, i32
  }
  func.func @transform_1(%arg0: i32) -> (i32, i32) {
    %c0_i32 = arith.constant 0 : i32
    %c0_i32_0 = arith.constant 0 : i32
    return %c0_i32, %arg0 : i32, i32
  }
  func.func @transform_2(%arg0: i32) -> (i32, i32) {
    %c0_i32 = arith.constant 0 : i32
    %c0_i32_0 = arith.constant 0 : i32
    return %arg0, %c0_i32 : i32, i32
  }
}

module attributes {stable_mosaic.version = 14 : i64} {
  func.func @_stage_b2_kernel(%arg0: i32, %arg1: memref<512x4096xi32, #tpu.memory_space<vmem>>, %arg2: memref<512x1xi32, #tpu.memory_space<vmem>>, %arg3: memref<4096x128xf32, #tpu.memory_space<vmem>>, %arg4: memref<256x128xf32, #tpu.memory_space<vmem>>) attributes {dimension_semantics = [#tpu.dimension_semantics<arbitrary>], iteration_bounds = array<i64: 6>, scalar_prefetch = 0 : i64, scratch_operands = 0 : i64, tpu.core_type = #tpu.core_type<tc>, window_params = [{transform_indices = @transform_0, window_bounds = array<i64: 512, 4096>}, {transform_indices = @transform_1, window_bounds = array<i64: 512, 1>}, {transform_indices = @transform_2, window_bounds = array<i64: 4096, 128>}, {transform_indices = @transform_3, window_bounds = array<i64: 256, 128>}]} {
    %get3A = arith.constant 0 : index
    %get3A_0 = arith.constant 0 : index
    %get3A_1 = vector.load %arg2[%get3A, %get3A_0] : memref<512x1xi32, #tpu.memory_space<vmem>>, vector<512x1xi32>
    %get3A_2 = arith.constant 0 : index
    %get3A_3 = arith.constant 0 : index
    %get3A_4 = vector.load %arg1[%get3A_2, %get3A_3] : memref<512x4096xi32, #tpu.memory_space<vmem>>, vector<256x4096xi32>
    %shift_right_arithmetic3A = arith.constant 31 : i32
    %shift_right_arithmetic3A_5 = vector.broadcast %shift_right_arithmetic3A : i32 to vector<256x4096xi32>
    %shift_right_arithmetic3A_6 = arith.shrsi %get3A_4, %shift_right_arithmetic3A_5 : vector<256x4096xi32>
    %shift_right_logical3A = arith.constant 1 : i32
    %shift_right_logical3A_7 = vector.broadcast %shift_right_logical3A : i32 to vector<256x4096xi32>
    %shift_right_logical3A_8 = arith.shrui %shift_right_arithmetic3A_6, %shift_right_logical3A_7 : vector<256x4096xi32>
    %xor3A = arith.xori %get3A_4, %shift_right_logical3A_8 : vector<256x4096xi32>
    %bitcast_convert_type3A = tpu.bitcast %xor3A : vector<256x4096xi32> -> vector<256x4096xf32>
    %slice3A = vector.extract_strided_slice %get3A_1 {offsets = [0, 0], sizes = [256, 1], strides = [1, 1]} : vector<512x1xi32> to vector<256x1xi32>
    %ge3A = vector.broadcast %slice3A : vector<256x1xi32> to vector<256x4096xi32>
    %ge3A_9 = arith.cmpi sge, %get3A_4, %ge3A : vector<256x4096xi32>
    %mul3A = arith.constant 1.250000e-01 : f32
    %mul3A_10 = vector.broadcast %mul3A : f32 to vector<256x4096xf32>
    %mul3A_11 = arith.mulf %bitcast_convert_type3A, %mul3A_10 : vector<256x4096xf32>
    %exp3A = math.exp %mul3A_11 : vector<256x4096xf32>
    %jit3A = arith.constant 0.000000e+00 : f32
    %broadcast_in_dim3A = vector.broadcast %jit3A : f32 to vector<256x4096xf32>
    %select_n3A = arith.select %ge3A_9, %exp3A, %broadcast_in_dim3A : vector<256x4096xi1>, vector<256x4096xf32>
    %reduce_sum3A = arith.constant dense<0.000000e+00> : vector<256xf32>
    %reduce_sum3A_12 = vector.multi_reduction <add>, %select_n3A, %reduce_sum3A [1] : vector<256x4096xf32> to vector<256xf32>
    %broadcast_in_dim3A_13 = vector.shape_cast %reduce_sum3A_12 : vector<256xf32> to vector<256x1xf32>
    %div3A = vector.broadcast %broadcast_in_dim3A_13 : vector<256x1xf32> to vector<256x4096xf32>
    %div3A_14 = arith.divf %select_n3A, %div3A : vector<256x4096xf32>
    %get3A_15 = arith.constant 0 : index
    %get3A_16 = arith.constant 0 : index
    %get3A_17 = vector.load %arg3[%get3A_15, %get3A_16] : memref<4096x128xf32, #tpu.memory_space<vmem>>, vector<4096x64xf32>
    %dot_general3A = arith.constant dense<0.000000e+00> : vector<256x64xf32>
    %dot_general3A_18 = tpu.matmul %div3A_14, %get3A_17, %dot_general3A {dimension_numbers = #tpu.dot_dimension_numbers<[1], [0], [0], [1], [0, 0, 1, 1], [], []>, transpose_lhs_hint = false} : vector<256x4096xf32>, vector<4096x64xf32>, vector<256x64xf32> -> vector<256x64xf32>
    %swap3A = arith.constant 0 : index
    %swap3A_19 = arith.constant 0 : index
    %swap3A_20 = vector.load %arg4[%swap3A, %swap3A_19] : memref<256x128xf32, #tpu.memory_space<vmem>>, vector<256x64xf32>
    tpu.vector_store %arg4[%swap3A, %swap3A_19], %dot_general3A_18 {strides = array<i32>} : memref<256x128xf32, #tpu.memory_space<vmem>>, vector<256x64xf32>,
    %get3A_21 = arith.constant 256 : index
    %get3A_22 = arith.constant 0 : index
    %get3A_23 = vector.load %arg1[%get3A_21, %get3A_22] : memref<512x4096xi32, #tpu.memory_space<vmem>>, vector<256x4096xi32>
    %shift_right_arithmetic3A_24 = arith.constant 31 : i32
    %shift_right_arithmetic3A_25 = vector.broadcast %shift_right_arithmetic3A_24 : i32 to vector<256x4096xi32>
    %shift_right_arithmetic3A_26 = arith.shrsi %get3A_23, %shift_right_arithmetic3A_25 : vector<256x4096xi32>
    %shift_right_logical3A_27 = arith.constant 1 : i32
    %shift_right_logical3A_28 = vector.broadcast %shift_right_logical3A_27 : i32 to vector<256x4096xi32>
    %shift_right_logical3A_29 = arith.shrui %shift_right_arithmetic3A_26, %shift_right_logical3A_28 : vector<256x4096xi32>
    %xor3A_30 = arith.xori %get3A_23, %shift_right_logical3A_29 : vector<256x4096xi32>
    %bitcast_convert_type3A_31 = tpu.bitcast %xor3A_30 : vector<256x4096xi32> -> vector<256x4096xf32>
    %slice3A_32 = vector.extract_strided_slice %get3A_1 {offsets = [256, 0], sizes = [256, 1], strides = [1, 1]} : vector<512x1xi32> to vector<256x1xi32>
    %ge3A_33 = vector.broadcast %slice3A_32 : vector<256x1xi32> to vector<256x4096xi32>
    %ge3A_34 = arith.cmpi sge, %get3A_23, %ge3A_33 : vector<256x4096xi32>
    %mul3A_35 = arith.constant 1.250000e-01 : f32
    %mul3A_36 = vector.broadcast %mul3A_35 : f32 to vector<256x4096xf32>
    %mul3A_37 = arith.mulf %bitcast_convert_type3A_31, %mul3A_36 : vector<256x4096xf32>
    %exp3A_38 = math.exp %mul3A_37 : vector<256x4096xf32>
    %jit3A_39 = arith.constant 0.000000e+00 : f32
    %broadcast_in_dim3A_40 = vector.broadcast %jit3A_39 : f32 to vector<256x4096xf32>
    %select_n3A_41 = arith.select %ge3A_34, %exp3A_38, %broadcast_in_dim3A_40 : vector<256x4096xi1>, vector<256x4096xf32>
    %reduce_sum3A_42 = arith.constant dense<0.000000e+00> : vector<256xf32>
    %reduce_sum3A_43 = vector.multi_reduction <add>, %select_n3A_41, %reduce_sum3A_42 [1] : vector<256x4096xf32> to vector<256xf32>
    %broadcast_in_dim3A_44 = vector.shape_cast %reduce_sum3A_43 : vector<256xf32> to vector<256x1xf32>
    %div3A_45 = vector.broadcast %broadcast_in_dim3A_44 : vector<256x1xf32> to vector<256x4096xf32>
    %div3A_46 = arith.divf %select_n3A_41, %div3A_45 : vector<256x4096xf32>
    %get3A_47 = arith.constant 0 : index
    %get3A_48 = arith.constant 64 : index
    %get3A_49 = vector.load %arg3[%get3A_47, %get3A_48] : memref<4096x128xf32, #tpu.memory_space<vmem>>, vector<4096x64xf32>
    %dot_general3A_50 = arith.constant dense<0.000000e+00> : vector<256x64xf32>
    %dot_general3A_51 = tpu.matmul %div3A_46, %get3A_49, %dot_general3A_50 {dimension_numbers = #tpu.dot_dimension_numbers<[1], [0], [0], [1], [0, 0, 1, 1], [], []>, transpose_lhs_hint = false} : vector<256x4096xf32>, vector<4096x64xf32>, vector<256x64xf32> -> vector<256x64xf32>
    %swap3A_52 = arith.constant 0 : index
    %swap3A_53 = arith.constant 64 : index
    %swap3A_54 = vector.load %arg4[%swap3A_52, %swap3A_53] : memref<256x128xf32, #tpu.memory_space<vmem>>, vector<256x64xf32>
    tpu.vector_store %arg4[%swap3A_52, %swap3A_53], %dot_general3A_51 {strides = array<i32>} : memref<256x128xf32, #tpu.memory_space<vmem>>, vector<256x64xf32>,
    return
  }
  func.func @transform_0(%arg0: i32) -> (i32, i32) {
    %c0_i32 = arith.constant 0 : i32
    %c0_i32_0 = arith.constant 0 : i32
    return %arg0, %c0_i32 : i32, i32
  }
  func.func @transform_1(%arg0: i32) -> (i32, i32) {
    %c0_i32 = arith.constant 0 : i32
    %c0_i32_0 = arith.constant 0 : i32
    return %arg0, %c0_i32 : i32, i32
  }
  func.func @transform_2(%arg0: i32) -> (i32, i32) {
    %c0_i32 = arith.constant 0 : i32
    %c0_i32_0 = arith.constant 0 : i32
    return %c0_i32, %arg0 : i32, i32
  }
  func.func @transform_3(%arg0: i32) -> (i32, i32) {
    %c0_i32 = arith.constant 0 : i32
    %c0_i32_0 = arith.constant 0 : i32
    return %c0_i32, %arg0 : i32, i32
  }
}

module attributes {stable_mosaic.version = 14 : i64} {
  func.func @_stage_c_kernel(%arg0: memref<256x768xf32, #tpu.memory_space<vmem>>, %arg1: memref<256x768xf32, #tpu.memory_space<vmem>>, %arg2: memref<256x768xf32, #tpu.memory_space<vmem>>, %arg3: memref<768x768xf32, #tpu.memory_space<vmem>>, %arg4: memref<768xf32, #tpu.memory_space<vmem>>, %arg5: memref<768x768xf32, #tpu.memory_space<vmem>>, %arg6: memref<768xf32, #tpu.memory_space<vmem>>, %arg7: memref<1x768xf32, #tpu.memory_space<vmem>>, %arg8: memref<256x768xf32, #tpu.memory_space<vmem>>) attributes {dimension_semantics = [], scalar_prefetch = 0 : i64, scratch_operands = 0 : i64, tpu.core_type = #tpu.core_type<tc>} {
    %get3A = arith.constant 0 : index
    %get3A_0 = arith.constant 0 : index
    %get3A_1 = vector.load %arg0[%get3A, %get3A_0] : memref<256x768xf32, #tpu.memory_space<vmem>>, vector<256x768xf32>
    %get3A_2 = arith.constant 0 : index
    %get3A_3 = arith.constant 0 : index
    %get3A_4 = vector.load %arg1[%get3A_2, %get3A_3] : memref<256x768xf32, #tpu.memory_space<vmem>>, vector<256x768xf32>
    %mul3A = arith.mulf %get3A_1, %get3A_4 : vector<256x768xf32>
    %get3A_5 = arith.constant 0 : index
    %get3A_6 = arith.constant 0 : index
    %get3A_7 = vector.load %arg3[%get3A_5, %get3A_6] : memref<768x768xf32, #tpu.memory_space<vmem>>, vector<768x768xf32>
    %dot_general3A = arith.constant dense<0.000000e+00> : vector<256x768xf32>
    %dot_general3A_8 = tpu.matmul %mul3A, %get3A_7, %dot_general3A {dimension_numbers = #tpu.dot_dimension_numbers<[1], [0], [0], [1], [0, 0, 1, 1], [], []>, transpose_lhs_hint = false} : vector<256x768xf32>, vector<768x768xf32>, vector<256x768xf32> -> vector<256x768xf32>
    %get3A_9 = arith.constant 0 : index
    %get3A_10 = vector.load %arg4[%get3A_9] : memref<768xf32, #tpu.memory_space<vmem>>, vector<768xf32>
    %broadcast_in_dim3A = vector.shape_cast %get3A_10 : vector<768xf32> to vector<1x768xf32>
    %add3A = vector.broadcast %broadcast_in_dim3A : vector<1x768xf32> to vector<256x768xf32>
    %add3A_11 = arith.addf %dot_general3A_8, %add3A : vector<256x768xf32>
    %mul3A_12 = arith.mulf %add3A_11, %add3A_11 : vector<256x768xf32>
    %reduce_sum3A = arith.constant dense<0.000000e+00> : vector<768xf32>
    %reduce_sum3A_13 = vector.multi_reduction <add>, %mul3A_12, %reduce_sum3A [0] : vector<256x768xf32> to vector<768xf32>
    %broadcast_in_dim3A_14 = vector.shape_cast %reduce_sum3A_13 : vector<768xf32> to vector<1x768xf32>
    %sqrt3A = math.sqrt %broadcast_in_dim3A_14 : vector<1x768xf32>
    %max3A = arith.constant 9.99999996E-13 : f32
    %max3A_15 = vector.broadcast %max3A : f32 to vector<1x768xf32>
    %max3A_16 = arith.maximumf %sqrt3A, %max3A_15 : vector<1x768xf32>
    %div3A = vector.broadcast %max3A_16 : vector<1x768xf32> to vector<256x768xf32>
    %div3A_17 = arith.divf %add3A_11, %div3A : vector<256x768xf32>
    %get3A_18 = arith.constant 0 : index
    %get3A_19 = arith.constant 0 : index
    %get3A_20 = vector.load %arg7[%get3A_18, %get3A_19] : memref<1x768xf32, #tpu.memory_space<vmem>>, vector<1x768xf32>
    %mul3A_21 = vector.broadcast %get3A_20 : vector<1x768xf32> to vector<256x768xf32>
    %mul3A_22 = arith.mulf %div3A_17, %mul3A_21 : vector<256x768xf32>
    %add3A_23 = arith.addf %mul3A_22, %get3A_1 : vector<256x768xf32>
    %get3A_24 = arith.constant 0 : index
    %get3A_25 = arith.constant 0 : index
    %get3A_26 = vector.load %arg5[%get3A_24, %get3A_25] : memref<768x768xf32, #tpu.memory_space<vmem>>, vector<768x768xf32>
    %dot_general3A_27 = arith.constant dense<0.000000e+00> : vector<256x768xf32>
    %dot_general3A_28 = tpu.matmul %add3A_23, %get3A_26, %dot_general3A_27 {dimension_numbers = #tpu.dot_dimension_numbers<[1], [0], [0], [1], [0, 0, 1, 1], [], []>, transpose_lhs_hint = false} : vector<256x768xf32>, vector<768x768xf32>, vector<256x768xf32> -> vector<256x768xf32>
    %get3A_29 = arith.constant 0 : index
    %get3A_30 = vector.load %arg6[%get3A_29] : memref<768xf32, #tpu.memory_space<vmem>>, vector<768xf32>
    %broadcast_in_dim3A_31 = vector.shape_cast %get3A_30 : vector<768xf32> to vector<1x768xf32>
    %add3A_32 = vector.broadcast %broadcast_in_dim3A_31 : vector<1x768xf32> to vector<256x768xf32>
    %add3A_33 = arith.addf %dot_general3A_28, %add3A_32 : vector<256x768xf32>
    %get3A_34 = arith.constant 0 : index
    %get3A_35 = arith.constant 0 : index
    %get3A_36 = vector.load %arg2[%get3A_34, %get3A_35] : memref<256x768xf32, #tpu.memory_space<vmem>>, vector<256x768xf32>
    %add3A_37 = arith.addf %get3A_36, %add3A_33 : vector<256x768xf32>
    %swap3A = arith.constant 0 : index
    %swap3A_38 = arith.constant 0 : index
    %swap3A_39 = vector.load %arg8[%swap3A, %swap3A_38] : memref<256x768xf32, #tpu.memory_space<vmem>>, vector<256x768xf32>
    tpu.vector_store %arg8[%swap3A, %swap3A_38], %add3A_37 {strides = array<i32>} : memref<256x768xf32, #tpu.memory_space<vmem>>, vector<256x768xf32>,
    return
  }
}

</mosaic_0001>

<sc_bundles>
// kernel: kernel.8.cloned.1.call-start
scs
__scs_entry_jumppad:
0x0: {  	(pc) =	sbr.rel $0x88, $3  }
0x1: {  	(tag) =	ssettag $0x0;
	lr =	simm.s32 $0x1  }
0x2: {  	[smem:$0x3F90] =	sst lr;
	_ =	strace $0xD0000000  }
0x3: {  	_ = 	snop  }
0x4: {  	_ = 	snop  }
0x5: {  	_ = 	snop  }
0x6: {  	_ = 	snop  }
0x7: {  	_ = 	snop  }
__scs_overlays_trampoline_lowered:
0x8: {  	[smem:$0x3F9F] =	sst s0  }
0x9: {  	[smem:$0x3FA0] =	sst s1  }
0xa: {  	[smem:$0x3FA1] =	sst s2  }
0xb: {  	[smem:$0x3FA2] =	sst s3  }
0xc: {  	[smem:$0x3FA3] =	sst s4  }
0xd: {  	[smem:$0x3FA4] =	sst s5  }
0xe: {  	[smem:$0x3FA5] =	sst s6  }
0xf: {  	[smem:$0x3FA6] =	sst s7  }
0x10: {  	[smem:$0x3FA7] =	sst s8  }
0x11: {  	[smem:$0x3FA8] =	sst s9;
	s0 =	simm.s32 @!p0 $0x0  }
0x12: {  	s1 =	sld [smem:$0x3F8E];
	s0 =	simm.s32 @p0 $0x1  }
0x13: {  	[smem:$0x3FA9] =	sst s0;
	s0 =	simm.s32 @!p1 $0x0  }
0x14: {  	s2 =	sld [smem:$0x3F8D];
	s0 =	simm.s32 @p1 $0x1  }
0x15: {  	[smem:$0x3FAA] =	sst s0;
	s0 =	simm.s32 @!p2 $0x0  }
0x16: {  	s3 =	sld [smem:$0x3FDB];
	s0 =	simm.s32 @p2 $0x1  }
0x17: {  	s4 =	simm.s32 $0x1BF5;
	[smem:$0x3FAC] =	sst s0  }
0x18: {  	s0 =	sld [smem:$0x3F8F];
	_ =	swait.ge [sflag:s4], $0x0  }
0x19: {  	s7 =	sld [smem:$0x3F90]  }
0x1a: {  	s8 =	sadd.s32 $0xFFFFE003, lr  }
0x1b: {  	s9 =	sadd.s32 $0xFFFFFEF7, lr;
	s5 =	simm.s32 $0xFFFFFFFF;
	p2 =	slt.u32 s8, $0xFFFFF086  }
0x1c: {  	p1 =	slt.u32 s9, $0xF7A;
	s5 =	simm.s32 @!p2 $0x0  }
0x1d: {  	s5 =	simm.s32 @p1 $0x1;
	p0 =	seq.s32 s7, s2  }
0x1e: {  	s7 =	smul.u32 @!p0 $0xF7A, s2;
	p2 =	seq.s32 @!p0 s5, $0x0  }
0x1f: {  	s9 =	smul.u32 $0xF7A, s1;
	s8 =	simm.s32 @!p0 $0x1BF5;
	p2 =	por !p2, p0  }
0x20: {  	[sflag:s8] =	ssyncset.s32 @!p0 $0xFFFFF086;
	s6 =	sadd.s32 @!p0 s3, s7;
	s7 =	simm.s32 @!p0 $0x108  }
0x21: {  	s3 =	sadd.s32 s3, s9;
	s6 =	sadd.s32 @!p0 $0x88, s6;
	s7 =	simm.s32 @p2 $0x1082  }
0x22: {  	[simem:s7], [sflag:s8] =	dma.local @!p0 [hbm:s6], $0xF7A  }
0x23: {  	s9 =	sor.u32 $0xD0000000, s2;
	s6 =	simm.s32 $0x108;
	_ =	swait.ge @!p0 [sflag:s8], $0x0  }
0x24: {  	s3 =	sadd.s32 $0x88, s3;
	s6 =	simm.s32 @!p1 $0x1082;
	[sflag:s4] =	ssyncset.s32 $0xFFFFF086  }
0x25: {  	[simem:s6], [sflag:s4] =	dma.local [hbm:s3], $0xF7A  }
0x26: {  	[smem:$0x3F90] =	sst s1;
	(tag) =	ssettag s2;
	_ =	strace s9  }
0x27: {  	s1 =	sld [smem:$0x3FA0]  }
0x28: {  	s2 =	sld [smem:$0x3FA1]  }
0x29: {  	s4 =	sld [smem:$0x3FA3]  }
0x2a: {  	p0 =	seq.s32 s5, $0x0;
	s5 =	sld [smem:$0x3FA4]  }
0x2b: {  	s6 =	sld [smem:$0x3FA5]  }
0x2c: {  	s7 =	sld [smem:$0x3FA6]  }
0x2d: {  	s3 =	simm.s32 $0x108;
	s8 =	sld [smem:$0x3FA7]  }
0x2e: {  	s3 =	simm.s32 @!p0 $0x1082;
	s9 =	sld [smem:$0x3FA8]  }
0x2f: {  	lr =	sadd.s32 s0, s3;
	s0 =	sld [smem:$0x3F9F]  }
0x30: {  	s3 =	sld [smem:$0x3FA2]  }
0x31: {  	[smem:$0x3FAB] =	sst s10  }
0x32: {  	s10 =	sld [smem:$0x3FA9];
	_ =	sdelay $0x3  }
0x33: {  	p0 =	seq.s32 s10, $0x1;
	s10 =	sld [smem:$0x3FAB];
	_ =	sdelay $0x3  }
0x34: {  	[smem:$0x3FAB] =	sst s10  }
0x35: {  	s10 =	sld [smem:$0x3FAA];
	_ =	sdelay $0x3  }
0x36: {  	p1 =	seq.s32 s10, $0x1;
	s10 =	sld [smem:$0x3FAB];
	_ =	sdelay $0x3  }
0x37: {  	[smem:$0x3FAB] =	sst s10  }
0x38: {  	s10 =	sld [smem:$0x3FAC]  }
0x39: {  	_ = 	snop;
	(pc) =	sbr.ind lr, $3  }
0x3a: {  	_ = 	snop  }
0x3b: {  	_ = 	snop  }
0x3c: {  	p2 =	seq.s32 s10, $0x1;
	s10 =	sld [smem:$0x3FAB]  }
0x3d: {  	_ =	shalt  }
0x3e: {  	_ =	shalt  }
0x3f: {  	_ =	shalt  }
0x40: {  	_ =	shalt  }
0x41: {  	_ =	shalt  }
0x42: {  	_ =	shalt  }
0x43: {  	_ =	shalt  }
0x44: {  	_ =	shalt  }
0x45: {  	_ =	shalt  }
0x46: {  	_ =	shalt  }
0x47: {  	_ =	shalt  }
0x48: {  	_ =	shalt  }
0x49: {  	_ =	shalt  }
0x4a: {  	_ =	shalt  }
0x4b: {  	_ =	shalt  }
0x4c: {  	_ =	shalt  }
0x4d: {  	_ =	shalt  }
0x4e: {  	_ =	shalt  }
0x4f: {  	_ =	shalt  }
0x50: {  	_ =	shalt  }
0x51: {  	_ =	shalt  }
0x52: {  	_ =	shalt  }
0x53: {  	_ =	shalt  }
0x54: {  	_ =	shalt  }
0x55: {  	_ =	shalt  }
0x56: {  	_ =	shalt  }
0x57: {  	_ =	shalt  }
0x58: {  	_ =	shalt  }
0x59: {  	_ =	shalt  }
0x5a: {  	_ =	shalt  }
0x5b: {  	_ =	shalt  }
0x5c: {  	_ =	shalt  }
0x5d: {  	_ =	shalt  }
0x5e: {  	_ =	shalt  }
0x5f: {  	_ =	shalt  }
0x60: {  	_ =	shalt  }
0x61: {  	_ =	shalt  }
0x62: {  	_ =	shalt  }
0x63: {  	_ =	shalt  }
0x64: {  	_ =	shalt  }
0x65: {  	_ =	shalt  }
0x66: {  	_ =	shalt  }
0x67: {  	_ =	shalt  }
0x68: {  	_ =	shalt  }
0x69: {  	_ =	shalt  }
0x6a: {  	_ =	shalt  }
0x6b: {  	_ =	shalt  }
0x6c: {  	_ =	shalt  }
0x6d: {  	_ =	shalt  }
0x6e: {  	_ =	shalt  }
0x6f: {  	_ =	shalt  }
0x70: {  	_ =	shalt  }
0x71: {  	_ =	shalt  }
0x72: {  	_ =	shalt  }
0x73: {  	_ =	shalt  }
0x74: {  	_ =	shalt  }
0x75: {  	_ =	shalt  }
0x76: {  	_ =	shalt  }
0x77: {  	_ =	shalt  }
0x78: {  	_ =	shalt  }
0x79: {  	_ =	shalt  }
0x7a: {  	_ =	shalt  }
0x7b: {  	_ =	shalt  }
0x7c: {  	_ =	shalt  }
0x7d: {  	_ =	shalt  }
0x7e: {  	_ =	shalt  }
0x7f: {  	_ =	shalt  }
0x80: {  	_ =	shalt  }
0x81: {  	_ =	shalt  }
0x82: {  	_ =	shalt  }
0x83: {  	_ =	shalt  }
0x84: {  	_ =	shalt  }
0x85: {  	_ =	shalt  }
0x86: {  	_ =	shalt  }
0x87: {  	_ =	shalt  }
.Lfunc_end0:
.L_simem_size_0:
called_computation_lowered:
.L_overlay_start_0:
0x88: {  	s2 =	sld [smem:$0x3FD9]  }
0x89: {  	s3 =	sld [smem:$0x3FFE];
	_ =	sdelay $0x1  }
0x8a: {  	s1 =	srdreg.scid  }
0x8b: {  	s0 =	sand.u32 $0x1, s1  }
0x8c: {  	s17 =	sshll.u32 s0, $0xA;
	s2 =	sadd.s32 s3, s2  }
0x8d: {  	s2 =	sadd.s32 s2, s17  }
0x8e: {  	[smem:$0x3FB7] =	sst s2  }
0x8f: {  	_ = 	snop  }
0x90: {  	s2 =	sld [smem:$0x3FD0];
	(tm) =	ssettm $0x1  }
0x91: {  	s18 =	sld [smem:$0x3FFB];
	_ =	sdelay $0x3  }
0x92: {  	_ =	strace s18  }
0x93: {  	s3 =	sld [smem:$0x3FFC];
	_ =	sdelay $0x3  }
0x94: {  	_ =	strace s3  }
0x95: {  	s3 =	sld [smem:$0x3FFD];
	_ =	sdelay $0x3  }
0x96: {  	_ =	strace s3  }
0x97: {  	_ =	strace $0x8FFFFFFF  }
0x98: {  	s19 =	sld [smem:$0x3FDB];
	_ =	sdelay $0x1  }
0x99: {  	s4 =	simm.s32 $_scs_section_size  }
0x9a: {  	s5 =	simm.s32 $_size__tile_overlayer_lowered;
	s6 =	simm.s32 $_tile_overlayer_lowered  }
0x9b: {  	s22 =	simm.s32 $0x1BFF;
	s21 =	sshll.u32 s6, $0x1;
	s3 =	sadd.s32 s4, s19  }
0x9c: {  	s7 =	simm.s32 $0x0;
	s20 =	sshll.u32 s5, $0x1;
	s5 =	sadd.s32 s21, s3  }
0x9d: {  	[timem:s7], [sflag:s22] =	dma.local [hbm:s5], s20  }
0x9e: {  	_ =	swait.ge [sflag:s22], s20  }
0x9f: {  	s4 =	ssub.s32 $0x0, s20;
	[sflag:s22] =	ssyncset.done $0x0  }
0xa0: {  	[sflag:s22] =	ssyncadd.s32 s4;
	_ =	sdelay $0x1  }
0xa1: {  	s23 =	simm.s32 $0x1B8B  }
0xa2: {  	_ =	swait.ge [sflag:s23], $0x1  }
0xa3: {  	[sflag:s23] =	ssyncset.done $0x0  }
0xa4: {  	s25 =	simm.s32 $0x1B8E;
	s24 =	sld [smem:$0x3FFE];
	[sflag:s23] =	ssyncadd.s32 $0xFFFFFFFF  }
0xa5: {  	s26 =	simm.s32 $execute0_lowered;
	[smem:$0x3FD2] =	sst s25  }
0xa6: {  	s5 =	sshll.u32 s26, $0x1;
	_ =	strace $0x80000046;
	[dreg:$0x1] =	wrdreg $0xFFFFFFFF  }
0xa7: {  	s28 =	simm.s32 $_size_execute0_lowered;
	s3 =	sadd.s32 s3, s5;
	[dreg:$0x0] =	wrdreg $0x0  }
0xa8: {  	s5 =	sshll.u32 s28, $0x1;
	[dreg:$0x2] =	wrdreg s3  }
0xa9: {  	[dreg:$0x3] =	wrdreg s5  }
0xaa: {  	[dreg:$0x4] =	wrdreg $0xC0  }
0xab: {  	_ =	task [dreg:s7], $0x5FFFF  }
0xac: {  	[dreg:$0x1] =	wrdreg $0xFFFFFFFF  }
0xad: {  	[dreg:$0x0] =	wrdreg $0x60  }
0xae: {  	[dreg:$0x2] =	wrdreg s24  }
0xaf: {  	[dreg:$0x3] =	wrdreg s2  }
0xb0: {  	[dreg:$0x4] =	wrdreg $0x9  }
0xb1: {  	_ =	task.clear_ibuf [dreg:s7], $0x5FFFF;
	_ =	strace $0x90000046  }
0xb2: {  	s29 =	simm.s32 $0x9;
	_ =	strace $0x80000048  }
0xb3: {  	_ =	swait.ge [sflag:s29], $0x1  }
0xb4: {  	[sflag:s29] =	ssyncadd.s32 $0xFFFFFFFF  }
0xb5: {  	_ =	strace $0x90000048  }
0xb6: {  	_ =	sfence  }
0xb7: {  	s30 =	sld [smem:$0x0];
	_ =	sdelay $0x2  }
0xb8: {  	s31 =	sshll.u32 s1, $0xD;
	s1 =	sshrl.u32 s1, $0x2  }
0xb9: {  	s3 =	sand.u32 $0x4000, s31;
	s1 =	sadd.s32 s1, s30  }
0xba: {  	s0 =	sor.u32 s3, s0;
	s1 =	sshll.u32 s1, $0x11  }
0xbb: {  	s0 =	sor.u32 s1, s0  }
0xbc: {  	s0 =	sadd.s32 $0x8F2B, s0  }
0xbd: {  	[sflag:s0] =	ssyncadd.remote.s32 $0x1  }
0xbe: {  	_ =	sfence.sel $0xFFFF  }
0xbf: {  	[dreg:$0x0] =	wrdreg $0xFFFFFFFF;
	(pc) =	sbr.abs _section_cstart, $3  }
0xc0: {  	[dreg:$0x1] =	wrdreg $0xFFFFFFFF  }
0xc1: {  	_ =	task.clear_ibuf [dreg:s7], $0x2FFFF;
	_ =	strace $0x9FFFFFFF  }
0xc2: {  	(tm) =	ssettm $0x7FFFFFFF  }
0xc3: {  	_ =	shalt  }
tec
execute0_lowered:
.L_overlay_start_1:
0x0: {  	(tag) =	ssettag $0x1  }
0x1: {  	s0 =	srdreg.scid;
	s2 =	stileid.u32  }
0x2: {  	s1 =	rddreg [dreg:$0x0];
	s0 =	sand.u32 $0x1, s0;
	s2 =	sshll.u32 s2, $0x1  }
0x3: {  	s5 =	rddreg [dreg:$0x1];
	s2 =	sor.u32 s0, s2  }
0x4: {  	s3 =	simm.s32 $0x0;
	s19 =	simm.s32 $0x80;
	s4 =	smul.u32 $0x60, s2  }
0x5: {  	[smem:$0x7FF] =	sst s3;
	s0 =	ssub.s32 $0x2, s0;
	s2 =	smul.u32 $0xC000, s2  }
0x6: {  	s10 =	sadd.s32 $0x123200, s1;
	_ =	strace $0x80000047;
	s29 =	sshrl.u32 s0, $0x1  }
0x7: {  	v0 =	vlaneseq.u32;
	s0 =	ssub.s32 s0, s29;
	s30 =	sadd.s32 s10, s2;
	[dreg:$0x3] =	wrdreg s4  }
0x8: {  	v4 =	vmul.u32 $0xFFFFFFFF, v0;
	s31 =	sshrl.u32 s4, $0x3;
	s0 =	smax.u32 s0, $0x1;
	[dreg:$0x4] =	wrdreg s30  }
0x9: {  	v1 =	vimm.s32 $0x0;
	s12 =	simm.s32 $0x2000;
	s1 =	sadd.s32 s5, s31;
	[dreg:$0x6] =	wrdreg s0  }
0xa: {  	s13 =	simm.s32 $0x2100;
	v2 =	vimm.s32 $0x1;
	v3 =	vadd.s32 $0xF, v4;
	v4 =	vadd.s32 $0x8000000F, v4;
	s2 =	simm.s32 $0x0;
	[dreg:$0x5] =	wrdreg s1  }
.LBB2_1:
0xb: {  	[dreg:$0x7] =	wrdreg s2  }
0xc: {  	s0 =	rddreg [dreg:$0x4];
	s1 =	simm.s32 $0x400;
	s18 =	simm.s32 $0x0  }
0xd: {  	v5 =	vimm.s32 $0x0;
	[tilespmem:s3], [sflag:$0x1] =	stream.strided.gather [hbm4b:s0+s19], $0x1000, s1, s19, $0x38;
	[tilespmem:$0x2280] =	vst v63  }
.LBB2_2:
0xe: {  	s3 =	sshll.u32 s18, $0x1  }
0xf: {  	s1 =	sshll.u32 s18, $0x5;
	s0 =	sadd.s32 s4, s3  }
0x10: {  	s2 =	simm.s32 $0x1;
	s1 =	sand.u32 $0x60, s1;
	s0 =	sshll.u32 s0, $0x9  }
0x11: {  	_ =	swait.ge [sflag:s2], $0x1000;
	s1 =	sadd.s32 s1, s10;
	s0 =	sand.u32 $0xFFFF000, s0  }
0x12: {  	s30 =	simm.s32 $0x400;
	[sflag:s2] =	ssyncset.done $0x0;
	s0 =	sadd.s32 s0, s1  }
0x13: {  	s31 =	simm.s32 $0x1000;
	[sflag:s2] =	ssyncadd.s32 $0xFFFFF000;
	s0 =	sadd.s32 $0x10, s0  }
0x14: {  	[tilespmem:s31], [sflag:$0x2] =	stream.strided.gather [hbm4b:s0+s19], $0x1000, s30, s19, $0x38;
	[tilespmem:$0x2280] =	vst v63  }
0x15: {  	[tilespmem:$0x2000] =	vst v1  }
0x16: {  	[tilespmem:$0x2100] =	vst v1  }
0x17: {  	[tilespmem:$0x2010] =	vst v1  }
0x18: {  	[tilespmem:$0x2110] =	vst v1  }
0x19: {  	[tilespmem:$0x2020] =	vst v1  }
0x1a: {  	[tilespmem:$0x2120] =	vst v1  }
0x1b: {  	[tilespmem:$0x2030] =	vst v1  }
0x1c: {  	[tilespmem:$0x2130] =	vst v1  }
0x1d: {  	[tilespmem:$0x2040] =	vst v1  }
0x1e: {  	[tilespmem:$0x2140] =	vst v1  }
0x1f: {  	[tilespmem:$0x2050] =	vst v1  }
0x20: {  	[tilespmem:$0x2150] =	vst v1  }
0x21: {  	[tilespmem:$0x2060] =	vst v1  }
0x22: {  	[tilespmem:$0x2160] =	vst v1  }
0x23: {  	[tilespmem:$0x2070] =	vst v1  }
0x24: {  	[tilespmem:$0x2170] =	vst v1  }
0x25: {  	[tilespmem:$0x2080] =	vst v1  }
0x26: {  	[tilespmem:$0x2180] =	vst v1  }
0x27: {  	[tilespmem:$0x2090] =	vst v1  }
0x28: {  	[tilespmem:$0x2190] =	vst v1  }
0x29: {  	[tilespmem:$0x20A0] =	vst v1  }
0x2a: {  	[tilespmem:$0x21A0] =	vst v1  }
0x2b: {  	[tilespmem:$0x20B0] =	vst v1  }
0x2c: {  	[tilespmem:$0x21B0] =	vst v1  }
0x2d: {  	[tilespmem:$0x20C0] =	vst v1  }
0x2e: {  	[tilespmem:$0x21C0] =	vst v1  }
0x2f: {  	[tilespmem:$0x20D0] =	vst v1  }
0x30: {  	[tilespmem:$0x21D0] =	vst v1  }
0x31: {  	[tilespmem:$0x20E0] =	vst v1  }
0x32: {  	[tilespmem:$0x21E0] =	vst v1  }
0x33: {  	[tilespmem:$0x20F0] =	vst v1  }
0x34: {  	s21 =	simm.s32 $0x0;
	s0 =	simm.s32 $0x0;
	[tilespmem:$0x21F0] =	vst v1  }
.LBB2_3:
0x35: {  	s1 =	sshra.s32 s0, $0x2  }
0x36: {  	v6 =	vld [tilespmem:s1+$0x0];
	_ =	sdelay $0x4  }
0x37: {  	v6 =	vadd.s32 $0x3F800001, v6  }
0x38: {  	v6 =	vshra.s32 v6, $0x17;
	_ =	sdelay $0x4  }
0x39: {  	[tilespmem:v6+s12+$0x0] =	vst.idx.add.s32.msk $0xffff, v2  }
0x3a: {  	v6 =	vld [tilespmem:s1+$0x10];
	_ =	sdelay $0x4  }
0x3b: {  	v6 =	vadd.s32 $0x3F800001, v6  }
0x3c: {  	v6 =	vshra.s32 v6, $0x17;
	_ =	sdelay $0x4  }
0x3d: {  	[tilespmem:v6+s12+$0x0] =	vst.idx.add.s32.msk $0xffff, v2  }
0x3e: {  	v6 =	vld [tilespmem:s1+$0x20];
	_ =	sdelay $0x4  }
0x3f: {  	v6 =	vadd.s32 $0x3F800001, v6  }
0x40: {  	v6 =	vshra.s32 v6, $0x17;
	_ =	sdelay $0x4  }
0x41: {  	[tilespmem:v6+s12+$0x0] =	vst.idx.add.s32.msk $0xffff, v2  }
0x42: {  	v6 =	vld [tilespmem:s1+$0x30];
	_ =	sdelay $0x4  }
0x43: {  	v6 =	vadd.s32 $0x3F800001, v6  }
0x44: {  	v6 =	vshra.s32 v6, $0x17;
	_ =	sdelay $0x4  }
0x45: {  	[tilespmem:v6+s12+$0x0] =	vst.idx.add.s32.msk $0xffff, v2  }
0x46: {  	v6 =	vld [tilespmem:s1+$0x40];
	_ =	sdelay $0x4  }
0x47: {  	v6 =	vadd.s32 $0x3F800001, v6  }
0x48: {  	v6 =	vshra.s32 v6, $0x17;
	_ =	sdelay $0x4  }
0x49: {  	[tilespmem:v6+s12+$0x0] =	vst.idx.add.s32.msk $0xffff, v2  }
0x4a: {  	v6 =	vld [tilespmem:s1+$0x50];
	_ =	sdelay $0x4  }
0x4b: {  	v6 =	vadd.s32 $0x3F800001, v6  }
0x4c: {  	v6 =	vshra.s32 v6, $0x17;
	_ =	sdelay $0x4  }
0x4d: {  	[tilespmem:v6+s12+$0x0] =	vst.idx.add.s32.msk $0xffff, v2  }
0x4e: {  	v6 =	vld [tilespmem:s1+$0x60];
	_ =	sdelay $0x4  }
0x4f: {  	v6 =	vadd.s32 $0x3F800001, v6  }
0x50: {  	v6 =	vshra.s32 v6, $0x17;
	_ =	sdelay $0x4  }
0x51: {  	[tilespmem:v6+s12+$0x0] =	vst.idx.add.s32.msk $0xffff, v2  }
0x52: {  	v6 =	vld [tilespmem:s1+$0x70];
	_ =	sdelay $0x4  }
0x53: {  	v6 =	vadd.s32 $0x3F800001, v6  }
0x54: {  	p0 =	seq.s32 s0, $0x3E00;
	v6 =	vshra.s32 v6, $0x17  }
.Ltmp0:
0x55: {  	_ = 	snop;
	(pc) =	sbr.rel @!p0 .LBB2_3-.Ltmp0, $2  }
0x56: {  	_ =	sdelay $0x2  }
0x57: {  	s0 =	sadd.s32 $0x200, s0;
	[tilespmem:v6+s12+$0x0] =	vst.idx.add.s32.msk $0xffff, v2  }
0x58: {  	s0 =	simm.s32 $0x20F0  }
0x59: {  	v6 =	vld [tilespmem:s0+$0x0];
	_ =	sdelay $0x3  }
0x5a: {  	s2 =	simm.s32 $0x20E0  }
0x5b: {  	v7 =	vld [tilespmem:s2+$0x0];
	(xrf0) =	vadd.scan.msk.s32 $0xffff, v6;
	_ =	sdelay $0x3  }
0x5c: {  	v6 =	vperm.xlane v6, v3  }
0x5d: {  	(xrf0) =	vadd.scan.msk.s32 $0xffff, v7  }
0x5e: {  	(xrf0) =	vadd.scan.msk.s32 $0xffff, v6;
	v8, _, _ =	vpop (xrf0)  }
0x5f: {  	(v2sf) =	vpush v8, $0xF  }
0x60: {  	s5 =	simm.s32 $0x20D0  }
0x61: {  	v8 =	vld [tilespmem:s5+$0x0];
	_ =	sdelay $0x1  }
0x62: {  	v9, _, _ =	vpop (xrf0)  }
0x63: {  	v10, _, _ =	vpop (xrf0)  }
0x64: {  	v7 =	vperm.xlane v7, v3;
	(v2sf) =	vpush v9, $0xF;
	v9 =	vadd.s32 s21, v10  }
0x65: {  	vm0 =	vgt.s32 v9, $0x199;
	(xrf0) =	vadd.scan.msk.s32 $0xffff, v8  }
0x66: {  	v10 =	vnsel vm0, $0x7FFFFFFF, v4;
	(xrf0) =	vadd.scan.msk.s32 $0xffff, v7  }
0x67: {  	(xrf0) =	vmax.scan.msk.u32 $0xffff, v10  }
0x68: {  	s6 =	simm.s32 $0x20C0  }
0x69: {  	v10 =	vld [tilespmem:s6+$0x0];
	_ =	sdelay $0x1  }
0x6a: {  	v11, _, _ =	vpop (xrf0)  }
0x6b: {  	(v2sf) =	vpush v11, $0xF;
	v11 =	vperm.xlane v8, v3;
	v8, _, _ =	vpop (xrf0)  }
0x6c: {  	v12, _, _ =	vpop (xrf0);
	s7 =	spop (v2sf)  }
0x6d: {  	(xrf0) =	vadd.scan.msk.s32 $0xffff, v10;
	(v2sf) =	vpush v12, $0xF;
	s0 =	sadd.s32 $0x0, s7  }
0x6e: {  	(xrf0) =	vadd.scan.msk.s32 $0xffff, v11;
	v13 =	vadd.s32 s0, v8  }
0x6f: {  	s1 =	simm.s32 $0x20B0;
	vm6 =	vgt.s32 v13, $0x199  }
0x70: {  	v8 =	vld [tilespmem:s1+$0x0];
	v12 =	vnsel vm6, $0x7FFFFFFF, v4;
	_ =	sdelay $0x1  }
0x71: {  	(xrf0) =	vmax.scan.msk.u32 $0xffff, v12  }
0x72: {  	s8 =	spop (v2sf);
	v12, _, _ =	vpop (xrf0)  }
0x73: {  	v14 =	vperm.xlane v10, v3;
	s0 =	sadd.s32 s0, s8;
	v10, _, _ =	vpop (xrf0)  }
0x74: {  	(xrf0) =	vadd.scan.msk.s32 $0xffff, v8;
	v10 =	vadd.s32 s0, v10  }
0x75: {  	(xrf0) =	vadd.scan.msk.s32 $0xffff, v14;
	vm7 =	vgt.s32 v10, $0x199  }
0x76: {  	v15 =	vnsel vm7, $0x7FFFFFFF, v4  }
0x77: {  	s9 =	simm.s32 $0x20A0;
	(v2sf) =	vpush v12, $0xF;
	v12, _, _ =	vpop (xrf0);
	(xrf0) =	vmax.scan.msk.u32 $0xffff, v15  }
0x78: {  	v15 =	vld [tilespmem:s9+$0x0];
	_ =	sdelay $0x1  }
0x79: {  	(v2sf) =	vpush v12, $0xF;
	s11 =	spop (v2sf);
	v12, _, _ =	vpop (xrf0)  }
0x7a: {  	s0 =	sadd.s32 s0, s11;
	v16, _, _ =	vpop (xrf0);
	s14 =	spop (v2sf)  }
0x7b: {  	v8 =	vperm.xlane v8, v3;
	v16 =	vadd.s32 s0, v16;
	s2 =	sxor.u32 $0x80000000, s14  }
0x7c: {  	(v2sf) =	vpush v12, $0xF;
	vm8 =	vgt.s32 v16, $0x199;
	s2 =	ssub.s32 $0xF, s2;
	(xrf0) =	vadd.scan.msk.s32 $0xffff, v15;
	v12, _, _ =	vpop (xrf0)  }
0x7d: {  	v17 =	vnsel vm8, $0x7FFFFFFF, v4;
	(xrf0) =	vadd.scan.msk.s32 $0xffff, v8;
	(v2sf) =	vpush v12, $0xF;
	v12 =	vmov s2  }
0x7e: {  	v6 =	vsub.s32 v9, v6;
	(xrf0) =	vmax.scan.msk.u32 $0xffff, v17;
	vm9 =	veq.s32 v12, v0  }
0x7f: {  	v6 =	vnsel vm9, $0x0, v6;
	_ =	sdelay $0x1  }
0x80: {  	s15 =	simm.s32 $0x2090  }
0x81: {  	v9 =	vld [tilespmem:s15+$0x0];
	(xrf0) =	vadd.scan.msk.s32 $0xffff, v6;
	v6, _, _ =	vpop (xrf0)  }
0x82: {  	v12, _, _ =	vpop (xrf0)  }
0x83: {  	(v2sf) =	vpush v6, $0xF;
	v6, _, _ =	vpop (xrf0)  }
0x84: {  	(v2sf) =	vpush v6, $0xF  }
0x85: {  	v6 =	vperm.xlane v15, v3  }
0x86: {  	s16 =	spop (v2sf);
	(xrf0) =	vadd.scan.msk.s32 $0xffff, v9  }
0x87: {  	s29 =	spop (v2sf);
	(xrf0) =	vadd.scan.msk.s32 $0xffff, v6  }
0x88: {  	s0 =	sadd.s32 s0, s16;
	s17 =	sxor.u32 $0x80000000, s29  }
0x89: {  	v12 =	vadd.s32 s0, v12;
	s2 =	ssub.s32 $0xF, s17  }
0x8a: {  	s5 =	simm.s32 $0x2080;
	v7 =	vsub.s32 v13, v7;
	vm10 =	vgt.s32 v12, $0x199;
	v15, _, _ =	vpop (xrf0);
	v58 =	vmov s2  }
0x8b: {  	v13 =	vnsel vm10, $0x7FFFFFFF, v4;
	(v2sf) =	vpush v15, $0xF;
	v15 =	vld [tilespmem:s5+$0x0];
	vm11 =	veq.s32 v58, v0  }
0x8c: {  	s20 =	spop (v2sf);
	(xrf0) =	vmax.scan.msk.u32 $0xffff, v13;
	v59, _, _ =	vpop (xrf0);
	v7 =	vnsel vm11, $0x0, v7  }
0x8d: {  	s2 =	sadd.s32 s0, s20;
	(xrf0) =	vadd.scan.msk.s32 $0xffff, v7;
	v7 =	vperm.xlane v9, v3;
	s25 =	spop (v2sf);
	v9, _, _ =	vpop (xrf0)  }
0x8e: {  	s22 =	sxor.u32 $0x80000000, s25;
	v9 =	vadd.s32 s2, v9  }
0x8f: {  	s0 =	ssub.s32 $0xF, s22;
	vm12 =	vgt.s32 v9, $0x199  }
0x90: {  	v10 =	vsub.s32 v10, v11;
	(xrf0) =	vadd.scan.msk.s32 $0xffff, v15;
	v13 =	vmov s0;
	v11 =	vnsel vm12, $0x7FFFFFFF, v4  }
0x91: {  	(xrf0) =	vadd.scan.msk.s32 $0xffff, v7;
	vm13 =	veq.s32 v13, v0  }
0x92: {  	(v2sf) =	vpush v59, $0xF;
	v18, _, _ =	vpop (xrf0);
	(xrf0) =	vmax.scan.msk.u32 $0xffff, v11;
	v10 =	vnsel vm13, $0x0, v10;
	s24 =	spop (v2sf)  }
0x93: {  	(v2sf) =	vpush v18, $0xF;
	v11, _, _ =	vpop (xrf0);
	(xrf0) =	vadd.scan.msk.s32 $0xffff, v10;
	s0 =	spop (v2sf)  }
0x94: {  	s31 =	sxor.u32 $0x80000000, s0  }
0x95: {  	s23 =	simm.s32 $0x2070;
	s5 =	sadd.s32 s2, s24;
	(v2sf) =	vpush v11, $0xF;
	s2 =	ssub.s32 $0xF, s31  }
0x96: {  	v13 =	vld [tilespmem:s23+$0x0];
	v10 =	vperm.xlane v15, v3;
	v60, _, _ =	vpop (xrf0);
	v15 =	vmov s2  }
0x97: {  	v61, _, _ =	vpop (xrf0)  }
0x98: {  	p1 =	por $0x1, $0x1;
	p0 =	slt.s32 s14, $0x0;
	(v2sf) =	vpush v60, $0xF;
	v62, _, _ =	vpop (xrf0)  }
0x99: {  	s28 =	simm.s32 $0x800000A0;
	s26 =	simm.s32 $0x80000090;
	p1 =	por !p1, !p0;
	vm15 =	veq.s32 v15, v0;
	(v2sf) =	vpush v62, $0xF;
	v15, _, _ =	vpop (xrf0)  }
0x9a: {  	s6 =	sadd.s32 $0x800000F0, s14;
	p1 =	por !p1, !p1;
	s20 =	simm.s32 $0x0;
	v11 =	vadd.s32 s5, v61;
	(v2sf) =	vpush v15, $0xF  }
0x9b: {  	s15 =	simm.s32 $0x800000B0;
	s30 =	sadd.s32 $0x800000E0, s29;
	s20 =	smov.u32 @p1 s6;
	(xrf0) =	vadd.scan.msk.s32 $0xffff, v13;
	vm14 =	vgt.s32 v11, $0x199  }
0x9c: {  	v14 =	vsub.s32 v16, v14;
	s6 =	simm.s32 $0x2060;
	s1 =	sadd.s32 $0x800000D0, s25;
	s22 =	simm.s32 $0x0;
	(xrf0) =	vadd.scan.msk.s32 $0xffff, v10;
	v63 =	vnsel vm14, $0x7FFFFFFF, v4  }
0x9d: {  	s23 =	simm.s32 $0x80000080;
	s24 =	simm.s32 $0x80000070;
	s7 =	spop (v2sf);
	(xrf0) =	vmax.scan.msk.u32 $0xffff, v63;
	v14 =	vnsel vm15, $0x0, v14  }
0x9e: {  	s2 =	sadd.s32 $0x800000C0, s0;
	s22 =	smov.u32 @p1 s7;
	s7 =	simm.s32 $0x80000060;
	(xrf0) =	vadd.scan.msk.s32 $0xffff, v14  }
.LBB2_5:
0x9f: {  	p1 =	seq.s32 s7, $0x80000000;
	s21 =	simm.s32 @p0 $0x1  }
0xa0: {  	v14 =	vld [tilespmem:s6+$0x0];
	s8 =	smov.u32 s23;
	s23 =	smov.u32 s24;
	s24 =	smov.u32 s7  }
0xa1: {  	p0 =	slt.s32 s29, $0x0;
	s9 =	spop (v2sf);
	p2 =	seq.s32 s21, $0x0  }
0xa2: {  	s5 =	sadd.s32 s5, s9;
	s9 =	spop (v2sf)  }
0xa3: {  	v15, _, _ =	vpop (xrf0);
	p2 =	por !p2, !p0;
	s11 =	sxor.u32 $0x80000000, s9  }
0xa4: {  	v16 =	vperm.xlane v13, v3;
	v13, _, _ =	vpop (xrf0);
	p2 =	por !p2, !p2;
	s16 =	spop (v2sf);
	s15 =	sadd.s32 s15, s9  }
.Ltmp1:
0xa5: {  	v8 =	vsub.s32 v12, v8;
	(v2sf) =	vpush v15, $0xF;
	v15 =	vadd.s32 s5, v13;
	v13, _, _ =	vpop (xrf0);
	s11 =	ssub.s32 $0xF, s11;
	s22 =	smov.u32 @p2 s16;
	(pc) =	sbr.rel @!p1 .LBB2_5-.Ltmp1, $4  }
0xa6: {  	s29 =	smov.u32 s25;
	s25 =	smov.u32 s0;
	s20 =	smov.u32 @p2 s30;
	(xrf0) =	vadd.scan.msk.s32 $0xffff, v14;
	vm0 =	vgt.s32 v15, $0x199;
	(v2sf) =	vpush v13, $0xF;
	v12 =	vmov s11;
	v13, _, _ =	vpop (xrf0)  }
0xa7: {  	s0 =	smov.u32 s9;
	s30 =	smov.u32 s1;
	s1 =	smov.u32 s2;
	(xrf0) =	vadd.scan.msk.s32 $0xffff, v16;
	v17 =	vnsel vm0, $0x7FFFFFFF, v4;
	vm0 =	veq.s32 v12, v0;
	(v2sf) =	vpush v13, $0xF;
	v13 =	vmovc v14  }
0xa8: {  	s2 =	smov.u32 s15;
	s15 =	smov.u32 s28;
	s28 =	smov.u32 s26;
	(xrf0) =	vmax.scan.msk.u32 $0xffff, v17;
	v14 =	vnsel vm0, $0x0, v8;
	v8 =	vmovc v6;
	v6 =	vmov v7;
	v7 =	vmov v10  }
0xa9: {  	s6 =	sadd.s32 $0xFFFFFFF0, s6;
	s7 =	sadd.s32 $0xFFFFFFF0, s7;
	s26 =	smov.u32 s8;
	v10 =	vmovc v16;
	(xrf0) =	vadd.scan.msk.s32 $0xffff, v14;
	v12 =	vmov v9;
	v9 =	vmov v11;
	v11 =	vmov v15  }
0xaa: {  	_ =	sdelay $0x2  }
0xab: {  	v13 =	vperm.xlane v13, v3;
	_ =	sdelay $0x1  }
0xac: {  	(xrf0) =	vadd.scan.msk.s32 $0xffff, v13;
	_ =	sdelay $0x1  }
0xad: {  	s7 =	spop (v2sf);
	v14, _, _ =	vpop (xrf0)  }
0xae: {  	s6 =	spop (v2sf);
	s5 =	sadd.s32 s5, s7;
	v15, _, _ =	vpop (xrf0)  }
0xaf: {  	s11 =	sxor.u32 $0x80000000, s6;
	s17 =	spop (v2sf);
	v16, _, _ =	vpop (xrf0);
	v15 =	vadd.s32 s5, v15  }
0xb0: {  	s7 =	ssub.s32 $0xF, s11;
	v17, _, _ =	vpop (xrf0);
	vm0 =	vgt.s32 v15, $0x199;
	s8 =	spop (v2sf)  }
0xb1: {  	v62 =	vmov s7;
	v19 =	vnsel vm0, $0x7FFFFFFF, v4;
	v18, _, _ =	vpop (xrf0);
	s5 =	sadd.s32 s5, s8  }
0xb2: {  	v8 =	vsub.s32 v12, v8;
	vm10 =	veq.s32 v62, v0;
	(xrf0) =	vmax.scan.msk.u32 $0xffff, v19;
	v63 =	vadd.s32 s5, v18  }
0xb3: {  	v8 =	vnsel vm10, $0x0, v8;
	vm11 =	vgt.s32 v63, $0x199  }
0xb4: {  	(xrf0) =	vadd.scan.msk.s32 $0xffff, v8;
	v8 =	vnsel vm11, $0x7FFFFFFF, v4  }
0xb5: {  	(v2sf) =	vpush v14, $0xF;
	(xrf0) =	vmax.scan.msk.u32 $0xffff, v8  }
0xb6: {  	(v2sf) =	vpush v16, $0xF;
	_ =	sdelay $0x1  }
0xb7: {  	(v2sf) =	vpush v17, $0xF;
	v8, _, _ =	vpop (xrf0)  }
0xb8: {  	(v2sf) =	vpush v8, $0xF  }
0xb9: {  	v8, _, _ =	vpop (xrf0)  }
0xba: {  	(v2sf) =	vpush v8, $0xF;
	v8, _, _ =	vpop (xrf0)  }
0xbb: {  	(v2sf) =	vpush v8, $0xF;
	_ =	sdelay $0x5  }
0xbc: {  	s8 =	spop (v2sf)  }
0xbd: {  	s9 =	spop (v2sf);
	s14 =	sxor.u32 $0x80000000, s8  }
0xbe: {  	s5 =	ssub.s32 $0xF, s14;
	s16 =	spop (v2sf)  }
0xbf: {  	s16 =	spop (v2sf);
	v8 =	vmov s5  }
0xc0: {  	v6 =	vsub.s32 v9, v6;
	s31 =	sxor.u32 $0x80000000, s16;
	vm12 =	veq.s32 v8, v0  }
0xc1: {  	s11 =	spop (v2sf);
	s5 =	ssub.s32 $0xF, s31;
	v6 =	vnsel vm12, $0x0, v6  }
0xc2: {  	v8 =	vmov s5;
	(xrf0) =	vadd.scan.msk.s32 $0xffff, v6;
	s5 =	spop (v2sf)  }
0xc3: {  	vm13 =	veq.s32 v8, v0;
	v6 =	vsub.s32 v11, v7;
	s7 =	sxor.u32 $0x80000000, s5  }
0xc4: {  	v6 =	vnsel vm13, $0x0, v6;
	s31 =	spop (v2sf);
	s14 =	ssub.s32 $0xF, s7  }
0xc5: {  	(xrf0) =	vadd.scan.msk.s32 $0xffff, v6;
	v6 =	vmov s14;
	s7 =	spop (v2sf)  }
0xc6: {  	v7 =	vsub.s32 v15, v10;
	vm14 =	veq.s32 v6, v0;
	s14 =	sxor.u32 $0x80000000, s7  }
0xc7: {  	v7 =	vnsel vm14, $0x0, v7;
	s14 =	ssub.s32 $0xF, s14  }
0xc8: {  	v8, _, _ =	vpop (xrf0);
	(xrf0) =	vadd.scan.msk.s32 $0xffff, v7;
	v7 =	vsub.s32 v63, v13;
	v6 =	vmov s14  }
0xc9: {  	vm15 =	veq.s32 v6, v0  }
0xca: {  	v6 =	vnsel vm15, $0x0, v7  }
0xcb: {  	s21 =	simm.s32 @p0 $0x1;
	v7, _, _ =	vpop (xrf0);
	(xrf0) =	vadd.scan.msk.s32 $0xffff, v6  }
0xcc: {  	p0 =	slt.s32 s29, $0x0;
	p1 =	seq.s32 s21, $0x0  }
0xcd: {  	s21 =	simm.s32 @p0 $0x1;
	p1 =	por !p1, !p0;
	(v2sf) =	vpush v8, $0xF  }
0xce: {  	p0 =	slt.s32 s25, $0x0;
	p2 =	seq.s32 s21, $0x0;
	p1 =	por !p1, !p1  }
0xcf: {  	p2 =	por !p2, !p0;
	s21 =	simm.s32 @p0 $0x1;
	p0 =	slt.s32 s0, $0x0;
	(v2sf) =	vpush v7, $0xF;
	v6, _, _ =	vpop (xrf0)  }
0xd0: {  	s0 =	sadd.s32 s15, s6;
	s22 =	smov.u32 @p1 s17;
	s20 =	smov.u32 @p1 s30;
	(v2sf) =	vpush v6, $0xF  }
0xd1: {  	p1 =	por !p2, !p2;
	p6 =	seq.s32 s21, $0x0;
	s21 =	simm.s32 @p0 $0x1;
	v6, _, _ =	vpop (xrf0)  }
0xd2: {  	p2 =	por !p6, !p0;
	p0 =	slt.s32 s6, $0x0;
	p3 =	seq.s32 s21, $0x0;
	(v2sf) =	vpush v6, $0xF  }
0xd3: {  	s20 =	smov.u32 @p1 s1;
	p4 =	por !p3, !p0;
	s21 =	simm.s32 @p0 $0x1  }
0xd4: {  	p0 =	por !p4, !p4;
	s22 =	smov.u32 @p1 s9;
	p1 =	por !p2, !p2  }
0xd5: {  	p5 =	seq.s32 s21, $0x0;
	s9 =	sadd.s32 s28, s8;
	s20 =	smov.u32 @p1 s2  }
0xd6: {  	s20 =	smov.u32 @p0 s0;
	s22 =	smov.u32 @p1 s11;
	p1 =	slt.s32 s8, $0x0  }
0xd7: {  	p2 =	por !p5, !p1;
	s21 =	simm.s32 @p1 $0x1;
	p1 =	slt.s32 s16, $0x0  }
0xd8: {  	p6 =	seq.s32 s21, $0x0;
	s21 =	simm.s32 @p1 $0x1;
	s22 =	smov.u32 @p0 s31  }
0xd9: {  	p0 =	por !p2, !p2;
	p2 =	por !p6, !p1;
	p1 =	slt.s32 s5, $0x0  }
0xda: {  	s1 =	sadd.s32 s26, s16;
	p3 =	seq.s32 s21, $0x0;
	s21 =	simm.s32 @p1 $0x1  }
0xdb: {  	s20 =	smov.u32 @p0 s9;
	p4 =	por !p3, !p1;
	p6 =	seq.s32 s21, $0x0  }
0xdc: {  	p5 =	slt.s32 s7, $0x0;
	s2 =	sadd.s32 s24, s7;
	s0 =	spop (v2sf)  }
0xdd: {  	p1 =	por !p6, !p5;
	s22 =	smov.u32 @p0 s0;
	p0 =	por !p2, !p2  }
0xde: {  	s20 =	smov.u32 @p0 s1;
	s1 =	sadd.s32 s23, s5;
	s0 =	spop (v2sf)  }
0xdf: {  	s22 =	smov.u32 @p0 s0;
	p0 =	por !p4, !p4;
	s0 =	spop (v2sf)  }
0xe0: {  	s20 =	smov.u32 @p0 s1;
	s22 =	smov.u32 @p0 s0;
	p0 =	por !p1, !p1  }
0xe1: {  	s20 =	smov.u32 @p0 s2;
	s0 =	spop (v2sf)  }
0xe2: {  	v6 =	vmov s20;
	s22 =	smov.u32 @p0 s0;
	s0 =	simm.s32 $0x0  }
.LBB2_7:
0xe3: {  	s1 =	sshra.s32 s0, $0x2  }
0xe4: {  	v7 =	vld [tilespmem:s1+$0x0];
	_ =	sdelay $0x4  }
0xe5: {  	v7 =	vadd.s32 $0x3F800001, v7  }
0xe6: {  	v8 =	vshra.s32 v7, $0x17  }
0xe7: {  	v7 =	vshrl.u32 v7, $0xF;
	vm0 =	veq.s32 v8, v6  }
0xe8: {  	v7 =	vand.u32 $0xFF, v7;
	_ =	sdelay $0x4  }
0xe9: {  	[tilespmem:v7+s13+$0x0] =	vst.idx.add.s32.msk vm0, v2  }
0xea: {  	v7 =	vld [tilespmem:s1+$0x10];
	_ =	sdelay $0x4  }
0xeb: {  	v7 =	vadd.s32 $0x3F800001, v7  }
0xec: {  	v8 =	vshra.s32 v7, $0x17  }
0xed: {  	v7 =	vshrl.u32 v7, $0xF;
	vm9 =	veq.s32 v8, v6  }
0xee: {  	v7 =	vand.u32 $0xFF, v7;
	_ =	sdelay $0x4  }
0xef: {  	[tilespmem:v7+s13+$0x0] =	vst.idx.add.s32.msk vm9, v2  }
0xf0: {  	v7 =	vld [tilespmem:s1+$0x20];
	_ =	sdelay $0x4  }
0xf1: {  	v7 =	vadd.s32 $0x3F800001, v7  }
0xf2: {  	v8 =	vshra.s32 v7, $0x17  }
0xf3: {  	v7 =	vshrl.u32 v7, $0xF;
	vm10 =	veq.s32 v8, v6  }
0xf4: {  	v7 =	vand.u32 $0xFF, v7;
	_ =	sdelay $0x4  }
0xf5: {  	[tilespmem:v7+s13+$0x0] =	vst.idx.add.s32.msk vm10, v2  }
0xf6: {  	v7 =	vld [tilespmem:s1+$0x30];
	_ =	sdelay $0x4  }
0xf7: {  	v7 =	vadd.s32 $0x3F800001, v7  }
0xf8: {  	v8 =	vshra.s32 v7, $0x17  }
0xf9: {  	v7 =	vshrl.u32 v7, $0xF;
	vm11 =	veq.s32 v8, v6  }
0xfa: {  	v7 =	vand.u32 $0xFF, v7;
	_ =	sdelay $0x4  }
0xfb: {  	[tilespmem:v7+s13+$0x0] =	vst.idx.add.s32.msk vm11, v2  }
0xfc: {  	v7 =	vld [tilespmem:s1+$0x40];
	_ =	sdelay $0x4  }
0xfd: {  	v7 =	vadd.s32 $0x3F800001, v7  }
0xfe: {  	v8 =	vshra.s32 v7, $0x17  }
0xff: {  	v7 =	vshrl.u32 v7, $0xF;
	vm12 =	veq.s32 v8, v6  }
0x100: {  	v7 =	vand.u32 $0xFF, v7;
	_ =	sdelay $0x4  }
0x101: {  	[tilespmem:v7+s13+$0x0] =	vst.idx.add.s32.msk vm12, v2  }
0x102: {  	v7 =	vld [tilespmem:s1+$0x50];
	_ =	sdelay $0x4  }
0x103: {  	v7 =	vadd.s32 $0x3F800001, v7  }
0x104: {  	v8 =	vshra.s32 v7, $0x17  }
0x105: {  	v7 =	vshrl.u32 v7, $0xF;
	vm13 =	veq.s32 v8, v6  }
0x106: {  	v7 =	vand.u32 $0xFF, v7;
	_ =	sdelay $0x4  }
0x107: {  	[tilespmem:v7+s13+$0x0] =	vst.idx.add.s32.msk vm13, v2  }
0x108: {  	v7 =	vld [tilespmem:s1+$0x60];
	_ =	sdelay $0x4  }
0x109: {  	v7 =	vadd.s32 $0x3F800001, v7  }
0x10a: {  	v8 =	vshra.s32 v7, $0x17  }
0x10b: {  	v7 =	vshrl.u32 v7, $0xF;
	vm14 =	veq.s32 v8, v6  }
0x10c: {  	v7 =	vand.u32 $0xFF, v7;
	_ =	sdelay $0x4  }
0x10d: {  	[tilespmem:v7+s13+$0x0] =	vst.idx.add.s32.msk vm14, v2  }
0x10e: {  	v7 =	vld [tilespmem:s1+$0x70];
	_ =	sdelay $0x4  }
0x10f: {  	v7 =	vadd.s32 $0x3F800001, v7  }
0x110: {  	v8 =	vshra.s32 v7, $0x17  }
0x111: {  	v7 =	vshrl.u32 v7, $0xF;
	vm15 =	veq.s32 v8, v6  }
0x112: {  	p0 =	sne.s32 s0, $0x3E00;
	v7 =	vand.u32 $0xFF, v7  }
.Ltmp2:
0x113: {  	_ = 	snop;
	(pc) =	sbr.rel @p0 .LBB2_7-.Ltmp2, $2  }
0x114: {  	_ =	sdelay $0x2  }
0x115: {  	s0 =	sadd.s32 $0x200, s0;
	[tilespmem:v7+s13+$0x0] =	vst.idx.add.s32.msk vm15, v2  }
0x116: {  	s0 =	simm.s32 $0x21F0  }
0x117: {  	v6 =	vld [tilespmem:s0+$0x0];
	_ =	sdelay $0x3  }
0x118: {  	s23 =	simm.s32 $0x21E0  }
0x119: {  	v7 =	vld [tilespmem:s23+$0x0];
	(xrf0) =	vadd.scan.msk.s32 $0xffff, v6;
	_ =	sdelay $0x1  }
0x11a: {  	v6 =	vperm.xlane v6, v3;
	_ =	sdelay $0x2  }
0x11b: {  	(xrf0) =	vadd.scan.msk.s32 $0xffff, v7  }
0x11c: {  	(xrf0) =	vadd.scan.msk.s32 $0xffff, v6;
	v6, _, _ =	vpop (xrf0)  }
0x11d: {  	(v2sf) =	vpush v6, $0xF;
	_ =	sdelay $0x1  }
0x11e: {  	s24 =	simm.s32 $0x21D0  }
0x11f: {  	v8 =	vld [tilespmem:s24+$0x0];
	_ =	sdelay $0x1  }
0x120: {  	v9, _, _ =	vpop (xrf0)  }
0x121: {  	s25 =	ssub.s32 $0x19A, s22;
	s23 =	simm.s32 $0x0;
	v10, _, _ =	vpop (xrf0);
	(v2sf) =	vpush v9, $0xF  }
0x122: {  	v7 =	vperm.xlane v7, v3;
	v6 =	vmov s25;
	v10 =	vadd.s32 s23, v10  }
0x123: {  	(xrf0) =	vadd.scan.msk.s32 $0xffff, v8;
	vm0 =	vlt.s32 v10, v6  }
0x124: {  	s26 =	simm.s32 $0x21C0;
	(xrf0) =	vadd.scan.msk.s32 $0xffff, v7;
	v7 =	vsel vm0, $0x7FFFFFFF, v4  }
0x125: {  	(xrf0) =	vmax.scan.msk.u32 $0xffff, v7;
	v7 =	vld [tilespmem:s26+$0x0];
	_ =	sdelay $0x3  }
0x126: {  	v8 =	vperm.xlane v8, v3;
	v55, _, _ =	vpop (xrf0)  }
0x127: {  	v56, _, _ =	vpop (xrf0);
	(xrf0) =	vadd.scan.msk.s32 $0xffff, v7;
	s28 =	spop (v2sf)  }
0x128: {  	v57, _, _ =	vpop (xrf0);
	(xrf0) =	vadd.scan.msk.s32 $0xffff, v8;
	s0 =	sadd.s32 $0x0, s28  }
0x129: {  	(v2sf) =	vpush v55, $0xF;
	v58 =	vadd.s32 s0, v56  }
0x12a: {  	s1 =	simm.s32 $0x21B0;
	(v2sf) =	vpush v57, $0xF;
	vm13 =	vlt.s32 v58, v6  }
0x12b: {  	v8 =	vld [tilespmem:s1+$0x0];
	v9 =	vsel vm13, $0x7FFFFFFF, v4  }
0x12c: {  	(xrf0) =	vmax.scan.msk.u32 $0xffff, v9  }
0x12d: {  	s29 =	spop (v2sf);
	v59, _, _ =	vpop (xrf0)  }
0x12e: {  	s0 =	sadd.s32 s0, s29;
	v60, _, _ =	vpop (xrf0)  }
0x12f: {  	v7 =	vperm.xlane v7, v3;
	v10 =	vadd.s32 s0, v60  }
0x130: {  	vm14 =	vlt.s32 v10, v6;
	(xrf0) =	vadd.scan.msk.s32 $0xffff, v8  }
0x131: {  	(xrf0) =	vadd.scan.msk.s32 $0xffff, v7;
	v7 =	vsel vm14, $0x7FFFFFFF, v4  }
0x132: {  	(v2sf) =	vpush v59, $0xF;
	(xrf0) =	vmax.scan.msk.u32 $0xffff, v7;
	v61, _, _ =	vpop (xrf0)  }
0x133: {  	(v2sf) =	vpush v61, $0xF;
	_ =	sdelay $0x2  }
0x134: {  	s30 =	simm.s32 $0x21A0;
	v11, _, _ =	vpop (xrf0)  }
0x135: {  	v7 =	vld [tilespmem:s30+$0x0];
	v12, _, _ =	vpop (xrf0)  }
0x136: {  	s31 =	spop (v2sf);
	(v2sf) =	vpush v11, $0xF;
	v63, _, _ =	vpop (xrf0)  }
0x137: {  	s8 =	spop (v2sf);
	(v2sf) =	vpush v63, $0xF  }
0x138: {  	s7 =	sadd.s32 s0, s31  }
0x139: {  	s6 =	simm.s32 $0xE0;
	s5 =	simm.s32 $0xD0;
	v8 =	vperm.xlane v8, v3;
	v62 =	vadd.s32 s7, v12  }
0x13a: {  	s2 =	simm.s32 $0xC0;
	s9 =	simm.s32 $0x0;
	p1 =	por $0x1, $0x1;
	(xrf0) =	vadd.scan.msk.s32 $0xffff, v7;
	vm15 =	vlt.s32 v62, v6  }
0x13b: {  	s21 =	simm.s32 $0x0;
	p0 =	slt.s32 s8, $0x0;
	s8 =	sadd.s32 $0xF0, s8;
	(xrf0) =	vadd.scan.msk.s32 $0xffff, v8;
	v8 =	vsel vm15, $0x7FFFFFFF, v4  }
0x13c: {  	s1 =	simm.s32 $0xB0;
	s0 =	simm.s32 $0xA0;
	s9 =	smov.u32 @p0 s8;
	(xrf0) =	vmax.scan.msk.u32 $0xffff, v8  }
0x13d: {  	s8 =	simm.s32 $0x2190;
	s21 =	smov.u32 @p1 s9;
	s9 =	simm.s32 $0x90  }
.LBB2_9:
0x13e: {  	v8 =	vld [tilespmem:s8+$0x0];
	p1 =	sne.s32 s9, $0x0  }
0x13f: {  	s11 =	spop (v2sf)  }
0x140: {  	s23 =	simm.s32 @p0 $0x1;
	v9, _, _ =	vpop (xrf0);
	s7 =	sadd.s32 s7, s11;
	s11 =	spop (v2sf)  }
0x141: {  	v10, _, _ =	vpop (xrf0);
	s6 =	sadd.s32 s6, s11;
	p0 =	slt.s32 s11, $0x0;
	s11 =	smov.u32 s21  }
.Ltmp3:
0x142: {  	v11 =	vperm.xlane v7, v3;
	p2 =	seq.s32 s23, $0x0;
	(v2sf) =	vpush v9, $0xF;
	v10 =	vadd.s32 s7, v10;
	v9, _, _ =	vpop (xrf0);
	s11 =	smov.u32 @p0 s6;
	(pc) =	sbr.rel @p1 .LBB2_9-.Ltmp3, $4  }
0x143: {  	s6 =	smov.u32 s5;
	s5 =	smov.u32 s2;
	(xrf0) =	vadd.scan.msk.s32 $0xffff, v8;
	vm0 =	vlt.s32 v10, v6;
	(v2sf) =	vpush v9, $0xF;
	s21 =	smov.u32 @p2 s11;
	v7 =	vmov v8  }
0x144: {  	s2 =	smov.u32 s1;
	s1 =	smov.u32 s0;
	s0 =	smov.u32 s9;
	(xrf0) =	vadd.scan.msk.s32 $0xffff, v11;
	v8 =	vsel vm0, $0x7FFFFFFF, v4  }
0x145: {  	(xrf0) =	vmax.scan.msk.u32 $0xffff, v8  }
0x146: {  	s8 =	sadd.s32 $0xFFFFFFF0, s8;
	s9 =	sadd.s32 $0xFFFFFFF0, s9  }
0x147: {  	_ =	sdelay $0x2  }
0x148: {  	v7 =	vperm.xlane v7, v3;
	_ =	sdelay $0x1  }
0x149: {  	(xrf0) =	vadd.scan.msk.s32 $0xffff, v7;
	_ =	sdelay $0x2  }
0x14a: {  	s8 =	spop (v2sf);
	v7, _, _ =	vpop (xrf0)  }
0x14b: {  	s9 =	spop (v2sf);
	v8, _, _ =	vpop (xrf0)  }
0x14c: {  	s7 =	sadd.s32 s7, s8;
	v9, _, _ =	vpop (xrf0);
	s25 =	spop (v2sf)  }
0x14d: {  	v8 =	vadd.s32 s7, v8;
	v10, _, _ =	vpop (xrf0);
	s7 =	sadd.s32 s7, s25  }
0x14e: {  	vm0 =	vlt.s32 v8, v6;
	v62 =	vadd.s32 s7, v10  }
0x14f: {  	v63 =	vsel vm0, $0x7FFFFFFF, v4;
	vm15 =	vlt.s32 v62, v6  }
0x150: {  	(xrf0) =	vmax.scan.msk.u32 $0xffff, v63;
	v6 =	vsel vm15, $0x7FFFFFFF, v4  }
0x151: {  	(xrf0) =	vmax.scan.msk.u32 $0xffff, v6;
	_ =	sdelay $0x3  }
0x152: {  	(v2sf) =	vpush v7, $0xF  }
0x153: {  	(v2sf) =	vpush v9, $0xF;
	v6, _, _ =	vpop (xrf0)  }
0x154: {  	(v2sf) =	vpush v6, $0xF;
	v6, _, _ =	vpop (xrf0)  }
0x155: {  	(v2sf) =	vpush v6, $0xF;
	_ =	sdelay $0xa  }
0x156: {  	s22 =	sor.u32 $0x1, s3;
	s26 =	spop (v2sf)  }
0x157: {  	s7 =	sadd.s32 s4, s22;
	s28 =	spop (v2sf)  }
0x158: {  	[dreg:$0x8] =	wrdreg s3;
	s7 =	smin.u32 s7, $0xBFD;
	s11 =	spop (v2sf)  }
0x159: {  	s30 =	simm.s32 $0x2;
	s15 =	sadd.s32 $0x2, s7;
	s14 =	spop (v2sf)  }
0x15a: {  	s24 =	simm.s32 $0x0;
	s16 =	sshll.u32 s15, $0x4;
	s29 =	spop (v2sf)  }
0x15b: {  	s15 =	sshll.u32 s15, $0x9;
	s16 =	sand.u32 $0x70, s16;
	_ =	swait.ge [sflag:s30], $0x1000  }
0x15c: {  	s15 =	sand.u32 $0x3FF000, s15;
	s16 =	sadd.s32 s10, s16;
	[sflag:s30] =	ssyncset.done $0x0  }
0x15d: {  	s31 =	simm.s32 $0x400;
	s15 =	sadd.s32 s15, s16;
	[sflag:s30] =	ssyncadd.s32 $0xFFFFF000  }
0x15e: {  	[tilespmem:s24], [sflag:$0x1] =	stream.strided.gather [hbm4b:s15+s19], $0x1000, s31, s19, $0x38;
	[tilespmem:$0x2280] =	vst v63  }
0x15f: {  	[tilespmem:$0x2000] =	vst v1  }
0x160: {  	[tilespmem:$0x2100] =	vst v1  }
0x161: {  	[tilespmem:$0x2010] =	vst v1  }
0x162: {  	[tilespmem:$0x2110] =	vst v1  }
0x163: {  	[tilespmem:$0x2020] =	vst v1  }
0x164: {  	[tilespmem:$0x2120] =	vst v1  }
0x165: {  	[tilespmem:$0x2030] =	vst v1  }
0x166: {  	[tilespmem:$0x2130] =	vst v1  }
0x167: {  	[tilespmem:$0x2040] =	vst v1  }
0x168: {  	[tilespmem:$0x2140] =	vst v1  }
0x169: {  	[tilespmem:$0x2050] =	vst v1  }
0x16a: {  	[tilespmem:$0x2150] =	vst v1  }
0x16b: {  	[tilespmem:$0x2060] =	vst v1  }
0x16c: {  	[tilespmem:$0x2160] =	vst v1  }
0x16d: {  	[tilespmem:$0x2070] =	vst v1  }
0x16e: {  	[tilespmem:$0x2170] =	vst v1  }
0x16f: {  	s23 =	simm.s32 @p0 $0x1;
	[tilespmem:$0x2080] =	vst v1  }
0x170: {  	p1 =	slt.s32 s9, $0x0;
	s6 =	sadd.s32 s6, s9;
	s9 =	smov.u32 s21;
	[tilespmem:$0x2180] =	vst v1  }
0x171: {  	p0 =	seq.s32 s23, $0x0;
	s9 =	smov.u32 @p1 s6;
	[tilespmem:$0x2090] =	vst v1  }
0x172: {  	s23 =	simm.s32 @p1 $0x1;
	s21 =	smov.u32 @p0 s9;
	[tilespmem:$0x2190] =	vst v1  }
0x173: {  	s6 =	smov.u32 s21;
	p0 =	slt.s32 s26, $0x0;
	s5 =	sadd.s32 s5, s26;
	[tilespmem:$0x20A0] =	vst v1  }
0x174: {  	p1 =	seq.s32 s23, $0x0;
	s6 =	smov.u32 @p0 s5;
	[tilespmem:$0x21A0] =	vst v1  }
0x175: {  	s23 =	simm.s32 @p0 $0x1;
	s21 =	smov.u32 @p1 s6;
	[tilespmem:$0x20B0] =	vst v1  }
0x176: {  	s5 =	smov.u32 s21;
	p1 =	slt.s32 s11, $0x0;
	s2 =	sadd.s32 s2, s11;
	[tilespmem:$0x21B0] =	vst v1  }
0x177: {  	p0 =	seq.s32 s23, $0x0;
	s5 =	smov.u32 @p1 s2;
	[tilespmem:$0x20C0] =	vst v1  }
0x178: {  	s23 =	simm.s32 @p1 $0x1;
	s21 =	smov.u32 @p0 s5;
	[tilespmem:$0x21C0] =	vst v1  }
0x179: {  	s2 =	smov.u32 s21;
	p0 =	slt.s32 s14, $0x0;
	s1 =	sadd.s32 s1, s14;
	[tilespmem:$0x20D0] =	vst v1  }
0x17a: {  	p1 =	seq.s32 s23, $0x0;
	s2 =	smov.u32 @p0 s1;
	[tilespmem:$0x21D0] =	vst v1  }
0x17b: {  	s23 =	simm.s32 @p0 $0x1;
	s21 =	smov.u32 @p1 s2;
	[tilespmem:$0x20E0] =	vst v1  }
0x17c: {  	s1 =	smov.u32 s21;
	p1 =	slt.s32 s29, $0x0;
	s0 =	sadd.s32 s0, s29;
	[tilespmem:$0x21E0] =	vst v1  }
0x17d: {  	p0 =	seq.s32 s23, $0x0;
	s1 =	smov.u32 @p1 s0;
	[tilespmem:$0x20F0] =	vst v1  }
0x17e: {  	s0 =	simm.s32 $0x0;
	s21 =	smov.u32 @p0 s1;
	[tilespmem:$0x21F0] =	vst v1  }
.LBB2_11:
0x17f: {  	s1 =	sshra.s32 s0, $0x2  }
0x180: {  	v6 =	vld [tilespmem:s1+$0x1000];
	_ =	sdelay $0x4  }
0x181: {  	v6 =	vadd.s32 $0x3F800001, v6  }
0x182: {  	v6 =	vshra.s32 v6, $0x17;
	_ =	sdelay $0x4  }
0x183: {  	[tilespmem:v6+s12+$0x0] =	vst.idx.add.s32.msk $0xffff, v2  }
0x184: {  	v6 =	vld [tilespmem:s1+$0x1010];
	_ =	sdelay $0x4  }
0x185: {  	v6 =	vadd.s32 $0x3F800001, v6  }
0x186: {  	v6 =	vshra.s32 v6, $0x17;
	_ =	sdelay $0x4  }
0x187: {  	[tilespmem:v6+s12+$0x0] =	vst.idx.add.s32.msk $0xffff, v2  }
0x188: {  	v6 =	vld [tilespmem:s1+$0x1020];
	_ =	sdelay $0x4  }
0x189: {  	v6 =	vadd.s32 $0x3F800001, v6  }
0x18a: {  	v6 =	vshra.s32 v6, $0x17;
	_ =	sdelay $0x4  }
0x18b: {  	[tilespmem:v6+s12+$0x0] =	vst.idx.add.s32.msk $0xffff, v2  }
0x18c: {  	v6 =	vld [tilespmem:s1+$0x1030];
	_ =	sdelay $0x4  }
0x18d: {  	v6 =	vadd.s32 $0x3F800001, v6  }
0x18e: {  	v6 =	vshra.s32 v6, $0x17;
	_ =	sdelay $0x4  }
0x18f: {  	[tilespmem:v6+s12+$0x0] =	vst.idx.add.s32.msk $0xffff, v2  }
0x190: {  	v6 =	vld [tilespmem:s1+$0x1040];
	_ =	sdelay $0x4  }
0x191: {  	v6 =	vadd.s32 $0x3F800001, v6  }
0x192: {  	v6 =	vshra.s32 v6, $0x17;
	_ =	sdelay $0x4  }
0x193: {  	[tilespmem:v6+s12+$0x0] =	vst.idx.add.s32.msk $0xffff, v2  }
0x194: {  	v6 =	vld [tilespmem:s1+$0x1050];
	_ =	sdelay $0x4  }
0x195: {  	v6 =	vadd.s32 $0x3F800001, v6  }
0x196: {  	v6 =	vshra.s32 v6, $0x17;
	_ =	sdelay $0x4  }
0x197: {  	[tilespmem:v6+s12+$0x0] =	vst.idx.add.s32.msk $0xffff, v2  }
0x198: {  	v6 =	vld [tilespmem:s1+$0x1060];
	_ =	sdelay $0x4  }
0x199: {  	v6 =	vadd.s32 $0x3F800001, v6  }
0x19a: {  	v6 =	vshra.s32 v6, $0x17;
	_ =	sdelay $0x4  }
0x19b: {  	[tilespmem:v6+s12+$0x0] =	vst.idx.add.s32.msk $0xffff, v2  }
0x19c: {  	v6 =	vld [tilespmem:s1+$0x1070];
	_ =	sdelay $0x4  }
0x19d: {  	v6 =	vadd.s32 $0x3F800001, v6  }
0x19e: {  	p0 =	seq.s32 s0, $0x3E00;
	v6 =	vshra.s32 v6, $0x17  }
.Ltmp4:
0x19f: {  	_ = 	snop;
	(pc) =	sbr.rel @!p0 .LBB2_11-.Ltmp4, $2  }
0x1a0: {  	_ =	sdelay $0x2  }
0x1a1: {  	s0 =	sadd.s32 $0x200, s0;
	[tilespmem:v6+s12+$0x0] =	vst.idx.add.s32.msk $0xffff, v2  }
0x1a2: {  	s0 =	simm.s32 $0x20F0  }
0x1a3: {  	v6 =	vld [tilespmem:s0+$0x0];
	_ =	sdelay $0x3  }
0x1a4: {  	s2 =	simm.s32 $0x20E0  }
0x1a5: {  	v7 =	vld [tilespmem:s2+$0x0];
	(xrf0) =	vadd.scan.msk.s32 $0xffff, v6;
	_ =	sdelay $0x3  }
0x1a6: {  	v6 =	vperm.xlane v6, v3  }
0x1a7: {  	(xrf0) =	vadd.scan.msk.s32 $0xffff, v7  }
0x1a8: {  	(xrf0) =	vadd.scan.msk.s32 $0xffff, v6;
	v8, _, _ =	vpop (xrf0)  }
0x1a9: {  	(v2sf) =	vpush v8, $0xF  }
0x1aa: {  	s3 =	simm.s32 $0x20D0  }
0x1ab: {  	v8 =	vld [tilespmem:s3+$0x0];
	_ =	sdelay $0x1  }
0x1ac: {  	v9, _, _ =	vpop (xrf0)  }
0x1ad: {  	v10, _, _ =	vpop (xrf0)  }
0x1ae: {  	v7 =	vperm.xlane v7, v3;
	(v2sf) =	vpush v9, $0xF;
	v9 =	vadd.s32 s24, v10  }
0x1af: {  	vm0 =	vgt.s32 v9, $0x199;
	(xrf0) =	vadd.scan.msk.s32 $0xffff, v8  }
0x1b0: {  	v10 =	vnsel vm0, $0x7FFFFFFF, v4;
	(xrf0) =	vadd.scan.msk.s32 $0xffff, v7  }
0x1b1: {  	(xrf0) =	vmax.scan.msk.u32 $0xffff, v10  }
0x1b2: {  	s4 =	simm.s32 $0x20C0  }
0x1b3: {  	v10 =	vld [tilespmem:s4+$0x0];
	_ =	sdelay $0x1  }
0x1b4: {  	v11, _, _ =	vpop (xrf0)  }
0x1b5: {  	(v2sf) =	vpush v11, $0xF;
	v11 =	vperm.xlane v8, v3;
	v8, _, _ =	vpop (xrf0)  }
0x1b6: {  	v12, _, _ =	vpop (xrf0);
	s5 =	spop (v2sf)  }
0x1b7: {  	(xrf0) =	vadd.scan.msk.s32 $0xffff, v10;
	(v2sf) =	vpush v12, $0xF;
	s0 =	sadd.s32 $0x0, s5  }
0x1b8: {  	(xrf0) =	vadd.scan.msk.s32 $0xffff, v11;
	v13 =	vadd.s32 s0, v8  }
0x1b9: {  	s1 =	simm.s32 $0x20B0;
	vm6 =	vgt.s32 v13, $0x199  }
0x1ba: {  	v8 =	vld [tilespmem:s1+$0x0];
	v12 =	vnsel vm6, $0x7FFFFFFF, v4;
	_ =	sdelay $0x1  }
0x1bb: {  	(xrf0) =	vmax.scan.msk.u32 $0xffff, v12  }
0x1bc: {  	s6 =	spop (v2sf);
	v12, _, _ =	vpop (xrf0)  }
0x1bd: {  	v14 =	vperm.xlane v10, v3;
	s0 =	sadd.s32 s0, s6;
	v10, _, _ =	vpop (xrf0)  }
0x1be: {  	(xrf0) =	vadd.scan.msk.s32 $0xffff, v8;
	v10 =	vadd.s32 s0, v10  }
0x1bf: {  	(xrf0) =	vadd.scan.msk.s32 $0xffff, v14;
	vm7 =	vgt.s32 v10, $0x199  }
0x1c0: {  	v15 =	vnsel vm7, $0x7FFFFFFF, v4  }
0x1c1: {  	s7 =	simm.s32 $0x20A0;
	(v2sf) =	vpush v12, $0xF;
	v12, _, _ =	vpop (xrf0);
	(xrf0) =	vmax.scan.msk.u32 $0xffff, v15  }
0x1c2: {  	v15 =	vld [tilespmem:s7+$0x0];
	_ =	sdelay $0x1  }
0x1c3: {  	(v2sf) =	vpush v12, $0xF;
	s8 =	spop (v2sf);
	v12, _, _ =	vpop (xrf0)  }
0x1c4: {  	s2 =	sadd.s32 s0, s8;
	v16, _, _ =	vpop (xrf0);
	s9 =	spop (v2sf)  }
0x1c5: {  	s19 =	smov.u32 s10;
	v8 =	vperm.xlane v8, v3;
	v16 =	vadd.s32 s2, v16;
	s10 =	sxor.u32 $0x80000000, s9  }
0x1c6: {  	(v2sf) =	vpush v12, $0xF;
	vm8 =	vgt.s32 v16, $0x199;
	s1 =	ssub.s32 $0xF, s10;
	(xrf0) =	vadd.scan.msk.s32 $0xffff, v15;
	v12, _, _ =	vpop (xrf0)  }
0x1c7: {  	v17 =	vnsel vm8, $0x7FFFFFFF, v4;
	(xrf0) =	vadd.scan.msk.s32 $0xffff, v8;
	(v2sf) =	vpush v12, $0xF;
	v12 =	vmov s1  }
0x1c8: {  	v6 =	vsub.s32 v9, v6;
	(xrf0) =	vmax.scan.msk.u32 $0xffff, v17;
	vm9 =	veq.s32 v12, v0  }
0x1c9: {  	v6 =	vnsel vm9, $0x0, v6;
	_ =	sdelay $0x1  }
0x1ca: {  	s11 =	simm.s32 $0x2090  }
0x1cb: {  	v9 =	vld [tilespmem:s11+$0x0];
	(xrf0) =	vadd.scan.msk.s32 $0xffff, v6;
	v6, _, _ =	vpop (xrf0)  }
0x1cc: {  	v12, _, _ =	vpop (xrf0)  }
0x1cd: {  	(v2sf) =	vpush v6, $0xF;
	v6, _, _ =	vpop (xrf0)  }
0x1ce: {  	(v2sf) =	vpush v6, $0xF  }
0x1cf: {  	v6 =	vperm.xlane v15, v3  }
0x1d0: {  	s5 =	spop (v2sf);
	(xrf0) =	vadd.scan.msk.s32 $0xffff, v9  }
0x1d1: {  	s1 =	spop (v2sf);
	(xrf0) =	vadd.scan.msk.s32 $0xffff, v6  }
0x1d2: {  	s2 =	sadd.s32 s2, s5;
	s14 =	sxor.u32 $0x80000000, s1  }
0x1d3: {  	v12 =	vadd.s32 s2, v12;
	s5 =	ssub.s32 $0xF, s14  }
0x1d4: {  	s6 =	simm.s32 $0x2080;
	v7 =	vsub.s32 v13, v7;
	vm10 =	vgt.s32 v12, $0x199;
	v15, _, _ =	vpop (xrf0);
	v58 =	vmov s5  }
0x1d5: {  	v13 =	vnsel vm10, $0x7FFFFFFF, v4;
	(v2sf) =	vpush v15, $0xF;
	v15 =	vld [tilespmem:s6+$0x0];
	vm11 =	veq.s32 v58, v0  }
0x1d6: {  	s15 =	spop (v2sf);
	(xrf0) =	vmax.scan.msk.u32 $0xffff, v13;
	v59, _, _ =	vpop (xrf0);
	v7 =	vnsel vm11, $0x0, v7  }
0x1d7: {  	s16 =	sadd.s32 s2, s15;
	(xrf0) =	vadd.scan.msk.s32 $0xffff, v7;
	v7 =	vperm.xlane v9, v3;
	s29 =	spop (v2sf);
	v9, _, _ =	vpop (xrf0)  }
0x1d8: {  	s17 =	sxor.u32 $0x80000000, s29;
	v9 =	vadd.s32 s16, v9  }
0x1d9: {  	s2 =	ssub.s32 $0xF, s17;
	vm12 =	vgt.s32 v9, $0x199  }
0x1da: {  	v10 =	vsub.s32 v10, v11;
	(xrf0) =	vadd.scan.msk.s32 $0xffff, v15;
	v13 =	vmov s2;
	v11 =	vnsel vm12, $0x7FFFFFFF, v4  }
0x1db: {  	(xrf0) =	vadd.scan.msk.s32 $0xffff, v7;
	vm13 =	veq.s32 v13, v0  }
0x1dc: {  	(v2sf) =	vpush v59, $0xF;
	v18, _, _ =	vpop (xrf0);
	(xrf0) =	vmax.scan.msk.u32 $0xffff, v11;
	v10 =	vnsel vm13, $0x0, v10;
	s7 =	spop (v2sf)  }
0x1dd: {  	(v2sf) =	vpush v18, $0xF;
	v11, _, _ =	vpop (xrf0);
	(xrf0) =	vadd.scan.msk.s32 $0xffff, v10;
	s15 =	spop (v2sf)  }
0x1de: {  	s25 =	sxor.u32 $0x80000000, s15  }
0x1df: {  	s23 =	simm.s32 $0x2070;
	(v2sf) =	vpush v11, $0xF;
	s6 =	ssub.s32 $0xF, s25  }
0x1e0: {  	v13 =	vld [tilespmem:s23+$0x0];
	v10 =	vperm.xlane v15, v3;
	v60, _, _ =	vpop (xrf0);
	v15 =	vmov s6  }
0x1e1: {  	s31 =	simm.s32 $0x800000A0;
	v61, _, _ =	vpop (xrf0)  }
0x1e2: {  	s30 =	simm.s32 $0x80000090;
	s26 =	simm.s32 $0x80000080;
	(v2sf) =	vpush v60, $0xF;
	v62, _, _ =	vpop (xrf0)  }
0x1e3: {  	p1 =	por $0x1, $0x1;
	p0 =	slt.s32 s9, $0x0;
	s7 =	sadd.s32 s16, s7;
	vm15 =	veq.s32 v15, v0;
	(v2sf) =	vpush v62, $0xF;
	v15, _, _ =	vpop (xrf0)  }
0x1e4: {  	s28 =	simm.s32 $0x80000070;
	s8 =	sadd.s32 $0x800000F0, s9;
	p1 =	por !p1, !p0;
	v11 =	vadd.s32 s7, v61;
	(v2sf) =	vpush v15, $0xF  }
0x1e5: {  	p1 =	por !p1, !p1;
	s5 =	sadd.s32 $0x800000E0, s1;
	s23 =	simm.s32 $0x0;
	(xrf0) =	vadd.scan.msk.s32 $0xffff, v13;
	vm14 =	vgt.s32 v11, $0x199  }
0x1e6: {  	v14 =	vsub.s32 v16, v14;
	s0 =	sadd.s32 $0x800000D0, s29;
	s2 =	simm.s32 $0x800000B0;
	s23 =	smov.u32 @p1 s8;
	(xrf0) =	vadd.scan.msk.s32 $0xffff, v10;
	v63 =	vnsel vm14, $0x7FFFFFFF, v4  }
0x1e7: {  	s8 =	simm.s32 $0x80000060;
	s9 =	spop (v2sf);
	s25 =	simm.s32 $0x0;
	(xrf0) =	vmax.scan.msk.u32 $0xffff, v63;
	v14 =	vnsel vm15, $0x0, v14  }
0x1e8: {  	s16 =	simm.s32 $0x2060;
	s6 =	sadd.s32 $0x800000C0, s15;
	s25 =	smov.u32 @p1 s9;
	(xrf0) =	vadd.scan.msk.s32 $0xffff, v14  }
.LBB2_13:
0x1e9: {  	p1 =	seq.s32 s8, $0x80000000;
	s24 =	simm.s32 @p0 $0x1  }
0x1ea: {  	v14 =	vld [tilespmem:s16+$0x0];
	s9 =	smov.u32 s26;
	s26 =	smov.u32 s28;
	s28 =	smov.u32 s8  }
0x1eb: {  	p0 =	slt.s32 s1, $0x0;
	s11 =	spop (v2sf);
	p2 =	seq.s32 s24, $0x0  }
0x1ec: {  	s7 =	sadd.s32 s7, s11;
	s11 =	spop (v2sf)  }
0x1ed: {  	v15, _, _ =	vpop (xrf0);
	p2 =	por !p2, !p0;
	s1 =	sxor.u32 $0x80000000, s11  }
0x1ee: {  	v16 =	vperm.xlane v13, v3;
	v13, _, _ =	vpop (xrf0);
	p2 =	por !p2, !p2;
	s14 =	spop (v2sf);
	s2 =	sadd.s32 s2, s11  }
.Ltmp5:
0x1ef: {  	v8 =	vsub.s32 v12, v8;
	(v2sf) =	vpush v15, $0xF;
	v15 =	vadd.s32 s7, v13;
	v13, _, _ =	vpop (xrf0);
	s1 =	ssub.s32 $0xF, s1;
	s25 =	smov.u32 @p2 s14;
	(pc) =	sbr.rel @!p1 .LBB2_13-.Ltmp5, $4  }
0x1f0: {  	s23 =	smov.u32 @p2 s5;
	(xrf0) =	vadd.scan.msk.s32 $0xffff, v14;
	vm0 =	vgt.s32 v15, $0x199;
	(v2sf) =	vpush v13, $0xF;
	v12 =	vmov s1;
	v13, _, _ =	vpop (xrf0);
	s1 =	smov.u32 s29;
	s29 =	smov.u32 s15  }
0x1f1: {  	s5 =	smov.u32 s0;
	s0 =	smov.u32 s6;
	s15 =	smov.u32 s11;
	(xrf0) =	vadd.scan.msk.s32 $0xffff, v16;
	v17 =	vnsel vm0, $0x7FFFFFFF, v4;
	vm0 =	veq.s32 v12, v0;
	(v2sf) =	vpush v13, $0xF;
	v13 =	vmovc v14  }
0x1f2: {  	s6 =	smov.u32 s2;
	s2 =	smov.u32 s31;
	s31 =	smov.u32 s30;
	(xrf0) =	vmax.scan.msk.u32 $0xffff, v17;
	v14 =	vnsel vm0, $0x0, v8;
	v8 =	vmovc v6;
	v6 =	vmov v7;
	v7 =	vmov v10  }
0x1f3: {  	s16 =	sadd.s32 $0xFFFFFFF0, s16;
	s8 =	sadd.s32 $0xFFFFFFF0, s8;
	s30 =	smov.u32 s9;
	v10 =	vmovc v16;
	(xrf0) =	vadd.scan.msk.s32 $0xffff, v14;
	v12 =	vmov v9;
	v9 =	vmov v11;
	v11 =	vmov v15  }
0x1f4: {  	_ =	sdelay $0x2  }
0x1f5: {  	v13 =	vperm.xlane v13, v3;
	_ =	sdelay $0x1  }
0x1f6: {  	(xrf0) =	vadd.scan.msk.s32 $0xffff, v13;
	_ =	sdelay $0x1  }
0x1f7: {  	s8 =	spop (v2sf);
	v14, _, _ =	vpop (xrf0)  }
0x1f8: {  	s16 =	spop (v2sf);
	s7 =	sadd.s32 s7, s8;
	v15, _, _ =	vpop (xrf0)  }
0x1f9: {  	s9 =	sxor.u32 $0x80000000, s16;
	s8 =	spop (v2sf);
	v16, _, _ =	vpop (xrf0);
	v15 =	vadd.s32 s7, v15  }
0x1fa: {  	s9 =	ssub.s32 $0xF, s9;
	v17, _, _ =	vpop (xrf0);
	vm0 =	vgt.s32 v15, $0x199;
	s11 =	spop (v2sf)  }
0x1fb: {  	v62 =	vmov s9;
	v19 =	vnsel vm0, $0x7FFFFFFF, v4;
	v18, _, _ =	vpop (xrf0);
	s7 =	sadd.s32 s7, s11  }
0x1fc: {  	v8 =	vsub.s32 v12, v8;
	vm10 =	veq.s32 v62, v0;
	(xrf0) =	vmax.scan.msk.u32 $0xffff, v19;
	v63 =	vadd.s32 s7, v18  }
0x1fd: {  	v8 =	vnsel vm10, $0x0, v8;
	vm11 =	vgt.s32 v63, $0x199  }
0x1fe: {  	(xrf0) =	vadd.scan.msk.s32 $0xffff, v8;
	v8 =	vnsel vm11, $0x7FFFFFFF, v4  }
0x1ff: {  	(v2sf) =	vpush v14, $0xF;
	(xrf0) =	vmax.scan.msk.u32 $0xffff, v8  }
0x200: {  	(v2sf) =	vpush v16, $0xF;
	_ =	sdelay $0x1  }
0x201: {  	(v2sf) =	vpush v17, $0xF;
	v8, _, _ =	vpop (xrf0)  }
0x202: {  	(v2sf) =	vpush v8, $0xF  }
0x203: {  	v8, _, _ =	vpop (xrf0)  }
0x204: {  	(v2sf) =	vpush v8, $0xF;
	v8, _, _ =	vpop (xrf0)  }
0x205: {  	(v2sf) =	vpush v8, $0xF;
	_ =	sdelay $0x5  }
0x206: {  	s9 =	spop (v2sf)  }
0x207: {  	s14 =	spop (v2sf);
	s4 =	sxor.u32 $0x80000000, s9  }
0x208: {  	s7 =	ssub.s32 $0xF, s4;
	s10 =	spop (v2sf)  }
0x209: {  	s11 =	spop (v2sf);
	v8 =	vmov s7  }
0x20a: {  	v6 =	vsub.s32 v9, v6;
	s17 =	sxor.u32 $0x80000000, s11;
	vm12 =	veq.s32 v8, v0  }
0x20b: {  	s10 =	spop (v2sf);
	s7 =	ssub.s32 $0xF, s17;
	v6 =	vnsel vm12, $0x0, v6  }
0x20c: {  	v8 =	vmov s7;
	(xrf0) =	vadd.scan.msk.s32 $0xffff, v6;
	s7 =	spop (v2sf)  }
0x20d: {  	vm13 =	veq.s32 v8, v0;
	v6 =	vsub.s32 v11, v7;
	s17 =	sxor.u32 $0x80000000, s7  }
0x20e: {  	v6 =	vnsel vm13, $0x0, v6;
	s3 =	spop (v2sf);
	s4 =	ssub.s32 $0xF, s17  }
0x20f: {  	(xrf0) =	vadd.scan.msk.s32 $0xffff, v6;
	v6 =	vmov s4;
	s17 =	spop (v2sf)  }
0x210: {  	v7 =	vsub.s32 v15, v10;
	vm14 =	veq.s32 v6, v0;
	s4 =	sxor.u32 $0x80000000, s17  }
0x211: {  	v7 =	vnsel vm14, $0x0, v7;
	s4 =	ssub.s32 $0xF, s4  }
0x212: {  	v8, _, _ =	vpop (xrf0);
	(xrf0) =	vadd.scan.msk.s32 $0xffff, v7;
	v7 =	vsub.s32 v63, v13;
	v6 =	vmov s4  }
0x213: {  	vm15 =	veq.s32 v6, v0  }
0x214: {  	v6 =	vnsel vm15, $0x0, v7  }
0x215: {  	s24 =	simm.s32 @p0 $0x1;
	v7, _, _ =	vpop (xrf0);
	(xrf0) =	vadd.scan.msk.s32 $0xffff, v6  }
0x216: {  	p0 =	slt.s32 s1, $0x0;
	p1 =	seq.s32 s24, $0x0  }
0x217: {  	s24 =	simm.s32 @p0 $0x1;
	p1 =	por !p1, !p0;
	(v2sf) =	vpush v8, $0xF  }
0x218: {  	p0 =	slt.s32 s29, $0x0;
	p2 =	seq.s32 s24, $0x0;
	s1 =	sadd.s32 s2, s16;
	(v2sf) =	vpush v7, $0xF  }
0x219: {  	p1 =	por !p1, !p1;
	p2 =	por !p2, !p0;
	s24 =	simm.s32 @p0 $0x1;
	v6, _, _ =	vpop (xrf0)  }
0x21a: {  	p0 =	slt.s32 s15, $0x0;
	s25 =	smov.u32 @p1 s8;
	s23 =	smov.u32 @p1 s5;
	(v2sf) =	vpush v6, $0xF  }
0x21b: {  	p1 =	por !p2, !p2;
	p6 =	seq.s32 s24, $0x0;
	s24 =	simm.s32 @p0 $0x1;
	v6, _, _ =	vpop (xrf0)  }
0x21c: {  	p2 =	por !p6, !p0;
	p0 =	slt.s32 s16, $0x0;
	p3 =	seq.s32 s24, $0x0;
	(v2sf) =	vpush v6, $0xF  }
0x21d: {  	s23 =	smov.u32 @p1 s0;
	p4 =	por !p3, !p0;
	s24 =	simm.s32 @p0 $0x1  }
0x21e: {  	p0 =	por !p4, !p4;
	s25 =	smov.u32 @p1 s14;
	p1 =	por !p2, !p2  }
0x21f: {  	p5 =	seq.s32 s24, $0x0;
	s2 =	sadd.s32 s31, s9;
	s23 =	smov.u32 @p1 s6  }
0x220: {  	s23 =	smov.u32 @p0 s1;
	s25 =	smov.u32 @p1 s10;
	p1 =	slt.s32 s9, $0x0  }
0x221: {  	p2 =	por !p5, !p1;
	s24 =	simm.s32 @p1 $0x1;
	p1 =	slt.s32 s11, $0x0  }
0x222: {  	p6 =	seq.s32 s24, $0x0;
	s24 =	simm.s32 @p1 $0x1;
	s25 =	smov.u32 @p0 s3  }
0x223: {  	p0 =	por !p2, !p2;
	p2 =	por !p6, !p1;
	p1 =	slt.s32 s7, $0x0  }
0x224: {  	s0 =	sadd.s32 s30, s11;
	p3 =	seq.s32 s24, $0x0;
	s24 =	simm.s32 @p1 $0x1  }
0x225: {  	s23 =	smov.u32 @p0 s2;
	p4 =	por !p3, !p1;
	p6 =	seq.s32 s24, $0x0  }
0x226: {  	p5 =	slt.s32 s17, $0x0;
	s2 =	sadd.s32 s28, s17;
	s1 =	spop (v2sf)  }
0x227: {  	s25 =	smov.u32 @p0 s1;
	p0 =	por !p2, !p2;
	s1 =	spop (v2sf)  }
0x228: {  	p1 =	por !p6, !p5;
	s23 =	smov.u32 @p0 s0;
	s25 =	smov.u32 @p0 s1  }
0x229: {  	p0 =	por !p4, !p4;
	s1 =	sadd.s32 s26, s7;
	s0 =	spop (v2sf)  }
0x22a: {  	s23 =	smov.u32 @p0 s1;
	s25 =	smov.u32 @p0 s0;
	p0 =	por !p1, !p1  }
0x22b: {  	s23 =	smov.u32 @p0 s2;
	s0 =	spop (v2sf)  }
0x22c: {  	s10 =	smov.u32 s19;
	v6 =	vmov s23;
	s25 =	smov.u32 @p0 s0;
	s0 =	simm.s32 $0x0  }
.LBB2_15:
0x22d: {  	s1 =	sshra.s32 s0, $0x2  }
0x22e: {  	v7 =	vld [tilespmem:s1+$0x1000];
	_ =	sdelay $0x4  }
0x22f: {  	v7 =	vadd.s32 $0x3F800001, v7  }
0x230: {  	v8 =	vshra.s32 v7, $0x17  }
0x231: {  	v7 =	vshrl.u32 v7, $0xF;
	vm0 =	veq.s32 v8, v6  }
0x232: {  	v7 =	vand.u32 $0xFF, v7;
	_ =	sdelay $0x4  }
0x233: {  	[tilespmem:v7+s13+$0x0] =	vst.idx.add.s32.msk vm0, v2  }
0x234: {  	v7 =	vld [tilespmem:s1+$0x1010];
	_ =	sdelay $0x4  }
0x235: {  	v7 =	vadd.s32 $0x3F800001, v7  }
0x236: {  	v8 =	vshra.s32 v7, $0x17  }
0x237: {  	v7 =	vshrl.u32 v7, $0xF;
	vm9 =	veq.s32 v8, v6  }
0x238: {  	v7 =	vand.u32 $0xFF, v7;
	_ =	sdelay $0x4  }
0x239: {  	[tilespmem:v7+s13+$0x0] =	vst.idx.add.s32.msk vm9, v2  }
0x23a: {  	v7 =	vld [tilespmem:s1+$0x1020];
	_ =	sdelay $0x4  }
0x23b: {  	v7 =	vadd.s32 $0x3F800001, v7  }
0x23c: {  	v8 =	vshra.s32 v7, $0x17  }
0x23d: {  	v7 =	vshrl.u32 v7, $0xF;
	vm10 =	veq.s32 v8, v6  }
0x23e: {  	v7 =	vand.u32 $0xFF, v7;
	_ =	sdelay $0x4  }
0x23f: {  	[tilespmem:v7+s13+$0x0] =	vst.idx.add.s32.msk vm10, v2  }
0x240: {  	v7 =	vld [tilespmem:s1+$0x1030];
	_ =	sdelay $0x4  }
0x241: {  	v7 =	vadd.s32 $0x3F800001, v7  }
0x242: {  	v8 =	vshra.s32 v7, $0x17  }
0x243: {  	v7 =	vshrl.u32 v7, $0xF;
	vm11 =	veq.s32 v8, v6  }
0x244: {  	v7 =	vand.u32 $0xFF, v7;
	_ =	sdelay $0x4  }
0x245: {  	[tilespmem:v7+s13+$0x0] =	vst.idx.add.s32.msk vm11, v2  }
0x246: {  	v7 =	vld [tilespmem:s1+$0x1040];
	_ =	sdelay $0x4  }
0x247: {  	v7 =	vadd.s32 $0x3F800001, v7  }
0x248: {  	v8 =	vshra.s32 v7, $0x17  }
0x249: {  	v7 =	vshrl.u32 v7, $0xF;
	vm12 =	veq.s32 v8, v6  }
0x24a: {  	v7 =	vand.u32 $0xFF, v7;
	_ =	sdelay $0x4  }
0x24b: {  	[tilespmem:v7+s13+$0x0] =	vst.idx.add.s32.msk vm12, v2  }
0x24c: {  	v7 =	vld [tilespmem:s1+$0x1050];
	_ =	sdelay $0x4  }
0x24d: {  	v7 =	vadd.s32 $0x3F800001, v7  }
0x24e: {  	v8 =	vshra.s32 v7, $0x17  }
0x24f: {  	v7 =	vshrl.u32 v7, $0xF;
	vm13 =	veq.s32 v8, v6  }
0x250: {  	v7 =	vand.u32 $0xFF, v7;
	_ =	sdelay $0x4  }
0x251: {  	[tilespmem:v7+s13+$0x0] =	vst.idx.add.s32.msk vm13, v2  }
0x252: {  	v7 =	vld [tilespmem:s1+$0x1060];
	_ =	sdelay $0x4  }
0x253: {  	v7 =	vadd.s32 $0x3F800001, v7  }
0x254: {  	v8 =	vshra.s32 v7, $0x17  }
0x255: {  	v7 =	vshrl.u32 v7, $0xF;
	vm14 =	veq.s32 v8, v6  }
0x256: {  	v7 =	vand.u32 $0xFF, v7;
	_ =	sdelay $0x4  }
0x257: {  	[tilespmem:v7+s13+$0x0] =	vst.idx.add.s32.msk vm14, v2  }
0x258: {  	v7 =	vld [tilespmem:s1+$0x1070];
	_ =	sdelay $0x4  }
0x259: {  	v7 =	vadd.s32 $0x3F800001, v7  }
0x25a: {  	v8 =	vshra.s32 v7, $0x17  }
0x25b: {  	v7 =	vshrl.u32 v7, $0xF;
	vm15 =	veq.s32 v8, v6  }
0x25c: {  	p0 =	sne.s32 s0, $0x3E00;
	v7 =	vand.u32 $0xFF, v7  }
.Ltmp6:
0x25d: {  	_ = 	snop;
	(pc) =	sbr.rel @p0 .LBB2_15-.Ltmp6, $2  }
0x25e: {  	_ =	sdelay $0x2  }
0x25f: {  	s0 =	sadd.s32 $0x200, s0;
	[tilespmem:v7+s13+$0x0] =	vst.idx.add.s32.msk vm15, v2  }
0x260: {  	s0 =	simm.s32 $0x21F0  }
0x261: {  	v6 =	vld [tilespmem:s0+$0x0];
	_ =	sdelay $0x3  }
0x262: {  	s19 =	simm.s32 $0x21E0  }
0x263: {  	v7 =	vld [tilespmem:s19+$0x0];
	(xrf0) =	vadd.scan.msk.s32 $0xffff, v6;
	_ =	sdelay $0x1  }
0x264: {  	v6 =	vperm.xlane v6, v3;
	_ =	sdelay $0x2  }
0x265: {  	(xrf0) =	vadd.scan.msk.s32 $0xffff, v7  }
0x266: {  	(xrf0) =	vadd.scan.msk.s32 $0xffff, v6;
	v6, _, _ =	vpop (xrf0)  }
0x267: {  	(v2sf) =	vpush v6, $0xF;
	_ =	sdelay $0x1  }
0x268: {  	s24 =	simm.s32 $0x21D0  }
0x269: {  	v8 =	vld [tilespmem:s24+$0x0];
	_ =	sdelay $0x1  }
0x26a: {  	v9, _, _ =	vpop (xrf0)  }
0x26b: {  	s1 =	ssub.s32 $0x19A, s25;
	s0 =	simm.s32 $0x0;
	v10, _, _ =	vpop (xrf0);
	(v2sf) =	vpush v9, $0xF  }
0x26c: {  	v7 =	vperm.xlane v7, v3;
	v6 =	vmov s1;
	v10 =	vadd.s32 s0, v10  }
0x26d: {  	(xrf0) =	vadd.scan.msk.s32 $0xffff, v8;
	vm0 =	vlt.s32 v10, v6  }
0x26e: {  	s25 =	simm.s32 $0x21C0;
	(xrf0) =	vadd.scan.msk.s32 $0xffff, v7;
	v7 =	vsel vm0, $0x7FFFFFFF, v4  }
0x26f: {  	(xrf0) =	vmax.scan.msk.u32 $0xffff, v7;
	v7 =	vld [tilespmem:s25+$0x0];
	_ =	sdelay $0x3  }
0x270: {  	v8 =	vperm.xlane v8, v3;
	v55, _, _ =	vpop (xrf0)  }
0x271: {  	v56, _, _ =	vpop (xrf0);
	(xrf0) =	vadd.scan.msk.s32 $0xffff, v7;
	s26 =	spop (v2sf)  }
0x272: {  	(v2sf) =	vpush v55, $0xF;
	v57, _, _ =	vpop (xrf0);
	(xrf0) =	vadd.scan.msk.s32 $0xffff, v8;
	s1 =	sadd.s32 $0x0, s26  }
0x273: {  	(v2sf) =	vpush v57, $0xF;
	v58 =	vadd.s32 s1, v56  }
0x274: {  	s2 =	simm.s32 $0x21B0;
	vm13 =	vlt.s32 v58, v6  }
0x275: {  	v8 =	vld [tilespmem:s2+$0x0];
	v9 =	vsel vm13, $0x7FFFFFFF, v4  }
0x276: {  	(xrf0) =	vmax.scan.msk.u32 $0xffff, v9  }
0x277: {  	s28 =	spop (v2sf);
	v59, _, _ =	vpop (xrf0)  }
0x278: {  	s1 =	sadd.s32 s1, s28;
	v60, _, _ =	vpop (xrf0)  }
0x279: {  	v7 =	vperm.xlane v7, v3;
	v10 =	vadd.s32 s1, v60  }
0x27a: {  	vm14 =	vlt.s32 v10, v6;
	(xrf0) =	vadd.scan.msk.s32 $0xffff, v8  }
0x27b: {  	(xrf0) =	vadd.scan.msk.s32 $0xffff, v7;
	v7 =	vsel vm14, $0x7FFFFFFF, v4  }
0x27c: {  	(v2sf) =	vpush v59, $0xF;
	(xrf0) =	vmax.scan.msk.u32 $0xffff, v7;
	v61, _, _ =	vpop (xrf0)  }
0x27d: {  	(v2sf) =	vpush v61, $0xF;
	_ =	sdelay $0x2  }
0x27e: {  	s29 =	simm.s32 $0x21A0;
	v11, _, _ =	vpop (xrf0)  }
0x27f: {  	s30 =	spop (v2sf);
	v7 =	vld [tilespmem:s29+$0x0];
	v12, _, _ =	vpop (xrf0)  }
0x280: {  	s31 =	spop (v2sf);
	(v2sf) =	vpush v11, $0xF;
	v63, _, _ =	vpop (xrf0)  }
0x281: {  	(v2sf) =	vpush v63, $0xF  }
0x282: {  	s16 =	sadd.s32 s1, s30  }
0x283: {  	s15 =	simm.s32 $0xE0;
	s7 =	simm.s32 $0xD0;
	s6 =	simm.s32 $0xC0;
	v8 =	vperm.xlane v8, v3;
	v62 =	vadd.s32 s16, v12  }
0x284: {  	s5 =	simm.s32 $0xB0;
	s3 =	simm.s32 $0x0;
	p1 =	por $0x1, $0x1;
	(xrf0) =	vadd.scan.msk.s32 $0xffff, v7;
	vm15 =	vlt.s32 v62, v6  }
0x285: {  	s8 =	simm.s32 $0x2190;
	p0 =	slt.s32 s31, $0x0;
	s2 =	sadd.s32 $0xF0, s31;
	(xrf0) =	vadd.scan.msk.s32 $0xffff, v8;
	v8 =	vsel vm15, $0x7FFFFFFF, v4  }
0x286: {  	s9 =	simm.s32 $0x90;
	s3 =	smov.u32 @p0 s2;
	s2 =	simm.s32 $0x0;
	(xrf0) =	vmax.scan.msk.u32 $0xffff, v8  }
0x287: {  	s19 =	simm.s32 $0x80;
	s1 =	simm.s32 $0xA0;
	s2 =	smov.u32 @p1 s3  }
.LBB2_17:
0x288: {  	v8 =	vld [tilespmem:s8+$0x0];
	p1 =	sne.s32 s9, $0x0  }
0x289: {  	s3 =	spop (v2sf)  }
0x28a: {  	s0 =	simm.s32 @p0 $0x1;
	v9, _, _ =	vpop (xrf0);
	s16 =	sadd.s32 s16, s3;
	s3 =	spop (v2sf)  }
0x28b: {  	v10, _, _ =	vpop (xrf0);
	s4 =	sadd.s32 s15, s3;
	p0 =	slt.s32 s3, $0x0;
	s3 =	smov.u32 s2  }
.Ltmp7:
0x28c: {  	v11 =	vperm.xlane v7, v3;
	p2 =	seq.s32 s0, $0x0;
	(v2sf) =	vpush v9, $0xF;
	v10 =	vadd.s32 s16, v10;
	v9, _, _ =	vpop (xrf0);
	s3 =	smov.u32 @p0 s4;
	(pc) =	sbr.rel @p1 .LBB2_17-.Ltmp7, $4  }
0x28d: {  	s15 =	smov.u32 s7;
	s7 =	smov.u32 s6;
	(xrf0) =	vadd.scan.msk.s32 $0xffff, v8;
	vm0 =	vlt.s32 v10, v6;
	(v2sf) =	vpush v9, $0xF;
	s2 =	smov.u32 @p2 s3;
	v7 =	vmov v8  }
0x28e: {  	s6 =	smov.u32 s5;
	s5 =	smov.u32 s1;
	s1 =	smov.u32 s9;
	(xrf0) =	vadd.scan.msk.s32 $0xffff, v11;
	v8 =	vsel vm0, $0x7FFFFFFF, v4  }
0x28f: {  	(xrf0) =	vmax.scan.msk.u32 $0xffff, v8  }
0x290: {  	s8 =	sadd.s32 $0xFFFFFFF0, s8;
	s9 =	sadd.s32 $0xFFFFFFF0, s9  }
0x291: {  	_ =	sdelay $0x2  }
0x292: {  	v7 =	vperm.xlane v7, v3;
	_ =	sdelay $0x1  }
0x293: {  	(xrf0) =	vadd.scan.msk.s32 $0xffff, v7;
	_ =	sdelay $0x1  }
0x294: {  	s3 =	spop (v2sf);
	v7, _, _ =	vpop (xrf0)  }
0x295: {  	s3 =	sadd.s32 s16, s3;
	v8, _, _ =	vpop (xrf0)  }
0x296: {  	s4 =	spop (v2sf);
	v8 =	vadd.s32 s3, v8  }
0x297: {  	v9, _, _ =	vpop (xrf0);
	vm0 =	vlt.s32 v8, v6;
	s8 =	spop (v2sf)  }
0x298: {  	v8 =	vsel vm0, $0x7FFFFFFF, v4;
	v10, _, _ =	vpop (xrf0);
	s3 =	sadd.s32 s3, s8  }
0x299: {  	(xrf0) =	vmax.scan.msk.u32 $0xffff, v8;
	v63 =	vadd.s32 s3, v10  }
0x29a: {  	vm13 =	vlt.s32 v63, v6  }
0x29b: {  	v6 =	vsel vm13, $0x7FFFFFFF, v4  }
0x29c: {  	(v2sf) =	vpush v7, $0xF;
	(xrf0) =	vmax.scan.msk.u32 $0xffff, v6  }
0x29d: {  	(v2sf) =	vpush v9, $0xF;
	_ =	sdelay $0x1  }
0x29e: {  	v6, _, _ =	vpop (xrf0)  }
0x29f: {  	(v2sf) =	vpush v6, $0xF;
	_ =	sdelay $0x1  }
0x2a0: {  	v6, _, _ =	vpop (xrf0)  }
0x2a1: {  	(v2sf) =	vpush v6, $0xF;
	_ =	sdelay $0x2  }
0x2a2: {  	s0 =	simm.s32 @p0 $0x1  }
0x2a3: {  	p1 =	slt.s32 s4, $0x0;
	s3 =	sadd.s32 s15, s4;
	s4 =	smov.u32 s2  }
0x2a4: {  	p0 =	seq.s32 s0, $0x0;
	s4 =	smov.u32 @p1 s3  }
0x2a5: {  	s0 =	simm.s32 @p1 $0x1;
	s15 =	spop (v2sf);
	s2 =	smov.u32 @p0 s4  }
0x2a6: {  	s3 =	sadd.s32 s7, s15;
	p0 =	slt.s32 s15, $0x0;
	s4 =	smov.u32 s2  }
0x2a7: {  	p1 =	seq.s32 s0, $0x0;
	s4 =	smov.u32 @p0 s3;
	s16 =	spop (v2sf)  }
0x2a8: {  	s0 =	simm.s32 @p0 $0x1;
	s2 =	smov.u32 @p1 s4;
	s3 =	spop (v2sf)  }
0x2a9: {  	s4 =	smov.u32 s2;
	p1 =	slt.s32 s3, $0x0;
	s3 =	sadd.s32 s6, s3  }
0x2aa: {  	p0 =	seq.s32 s0, $0x0;
	s4 =	smov.u32 @p1 s3  }
0x2ab: {  	s0 =	simm.s32 @p1 $0x1;
	s2 =	smov.u32 @p0 s4;
	s17 =	spop (v2sf)  }
0x2ac: {  	s4 =	smov.u32 s2;
	p0 =	slt.s32 s17, $0x0;
	s3 =	sadd.s32 s5, s17  }
0x2ad: {  	p1 =	seq.s32 s0, $0x0;
	s4 =	smov.u32 @p0 s3  }
0x2ae: {  	s0 =	simm.s32 @p0 $0x1;
	s2 =	smov.u32 @p1 s4;
	s24 =	spop (v2sf)  }
0x2af: {  	s3 =	smov.u32 s2;
	p1 =	slt.s32 s24, $0x0;
	s1 =	sadd.s32 s1, s24  }
0x2b0: {  	s28 =	rddreg [dreg:$0x8];
	p0 =	seq.s32 s0, $0x0;
	s3 =	smov.u32 @p1 s1  }
0x2b1: {  	s29 =	sand.u32 $0xF, s22;
	s30 =	sshll.u32 s23, $0x17;
	s2 =	smov.u32 @p0 s3  }
0x2b2: {  	s1 =	sand.u32 $0xE, s28;
	p0 =	sne.s32 s29, $0xF;
	s2 =	sshll.u32 s2, $0xF  }
0x2b3: {  	v6 =	vmov s1;
	s1 =	sor.u32 s30, s2;
	s2 =	sshll.u32 @!p0 s18, $0x1;
	s18 =	sadd.s32 $0x1, s18  }
0x2b4: {  	s25 =	sshll.u32 s20, $0x17;
	s26 =	sshll.u32 s21, $0xF;
	p1 =	sne.s32 s18, $0x30  }
.Ltmp8:
0x2b5: {  	s0 =	sor.u32 s25, s26;
	(pc) =	sbr.rel @p1 .LBB2_2-.Ltmp8, $4  }
0x2b6: {  	s0 =	sadd.s32 $0xC07FFFFF, s0;
	vm14 =	veq.s32 v6, v0;
	v6 =	vmov s29  }
0x2b7: {  	v5 =	vsel vm14, s0, v5;
	vm15 =	veq.s32 v6, v0;
	s31 =	sadd.s32 $0xC07FFFFF, s1  }
0x2b8: {  	s0 =	sand.u32 @!p0 $0x70, s2;
	v5 =	vsel vm15, s31, v5  }
0x2b9: {  	s4 =	rddreg [dreg:$0x3];
	[tilespmem:s0+$0x2200] =	vst @!p0 v5  }
0x2ba: {  	s0 =	simm.s32 $0x1  }
0x2bb: {  	_ =	swait.ge [sflag:s0], $0x1000  }
0x2bc: {  	s3 =	simm.s32 $0x0;
	s1 =	simm.s32 $0x2200;
	[sflag:s0] =	ssyncset.done $0x0  }
0x2bd: {  	s30 =	simm.s32 $0x3;
	s29 =	rddreg [dreg:$0x5];
	[sflag:s0] =	ssyncadd.s32 $0xFFFFF000  }
0x2be: {  	[hbm4b:s29+s3] =	stream.linear.scatter [tilespmem:s1], [sflag:$0x3], $0x60, $0x38;
	[tilespmem:$0x2280] =	vst v63  }
0x2bf: {  	_ =	swait.ge [sflag:s30], $0x60  }
0x2c0: {  	s2 =	rddreg [dreg:$0x7]  }
0x2c1: {  	s31 =	rddreg [dreg:$0x6];
	s2 =	sadd.s32 $0x1, s2  }
0x2c2: {  	p0 =	sne.s32 s2, s31  }
.Ltmp9:
0x2c3: {  	_ = 	snop;
	(pc) =	sbr.rel @p0 .LBB2_1-.Ltmp9, $3  }
0x2c4: {  	_ =	sdelay $0x1  }
0x2c5: {  	[sflag:s30] =	ssyncset.done $0x0  }
0x2c6: {  	[sflag:s30] =	ssyncadd.s32 $0xFFFFFFA0  }
0x2c7: {  	_ =	sfence.sel $0x180000  }
0x2c8: {  	[bflag:$0x0] =	sbarrier.arrive $0xFFFF  }
0x2c9: {  	_ =	strace $0x90000047  }
0x2ca: {  	s0 =	stileid.u32;
	[bflag:$0x2] =	sbarrier.arrive $0xFFFF  }
0x2cb: {  	p0 =	sne.s32 s0, $0x0;
	s0 =	rddreg [dreg:$0x2]  }
0x2cc: {  	s0 =	sadd.s32 @!p0 $0x100000, s0  }
0x2cd: {  	[sflag:s0] =	ssyncadd.tile.s32 @!p0 $0x1;
	_ =	shalt  }
.Lfunc_end2:
_tile_overlayer_lowered:
.L_overlay_start_2:
0x2ce: {  	(tag) =	ssettag $0x2  }
0x2cf: {  	s0 =	rddreg [dreg:$0x0];
	s2 =	stileid.u32  }
0x2d0: {  	s1 =	rddreg [dreg:$0x1];
	p0 =	sne.s32 s2, $0x0  }
0x2d1: {  	s3 =	rddreg [dreg:$0x2];
	[bflag:$0x3] =	sbarrier.arrive $0xFFFF;
	s2 =	simm.s32 @!p0 $0x1C03  }
0x2d2: {  	[timem:s3], [sflag:s2] =	dma.local @!p0 [hbm:s0], s1  }
0x2d3: {  	s0 =	simm.s32 @!p0 $0x3  }
0x2d4: {  	_ =	swait.ge @!p0 [sflag:s0], s1  }
0x2d5: {  	s1 =	ssub.s32 @!p0 $0x0, s1;
	[sflag:s0] =	ssyncset.done @!p0 $0x0  }
0x2d6: {  	[sflag:s0] =	ssyncadd.s32 @!p0 s1  }
0x2d7: {  	[bflag:$0x3] =	sbarrier.arrive $0xFFFF  }
0x2d8: {  	_ =	shalt  }

</sc_bundles>
